<compile_context>
chip_gen: v7x
topology: tpu7x:2x2x1
jax: 0.10.2.dev20260603
libtpu: 0.0.44.dev20260713+nightly
codegen_flags: <defaults>
</compile_context>

<pallas_src>
import functools
import math

import jax
import jax.numpy as jnp
from jax import lax
from jax.experimental import pallas as pl
from jax.experimental.pallas import tpu as pltpu
from jax.experimental.pallas import tpu_sc as plsc

NC = 2
NS = 16
L = 16
NW = NC * NS

PI = 3.14159265358979323846
HALF_PI = 1.57079632679489661923
PIO2_HI = 1.57079637050628662109375
PIO2_LO = -4.37113900018624283e-08
TWO_OVER_PI = 0.636619772367581343

_ATAN_C = (0.9999999, -0.33332524, 0.19984885, -0.14154807, 0.10477539,
           -0.07194384, 0.03934541, -0.01415235, 0.00239814)


def _rsqrt(s):
    i = lax.bitcast_convert_type(s, jnp.int32)
    i = jnp.int32(0x5F3759DF) - lax.shift_right_logical(i, jnp.ones_like(i))
    y = lax.bitcast_convert_type(i, jnp.float32)
    for _ in range(3):
        y = y * (1.5 - 0.5 * s * y * y)
    return y


def _sqrt(s):
    return s * _rsqrt(jnp.maximum(s, 1e-30))


def _atan2(y, x):
    ay = jnp.abs(y)
    ax = jnp.abs(x)
    swap = ay > ax
    num = jnp.where(swap, ax, ay)
    den = jnp.where(swap, ay, ax)
    t = num / jnp.maximum(den, 1e-37)
    z = t * t
    p = jnp.full_like(t, _ATAN_C[-1])
    for c in _ATAN_C[-2::-1]:
        p = p * z + c
    p = p * t
    p = jnp.where(swap, HALF_PI - p, p)
    p = jnp.where(x < 0.0, PI - p, p)
    return jnp.where(y < 0.0, -p, p)


def _acos(c):
    s2 = jnp.maximum(1.0 - c * c, 0.0)
    return _atan2(_sqrt(s2), c)


def _round_i32(x):
    m = x.astype(jnp.int32)
    d = x - m.astype(jnp.float32)
    m = m + jnp.where(d >= 0.5, 1, 0)
    return m + jnp.where(d <= -0.5, -1, 0)


def _cos(x):
    n = _round_i32(x * TWO_OVER_PI)
    nf = n.astype(jnp.float32)
    r = x - nf * PIO2_HI
    r = r - nf * PIO2_LO
    z = r * r
    cos_r = 1.0 + z * (-0.5 + z * (1.0 / 24.0 + z * (-1.0 / 720.0 + z * (1.0 / 40320.0))))
    sin_r = r * (1.0 + z * (-1.0 / 6.0 + z * (1.0 / 120.0 + z * (-1.0 / 5040.0))))
    q = jnp.bitwise_and(n, 3)
    mag = jnp.where(jnp.bitwise_and(q, 1) == 0, cos_r, sin_r)
    neg = jnp.logical_or(q == 1, q == 2)
    return jnp.where(neg, -mag, mag)


def _bond_e(pi_, pj, a0, a1):
    dx = pi_[0] - pj[0]
    dy = pi_[1] - pj[1]
    dz = pi_[2] - pj[2]
    bl = _sqrt(dx * dx + dy * dy + dz * dz)
    d = bl - 2.0 * a0
    return a1 * d * d


def _angle_e(pi_, pj, pk, a0, a1):
    ax = pi_[0] - pj[0]
    ay = pi_[1] - pj[1]
    az = pi_[2] - pj[2]
    bx = pk[0] - pj[0]
    by = pk[1] - pj[1]
    bz = pk[2] - pj[2]
    dot = ax * bx + ay * by + az * bz
    na = jnp.maximum(_sqrt(ax * ax + ay * ay + az * az), 1e-6)
    nb = jnp.maximum(_sqrt(bx * bx + by * by + bz * bz), 1e-6)
    c = dot / (na * nb)
    c = jnp.minimum(jnp.maximum(c, -1.0), 1.0)
    theta = _acos(c)
    d = theta - a0 * PI
    return a1 * d * d


def _dihedral_e(pi_, pj, pk, pl_, a0, a1, a2):
    b1x = pj[0] - pi_[0]
    b1y = pj[1] - pi_[1]
    b1z = pj[2] - pi_[2]
    b2x = pk[0] - pj[0]
    b2y = pk[1] - pj[1]
    b2z = pk[2] - pj[2]
    b3x = pl_[0] - pk[0]
    b3y = pl_[1] - pk[1]
    b3z = pl_[2] - pk[2]
    n1x = b1y * b2z - b1z * b2y
    n1y = b1z * b2x - b1x * b2z
    n1z = b1x * b2y - b1y * b2x
    n2x = b2y * b3z - b2z * b3y
    n2y = b2z * b3x - b2x * b3z
    n2z = b2x * b3y - b2y * b3x
    i1 = 1.0 / jnp.maximum(_sqrt(n1x * n1x + n1y * n1y + n1z * n1z), 1e-6)
    i2 = 1.0 / jnp.maximum(_sqrt(n2x * n2x + n2y * n2y + n2z * n2z), 1e-6)
    n1x = n1x * i1
    n1y = n1y * i1
    n1z = n1z * i1
    n2x = n2x * i2
    n2y = n2y * i2
    n2z = n2z * i2
    cos_phi = n1x * n2x + n1y * n2y + n1z * n2z
    cos_phi = jnp.minimum(jnp.maximum(cos_phi, -1.0), 1.0)
    ib = 1.0 / jnp.maximum(_sqrt(b2x * b2x + b2y * b2y + b2z * b2z), 1e-6)
    ux = b2x * ib
    uy = b2y * ib
    uz = b2z * ib
    mx = n1y * uz - n1z * uy
    my = n1z * ux - n1x * uz
    mz = n1x * uy - n1y * ux
    sin_phi = mx * n2x + my * n2y + mz * n2z
    phi = _atan2(sin_phi, cos_phi)
    per = _round_i32(a1 * 6.0).astype(jnp.float32)
    phase = a2 * (2.0 * PI)
    return a0 * (1.0 + _cos(per * phi - phase))


def _make_sc_call(E, C):
    per_w = E // NW
    nch = per_w // C
    nv = C // L
    mesh = plsc.VectorSubcoreMesh(
        core_axis_name="c", subcore_axis_name="s",
        num_cores=NC, num_subcores=NS)

    @functools.partial(
        pl.kernel,
        out_type=jax.ShapeDtypeStruct((NW * L,), jnp.float32),
        mesh=mesh,
        compiler_params=pltpu.CompilerParams(
            needs_layout_passes=False, use_tc_tiling_on_sc=False),
        scratch_types=[
            pltpu.VMEM((C,), jnp.int32),
            pltpu.VMEM((C,), jnp.int32),
            pltpu.VMEM((C,), jnp.int32),
            pltpu.VMEM((C,), jnp.int32),
            pltpu.VMEM((C,), jnp.float32),
            pltpu.VMEM((C,), jnp.float32),
            pltpu.VMEM((C,), jnp.float32),
            pltpu.VMEM((C, 3), jnp.float32),
            pltpu.VMEM((C, 3), jnp.float32),
            pltpu.VMEM((C, 3), jnp.float32),
            pltpu.VMEM((C, 3), jnp.float32),
            pltpu.VMEM((L,), jnp.float32),
            pltpu.SemaphoreType.DMA,
        ],
    )
    def sc_call(pos, ei0, ei1, ea0, ea1, ti0, ti1, ti2, ta0, ta1,
                qi0, qi1, qi2, qi3, qa0, qa1, qa2, out,
                idx0, idx1, idx2, idx3, at0, at1, at2,
                rows0, rows1, rows2, rows3, acc_v, sem):
        w = lax.axis_index("s") * NC + lax.axis_index("c")
        base_w = w * per_w
        iota = lax.broadcasted_iota(jnp.int32, (L,), 0)
        zc = jnp.zeros((L,), jnp.int32)
        idxbufs = [idx0, idx1, idx2, idx3]
        atbufs = [at0, at1, at2]
        rowbufs = [rows0, rows1, rows2, rows3]

        def point(rows, r):
            return (plsc.load_gather(rows, [r, zc]),
                    plsc.load_gather(rows, [r, zc + 1]),
                    plsc.load_gather(rows, [r, zc + 2]))

        def phase(acc, idx_hbm, attr_hbm, efn):
            ni, na = len(idx_hbm), len(attr_hbm)

            def chunk(c, acc):
                base = base_w + c * C
                for h, b in zip(idx_hbm, idxbufs):
                    pltpu.sync_copy(h.at[pl.ds(base, C)], b)
                for h, b in zip(attr_hbm, atbufs):
                    pltpu.sync_copy(h.at[pl.ds(base, C)], b)
                ds = [pltpu.async_copy(pos.at[b], rb, sem)
                      for b, rb in zip(idxbufs[:ni], rowbufs[:ni])]
                for d in ds:
                    d.wait()

                def inner(t, acc):
                    r = t * L + iota
                    pts = [point(rb, r) for rb in rowbufs[:ni]]
                    ats = [plsc.load_gather(b, [r]) for b in atbufs[:na]]
                    return acc + efn(*pts, *ats)

                return lax.fori_loop(0, nv, inner, acc)

            return lax.fori_loop(0, nch, chunk, acc)

        acc = jnp.zeros((L,), jnp.float32)
        acc = phase(acc, [ei0, ei1], [ea0, ea1], _bond_e)
        acc = phase(acc, [ti0, ti1, ti2], [ta0, ta1], _angle_e)
        acc = phase(acc, [qi0, qi1, qi2, qi3], [qa0, qa1, qa2], _dihedral_e)
        acc_v[...] = acc
        pltpu.sync_copy(acc_v, out.at[pl.ds(w * L, L)])

    return sc_call


def kernel(pos, edge_index, edge_attr, triple_index, triple_attr,
           quadra_index, quadra_attr):
    E = edge_index.shape[1]
    assert E % (NW * 8) == 0
    per_w = E // NW
    C = 2000
    if per_w % C != 0:
        C = 8
        for cand in range(min(per_w, 2048), 7, -8):
            if per_w % cand == 0:
                C = cand
                break
    sc_call = _make_sc_call(E, C)
    partials = sc_call(pos,
                       edge_index[0], edge_index[1],
                       edge_attr[:, 0], edge_attr[:, 1],
                       triple_index[0], triple_index[1], triple_index[2],
                       triple_attr[:, 0], triple_attr[:, 1],
                       quadra_index[0], quadra_index[1], quadra_index[2],
                       quadra_index[3],
                       quadra_attr[:, 0], quadra_attr[:, 1],
                       quadra_attr[:, 2])
    return jnp.sum(partials) / jnp.float32(E)

# --- scband reference (transcript-rebuilt; emitter-appended) ---
"""Pipeline reference for scband-physics-constraint-loss-45973329936789 (READ-ONLY COPY).

The authoritative reference and input builder live on the scoring server;
editing this copy changes nothing except your own understanding.
"""

import jax, jax.numpy as jnp
import numpy as np
import math


def setup_inputs(seed: int = 0) -> dict:
    key = jax.random.key(seed)
    ks = jax.random.split(key, 8)
    N = 50000
    E = 1600000
    pos = jax.random.normal(ks[0], (N, 3), dtype=jnp.float32)
    edge_index = jax.random.randint(ks[1], (2, E), 0, N, dtype=jnp.int32)
    edge_attr = jax.random.uniform(ks[2], (E, 2), dtype=jnp.float32)
    triple_index = jax.random.randint(ks[3], (3, E), 0, N, dtype=jnp.int32)
    triple_attr = jax.random.uniform(ks[4], (E, 2), dtype=jnp.float32)
    quadra_index = jax.random.randint(ks[5], (4, E), 0, N, dtype=jnp.int32)
    quadra_attr = jax.random.uniform(ks[6], (E, 3), dtype=jnp.float32)
    return {
        "pos": pos,
        "edge_index": edge_index,
        "edge_attr": edge_attr,
        "triple_index": triple_index,
        "triple_attr": triple_attr,
        "quadra_index": quadra_index,
        "quadra_attr": quadra_attr,
    }


def _bond_energy(pos, edge_index, edge_attr):
    i = edge_index[0]
    j = edge_index[1]
    bond_vectors = pos[i] - pos[j]
    bond_lengths = jnp.linalg.norm(bond_vectors, axis=-1)
    r_eq = edge_attr[:, 0] * 2.0
    k = edge_attr[:, 1] * 500.0
    energy = k / 500.0 * (bond_lengths - r_eq) ** 2
    return energy.mean()


def _angle_energy(pos, triple_index, triple_attr):
    i = triple_index[0]
    j = triple_index[1]
    k_idx = triple_index[2]
    vec_ji = pos[i] - pos[j]
    vec_jk = pos[k_idx] - pos[j]
    dot_product = (vec_ji * vec_jk).sum(axis=-1)
    norm_ji = jnp.clip(jnp.linalg.norm(vec_ji, axis=-1), 1e-06, None)
    norm_jk = jnp.clip(jnp.linalg.norm(vec_jk, axis=-1), 1e-06, None)
    cos_theta = dot_product / (norm_ji * norm_jk)
    cos_theta = jnp.clip(cos_theta, -1.0, 1.0)
    theta = jnp.arccos(cos_theta)
    theta_eq_degrees = triple_attr[:, 0] * 180.0
    theta_eq = theta_eq_degrees * (math.pi / 180.0)
    k = triple_attr[:, 1] * 200.0
    energy = k / 200.0 * (theta - theta_eq) ** 2
    return energy.mean()


def _dihedral_energy(pos, quadra_index, quadra_attr):
    i = quadra_index[0]
    j = quadra_index[1]
    k_idx = quadra_index[2]
    l = quadra_index[3]
    b1 = pos[j] - pos[i]
    b2 = pos[k_idx] - pos[j]
    b3 = pos[l] - pos[k_idx]
    n1 = jnp.cross(b1, b2)
    n2 = jnp.cross(b2, b3)
    n1_norm = jnp.clip(jnp.linalg.norm(n1, axis=-1, keepdims=True), 1e-06, None)
    n2_norm = jnp.clip(jnp.linalg.norm(n2, axis=-1, keepdims=True), 1e-06, None)
    n1 = n1 / n1_norm
    n2 = n2 / n2_norm
    cos_phi = (n1 * n2).sum(axis=-1)
    cos_phi = jnp.clip(cos_phi, -1.0, 1.0)
    b2_norm = jnp.clip(jnp.linalg.norm(b2, axis=-1, keepdims=True), 1e-06, None)
    b2_normalized = b2 / b2_norm
    m = jnp.cross(n1, b2_normalized)
    sin_phi = (m * n2).sum(axis=-1)
    phi = jnp.arctan2(sin_phi, cos_phi)
    phi_k = quadra_attr[:, 0] * 20.0
    periodicity = jnp.round(quadra_attr[:, 1] * 6.0)
    phase = quadra_attr[:, 2] * (2 * math.pi)
    energy = phi_k / 20.0 * (1 + jnp.cos(periodicity * phi - phase))
    return energy.mean()


def reference(pos, edge_index, edge_attr, triple_index, triple_attr, quadra_index, quadra_attr):
    total_loss = 0.0
    total_loss = total_loss + _bond_energy(pos, edge_index, edge_attr)
    total_loss = total_loss + _angle_energy(pos, triple_index, triple_attr)
    total_loss = total_loss + _dihedral_energy(pos, quadra_index, quadra_attr)
    return total_loss

if __name__ == "__main__":
    import jax
    _d = setup_inputs()
    print(jax.jit(kernel)(*tuple(_d.values())))

</pallas_src>

<mosaic_0001>
#map = affine_map<(d0, d1) -> (0, 0)>
#map1 = affine_map<(d0, d1) -> (0)>
module attributes {stable_mosaic.version = 14 : i64} {
  func.func @sc_call(%arg0: i32, %arg1: i32, %arg2: memref<50000x3xf32, #tpu.memory_space<hbm>>, %arg3: memref<1600000xi32, #tpu.memory_space<hbm>>, %arg4: memref<1600000xi32, #tpu.memory_space<hbm>>, %arg5: memref<1600000xf32, #tpu.memory_space<hbm>>, %arg6: memref<1600000xf32, #tpu.memory_space<hbm>>, %arg7: memref<1600000xi32, #tpu.memory_space<hbm>>, %arg8: memref<1600000xi32, #tpu.memory_space<hbm>>, %arg9: memref<1600000xi32, #tpu.memory_space<hbm>>, %arg10: memref<1600000xf32, #tpu.memory_space<hbm>>, %arg11: memref<1600000xf32, #tpu.memory_space<hbm>>, %arg12: memref<1600000xi32, #tpu.memory_space<hbm>>, %arg13: memref<1600000xi32, #tpu.memory_space<hbm>>, %arg14: memref<1600000xi32, #tpu.memory_space<hbm>>, %arg15: memref<1600000xi32, #tpu.memory_space<hbm>>, %arg16: memref<1600000xf32, #tpu.memory_space<hbm>>, %arg17: memref<1600000xf32, #tpu.memory_space<hbm>>, %arg18: memref<1600000xf32, #tpu.memory_space<hbm>>, %arg19: memref<512xf32, #tpu.memory_space<hbm>>, %arg20: memref<2000xi32, #tpu.memory_space<vmem>>, %arg21: memref<2000xi32, #tpu.memory_space<vmem>>, %arg22: memref<2000xi32, #tpu.memory_space<vmem>>, %arg23: memref<2000xi32, #tpu.memory_space<vmem>>, %arg24: memref<2000xf32, #tpu.memory_space<vmem>>, %arg25: memref<2000xf32, #tpu.memory_space<vmem>>, %arg26: memref<2000xf32, #tpu.memory_space<vmem>>, %arg27: memref<2000x3xf32, #tpu.memory_space<vmem>>, %arg28: memref<2000x3xf32, #tpu.memory_space<vmem>>, %arg29: memref<2000x3xf32, #tpu.memory_space<vmem>>, %arg30: memref<2000x3xf32, #tpu.memory_space<vmem>>, %arg31: memref<16xf32, #tpu.memory_space<vmem>>, %arg32: memref<!tpu.dma_semaphore, #tpu.memory_space<semaphore_mem>>) attributes {dimension_semantics = [#tpu.dimension_semantics<core_parallel>, #tpu.dimension_semantics<subcore_parallel>], iteration_bounds = array<i64: 2, 16>, scalar_prefetch = 0 : i64, scratch_operands = 13 : i64, tpu.core_type = #tpu.core_type<sc_vector_subcore>, window_params = [{transform_indices = #map}, {transform_indices = #map1}, {transform_indices = #map1}, {transform_indices = #map1}, {transform_indices = #map1}, {transform_indices = #map1}, {transform_indices = #map1}, {transform_indices = #map1}, {transform_indices = #map1}, {transform_indices = #map1}, {transform_indices = #map1}, {transform_indices = #map1}, {transform_indices = #map1}, {transform_indices = #map1}, {transform_indices = #map1}, {transform_indices = #map1}, {transform_indices = #map1}, {transform_indices = #map1}]} {
    %mul3A = arith.constant 2 : i32
    %mul3A_0 = arith.muli %arg1, %mul3A : i32
    %add3A = arith.addi %mul3A_0, %arg0 : i32
    %mul3A_1 = arith.constant 50000 : i32
    %mul3A_2 = arith.muli %add3A, %mul3A_1 : i32
    %iota3A = tpu.iota {dimensions = array<i32: 0>} : vector<16xi32>
    %broadcast_in_dim3A = arith.constant 0 : i32
    %broadcast_in_dim3A_3 = vector.broadcast %broadcast_in_dim3A : i32 to vector<16xi32>
    %broadcast_in_dim3A_4 = arith.constant 0.000000e+00 : f32
    %broadcast_in_dim3A_5 = vector.broadcast %broadcast_in_dim3A_4 : f32 to vector<16xf32>
    %scan3A = arith.constant 0 : i32
    %scan3A_6 = arith.constant 25 : i32
    %scan3A_7 = arith.addi %scan3A, %scan3A_6 : i32
    %scan3A_8 = arith.constant 1 : i32
    %scan3A_9 = scf.for %scan3A_26 = %scan3A to %scan3A_7 step %scan3A_8 iter_args(%scan3A_27 = %broadcast_in_dim3A_5) -> (vector<16xf32>)  : i32 {
      %mul3A_28 = arith.constant 2000 : i32
      %mul3A_29 = arith.muli %scan3A_26, %mul3A_28 : i32
      %add3A_30 = arith.addi %mul3A_2, %mul3A_29 : i32
      "tpu.region"() ({
        %run_scoped3A = tpu.sem_alloc : memref<!tpu.dma_semaphore, #tpu.memory_space<semaphore_mem>>
        %dma_start3A_47 = tpu.memref_slice %arg3[%add3A_30] : memref<1600000xi32, #tpu.memory_space<hbm>> -> memref<2000xi32, #tpu.memory_space<hbm>>
        %dma_start3A_48 = tpu.memref_slice %arg3[%add3A_30] : memref<1600000xi32, #tpu.memory_space<hbm>> -> memref<2000xi32, #tpu.memory_space<hbm>>
        tpu.enqueue_dma source(%dma_start3A_48 : memref<2000xi32, #tpu.memory_space<hbm>>) target(%arg20 : memref<2000xi32, #tpu.memory_space<vmem>>) target_semaphore(%run_scoped3A : memref<!tpu.dma_semaphore, #tpu.memory_space<semaphore_mem>>)
        %dma_wait3A_49 = tpu.memref_slice %arg3[%add3A_30] : memref<1600000xi32, #tpu.memory_space<hbm>> -> memref<2000xi32, #tpu.memory_space<hbm>>
        %dma_wait3A_50 = tpu.memref_slice %arg3[%add3A_30] : memref<1600000xi32, #tpu.memory_space<hbm>> -> memref<2000xi32, #tpu.memory_space<hbm>>
        tpu.wait_dma2 semaphore(%run_scoped3A : memref<!tpu.dma_semaphore, #tpu.memory_space<semaphore_mem>>) src(%dma_wait3A_50 : memref<2000xi32, #tpu.memory_space<hbm>>) dst(%arg20 : memref<2000xi32, #tpu.memory_space<vmem>>)
        tpu.yield
      }) : () -> ()
      "tpu.region"() ({
        %run_scoped3A = tpu.sem_alloc : memref<!tpu.dma_semaphore, #tpu.memory_space<semaphore_mem>>
        %dma_start3A_47 = tpu.memref_slice %arg4[%add3A_30] : memref<1600000xi32, #tpu.memory_space<hbm>> -> memref<2000xi32, #tpu.memory_space<hbm>>
        %dma_start3A_48 = tpu.memref_slice %arg4[%add3A_30] : memref<1600000xi32, #tpu.memory_space<hbm>> -> memref<2000xi32, #tpu.memory_space<hbm>>
        tpu.enqueue_dma source(%dma_start3A_48 : memref<2000xi32, #tpu.memory_space<hbm>>) target(%arg21 : memref<2000xi32, #tpu.memory_space<vmem>>) target_semaphore(%run_scoped3A : memref<!tpu.dma_semaphore, #tpu.memory_space<semaphore_mem>>)
        %dma_wait3A_49 = tpu.memref_slice %arg4[%add3A_30] : memref<1600000xi32, #tpu.memory_space<hbm>> -> memref<2000xi32, #tpu.memory_space<hbm>>
        %dma_wait3A_50 = tpu.memref_slice %arg4[%add3A_30] : memref<1600000xi32, #tpu.memory_space<hbm>> -> memref<2000xi32, #tpu.memory_space<hbm>>
        tpu.wait_dma2 semaphore(%run_scoped3A : memref<!tpu.dma_semaphore, #tpu.memory_space<semaphore_mem>>) src(%dma_wait3A_50 : memref<2000xi32, #tpu.memory_space<hbm>>) dst(%arg21 : memref<2000xi32, #tpu.memory_space<vmem>>)
        tpu.yield
      }) : () -> ()
      "tpu.region"() ({
        %run_scoped3A = tpu.sem_alloc : memref<!tpu.dma_semaphore, #tpu.memory_space<semaphore_mem>>
        %dma_start3A_47 = tpu.memref_slice %arg5[%add3A_30] : memref<1600000xf32, #tpu.memory_space<hbm>> -> memref<2000xf32, #tpu.memory_space<hbm>>
        %dma_start3A_48 = tpu.memref_slice %arg5[%add3A_30] : memref<1600000xf32, #tpu.memory_space<hbm>> -> memref<2000xf32, #tpu.memory_space<hbm>>
        tpu.enqueue_dma source(%dma_start3A_48 : memref<2000xf32, #tpu.memory_space<hbm>>) target(%arg24 : memref<2000xf32, #tpu.memory_space<vmem>>) target_semaphore(%run_scoped3A : memref<!tpu.dma_semaphore, #tpu.memory_space<semaphore_mem>>)
        %dma_wait3A_49 = tpu.memref_slice %arg5[%add3A_30] : memref<1600000xf32, #tpu.memory_space<hbm>> -> memref<2000xf32, #tpu.memory_space<hbm>>
        %dma_wait3A_50 = tpu.memref_slice %arg5[%add3A_30] : memref<1600000xf32, #tpu.memory_space<hbm>> -> memref<2000xf32, #tpu.memory_space<hbm>>
        tpu.wait_dma2 semaphore(%run_scoped3A : memref<!tpu.dma_semaphore, #tpu.memory_space<semaphore_mem>>) src(%dma_wait3A_50 : memref<2000xf32, #tpu.memory_space<hbm>>) dst(%arg24 : memref<2000xf32, #tpu.memory_space<vmem>>)
        tpu.yield
      }) : () -> ()
      "tpu.region"() ({
        %run_scoped3A = tpu.sem_alloc : memref<!tpu.dma_semaphore, #tpu.memory_space<semaphore_mem>>
        %dma_start3A_47 = tpu.memref_slice %arg6[%add3A_30] : memref<1600000xf32, #tpu.memory_space<hbm>> -> memref<2000xf32, #tpu.memory_space<hbm>>
        %dma_start3A_48 = tpu.memref_slice %arg6[%add3A_30] : memref<1600000xf32, #tpu.memory_space<hbm>> -> memref<2000xf32, #tpu.memory_space<hbm>>
        tpu.enqueue_dma source(%dma_start3A_48 : memref<2000xf32, #tpu.memory_space<hbm>>) target(%arg25 : memref<2000xf32, #tpu.memory_space<vmem>>) target_semaphore(%run_scoped3A : memref<!tpu.dma_semaphore, #tpu.memory_space<semaphore_mem>>)
        %dma_wait3A_49 = tpu.memref_slice %arg6[%add3A_30] : memref<1600000xf32, #tpu.memory_space<hbm>> -> memref<2000xf32, #tpu.memory_space<hbm>>
        %dma_wait3A_50 = tpu.memref_slice %arg6[%add3A_30] : memref<1600000xf32, #tpu.memory_space<hbm>> -> memref<2000xf32, #tpu.memory_space<hbm>>
        tpu.wait_dma2 semaphore(%run_scoped3A : memref<!tpu.dma_semaphore, #tpu.memory_space<semaphore_mem>>) src(%dma_wait3A_50 : memref<2000xf32, #tpu.memory_space<hbm>>) dst(%arg25 : memref<2000xf32, #tpu.memory_space<vmem>>)
        tpu.yield
      }) : () -> ()
      %dma_start3A = arith.constant 0 : i32
      %dma_start3A_31 = arith.constant 0 : i32
      %dma_start3A_32 = tpu.memref_slice %arg2[%dma_start3A, %dma_start3A_31] : memref<50000x3xf32, #tpu.memory_space<hbm>> -> memref<50000x3xf32, #tpu.memory_space<hbm>>
      tpu.enqueue_indirect_dma source(%dma_start3A_32 : memref<50000x3xf32, #tpu.memory_space<hbm>>) target(%arg27 : memref<2000x3xf32, #tpu.memory_space<vmem>>) offsets(%arg20 : memref<2000xi32, #tpu.memory_space<vmem>>) semaphore(%arg32 : memref<!tpu.dma_semaphore, #tpu.memory_space<semaphore_mem>>)
      %dma_start3A_33 = arith.constant 0 : i32
      %dma_start3A_34 = arith.constant 0 : i32
      %dma_start3A_35 = tpu.memref_slice %arg2[%dma_start3A_33, %dma_start3A_34] : memref<50000x3xf32, #tpu.memory_space<hbm>> -> memref<50000x3xf32, #tpu.memory_space<hbm>>
      tpu.enqueue_indirect_dma source(%dma_start3A_35 : memref<50000x3xf32, #tpu.memory_space<hbm>>) target(%arg28 : memref<2000x3xf32, #tpu.memory_space<vmem>>) offsets(%arg21 : memref<2000xi32, #tpu.memory_space<vmem>>) semaphore(%arg32 : memref<!tpu.dma_semaphore, #tpu.memory_space<semaphore_mem>>)
      %dma_wait3A = arith.constant 0 : i32
      %dma_wait3A_36 = arith.constant 0 : i32
      %dma_wait3A_37 = tpu.memref_slice %arg2[%dma_wait3A, %dma_wait3A_36] : memref<50000x3xf32, #tpu.memory_space<hbm>> -> memref<50000x3xf32, #tpu.memory_space<hbm>>
      tpu.wait_indirect_dma semaphore(%arg32 : memref<!tpu.dma_semaphore, #tpu.memory_space<semaphore_mem>>) src(%dma_wait3A_37 : memref<50000x3xf32, #tpu.memory_space<hbm>>) dst(%arg27 : memref<2000x3xf32, #tpu.memory_space<vmem>>)
      %dma_wait3A_38 = arith.constant 0 : i32
      %dma_wait3A_39 = arith.constant 0 : i32
      %dma_wait3A_40 = tpu.memref_slice %arg2[%dma_wait3A_38, %dma_wait3A_39] : memref<50000x3xf32, #tpu.memory_space<hbm>> -> memref<50000x3xf32, #tpu.memory_space<hbm>>
      tpu.wait_indirect_dma semaphore(%arg32 : memref<!tpu.dma_semaphore, #tpu.memory_space<semaphore_mem>>) src(%dma_wait3A_40 : memref<50000x3xf32, #tpu.memory_space<hbm>>) dst(%arg28 : memref<2000x3xf32, #tpu.memory_space<vmem>>)
      %scan3A_41 = arith.constant 0 : i32
      %scan3A_42 = arith.constant 125 : i32
      %scan3A_43 = arith.addi %scan3A_41, %scan3A_42 : i32
      %scan3A_44 = arith.constant 1 : i32
      %scan3A_45 = scf.for %scan3A_47 = %scan3A_41 to %scan3A_43 step %scan3A_44 iter_args(%scan3A_48 = %scan3A_27) -> (vector<16xf32>)  : i32 {
        %mul3A_49 = arith.constant 16 : i32
        %mul3A_50 = arith.muli %scan3A_47, %mul3A_49 : i32
        %add3A_51 = vector.broadcast %mul3A_50 : i32 to vector<16xi32>
        %add3A_52 = arith.addi %add3A_51, %iota3A : vector<16xi32>
        %gather3A = tpu.vector_load_idx %arg27[%add3A_52, %broadcast_in_dim3A_3] : memref<2000x3xf32, #tpu.memory_space<vmem>>[vector<16xi32>, vector<16xi32>], vector<16xf32>,
        %add3A_53 = arith.constant 1 : i32
        %add3A_54 = vector.broadcast %add3A_53 : i32 to vector<16xi32>
        %add3A_55 = arith.addi %broadcast_in_dim3A_3, %add3A_54 : vector<16xi32>
        %gather3A_56 = tpu.vector_load_idx %arg27[%add3A_52, %add3A_55] : memref<2000x3xf32, #tpu.memory_space<vmem>>[vector<16xi32>, vector<16xi32>], vector<16xf32>,
        %add3A_57 = arith.constant 2 : i32
        %add3A_58 = vector.broadcast %add3A_57 : i32 to vector<16xi32>
        %add3A_59 = arith.addi %broadcast_in_dim3A_3, %add3A_58 : vector<16xi32>
        %gather3A_60 = tpu.vector_load_idx %arg27[%add3A_52, %add3A_59] : memref<2000x3xf32, #tpu.memory_space<vmem>>[vector<16xi32>, vector<16xi32>], vector<16xf32>,
        %gather3A_61 = tpu.vector_load_idx %arg28[%add3A_52, %broadcast_in_dim3A_3] : memref<2000x3xf32, #tpu.memory_space<vmem>>[vector<16xi32>, vector<16xi32>], vector<16xf32>,
        %add3A_62 = arith.constant 1 : i32
        %add3A_63 = vector.broadcast %add3A_62 : i32 to vector<16xi32>
        %add3A_64 = arith.addi %broadcast_in_dim3A_3, %add3A_63 : vector<16xi32>
        %gather3A_65 = tpu.vector_load_idx %arg28[%add3A_52, %add3A_64] : memref<2000x3xf32, #tpu.memory_space<vmem>>[vector<16xi32>, vector<16xi32>], vector<16xf32>,
        %add3A_66 = arith.constant 2 : i32
        %add3A_67 = vector.broadcast %add3A_66 : i32 to vector<16xi32>
        %add3A_68 = arith.addi %broadcast_in_dim3A_3, %add3A_67 : vector<16xi32>
        %gather3A_69 = tpu.vector_load_idx %arg28[%add3A_52, %add3A_68] : memref<2000x3xf32, #tpu.memory_space<vmem>>[vector<16xi32>, vector<16xi32>], vector<16xf32>,
        %gather3A_70 = tpu.vector_load_idx %arg24[%add3A_52] : memref<2000xf32, #tpu.memory_space<vmem>>[vector<16xi32>], vector<16xf32>,
        %gather3A_71 = tpu.vector_load_idx %arg25[%add3A_52] : memref<2000xf32, #tpu.memory_space<vmem>>[vector<16xi32>], vector<16xf32>,
        %sub3A = arith.subf %gather3A, %gather3A_61 : vector<16xf32>
        %sub3A_72 = arith.subf %gather3A_56, %gather3A_65 : vector<16xf32>
        %sub3A_73 = arith.subf %gather3A_60, %gather3A_69 : vector<16xf32>
        %mul3A_74 = arith.mulf %sub3A, %sub3A : vector<16xf32>
        %mul3A_75 = arith.mulf %sub3A_72, %sub3A_72 : vector<16xf32>
        %add3A_76 = arith.addf %mul3A_74, %mul3A_75 : vector<16xf32>
        %mul3A_77 = arith.mulf %sub3A_73, %sub3A_73 : vector<16xf32>
        %add3A_78 = arith.addf %add3A_76, %mul3A_77 : vector<16xf32>
        %max3A = arith.constant 1.000000e-30 : f32
        %max3A_79 = vector.broadcast %max3A : f32 to vector<16xf32>
        %max3A_80 = arith.maximumf %add3A_78, %max3A_79 : vector<16xf32>
        %bitcast_convert_type3A = tpu.bitcast %max3A_80 : vector<16xf32> -> vector<16xi32>
        %broadcast_in_dim3A_81 = arith.constant 1 : i32
        %broadcast_in_dim3A_82 = vector.broadcast %broadcast_in_dim3A_81 : i32 to vector<16xi32>
        %shift_right_logical3A = arith.shrui %bitcast_convert_type3A, %broadcast_in_dim3A_82 : vector<16xi32>
        %sub3A_83 = arith.constant 1597463007 : i32
        %sub3A_84 = vector.broadcast %sub3A_83 : i32 to vector<16xi32>
        %sub3A_85 = arith.subi %sub3A_84, %shift_right_logical3A : vector<16xi32>
        %bitcast_convert_type3A_86 = tpu.bitcast %sub3A_85 : vector<16xi32> -> vector<16xf32>
        %mul3A_87 = arith.constant 5.000000e-01 : f32
        %mul3A_88 = vector.broadcast %mul3A_87 : f32 to vector<16xf32>
        %mul3A_89 = arith.mulf %mul3A_88, %max3A_80 : vector<16xf32>
        %mul3A_90 = arith.mulf %mul3A_89, %bitcast_convert_type3A_86 : vector<16xf32>
        %mul3A_91 = arith.mulf %mul3A_90, %bitcast_convert_type3A_86 : vector<16xf32>
        %sub3A_92 = arith.constant 1.500000e+00 : f32
        %sub3A_93 = vector.broadcast %sub3A_92 : f32 to vector<16xf32>
        %sub3A_94 = arith.subf %sub3A_93, %mul3A_91 : vector<16xf32>
        %mul3A_95 = arith.mulf %bitcast_convert_type3A_86, %sub3A_94 : vector<16xf32>
        %mul3A_96 = arith.constant 5.000000e-01 : f32
        %mul3A_97 = vector.broadcast %mul3A_96 : f32 to vector<16xf32>
        %mul3A_98 = arith.mulf %mul3A_97, %max3A_80 : vector<16xf32>
        %mul3A_99 = arith.mulf %mul3A_98, %mul3A_95 : vector<16xf32>
        %mul3A_100 = arith.mulf %mul3A_99, %mul3A_95 : vector<16xf32>
        %sub3A_101 = arith.constant 1.500000e+00 : f32
        %sub3A_102 = vector.broadcast %sub3A_101 : f32 to vector<16xf32>
        %sub3A_103 = arith.subf %sub3A_102, %mul3A_100 : vector<16xf32>
        %mul3A_104 = arith.mulf %mul3A_95, %sub3A_103 : vector<16xf32>
        %mul3A_105 = arith.constant 5.000000e-01 : f32
        %mul3A_106 = vector.broadcast %mul3A_105 : f32 to vector<16xf32>
        %mul3A_107 = arith.mulf %mul3A_106, %max3A_80 : vector<16xf32>
        %mul3A_108 = arith.mulf %mul3A_107, %mul3A_104 : vector<16xf32>
        %mul3A_109 = arith.mulf %mul3A_108, %mul3A_104 : vector<16xf32>
        %sub3A_110 = arith.constant 1.500000e+00 : f32
        %sub3A_111 = vector.broadcast %sub3A_110 : f32 to vector<16xf32>
        %sub3A_112 = arith.subf %sub3A_111, %mul3A_109 : vector<16xf32>
        %mul3A_113 = arith.mulf %mul3A_104, %sub3A_112 : vector<16xf32>
        %mul3A_114 = arith.mulf %add3A_78, %mul3A_113 : vector<16xf32>
        %mul3A_115 = arith.constant 2.000000e+00 : f32
        %mul3A_116 = vector.broadcast %mul3A_115 : f32 to vector<16xf32>
        %mul3A_117 = arith.mulf %mul3A_116, %gather3A_70 : vector<16xf32>
        %sub3A_118 = arith.subf %mul3A_114, %mul3A_117 : vector<16xf32>
        %mul3A_119 = arith.mulf %gather3A_71, %sub3A_118 : vector<16xf32>
        %mul3A_120 = arith.mulf %mul3A_119, %sub3A_118 : vector<16xf32>
        %add3A_121 = arith.addf %scan3A_48, %mul3A_120 : vector<16xf32>
        scf.yield %add3A_121 : vector<16xf32>
      }
      %scan3A_46 = arith.constant 125 : i32
      scf.yield %scan3A_45 : vector<16xf32>
    }
    %scan3A_10 = arith.constant 25 : i32
    %scan3A_11 = arith.constant 0 : i32
    %scan3A_12 = arith.constant 25 : i32
    %scan3A_13 = arith.addi %scan3A_11, %scan3A_12 : i32
    %scan3A_14 = arith.constant 1 : i32
    %scan3A_15 = scf.for %scan3A_26 = %scan3A_11 to %scan3A_13 step %scan3A_14 iter_args(%scan3A_27 = %scan3A_9) -> (vector<16xf32>)  : i32 {
      %mul3A_28 = arith.constant 2000 : i32
      %mul3A_29 = arith.muli %scan3A_26, %mul3A_28 : i32
      %add3A_30 = arith.addi %mul3A_2, %mul3A_29 : i32
      "tpu.region"() ({
        %run_scoped3A = tpu.sem_alloc : memref<!tpu.dma_semaphore, #tpu.memory_space<semaphore_mem>>
        %dma_start3A_53 = tpu.memref_slice %arg7[%add3A_30] : memref<1600000xi32, #tpu.memory_space<hbm>> -> memref<2000xi32, #tpu.memory_space<hbm>>
        %dma_start3A_54 = tpu.memref_slice %arg7[%add3A_30] : memref<1600000xi32, #tpu.memory_space<hbm>> -> memref<2000xi32, #tpu.memory_space<hbm>>
        tpu.enqueue_dma source(%dma_start3A_54 : memref<2000xi32, #tpu.memory_space<hbm>>) target(%arg20 : memref<2000xi32, #tpu.memory_space<vmem>>) target_semaphore(%run_scoped3A : memref<!tpu.dma_semaphore, #tpu.memory_space<semaphore_mem>>)
        %dma_wait3A_55 = tpu.memref_slice %arg7[%add3A_30] : memref<1600000xi32, #tpu.memory_space<hbm>> -> memref<2000xi32, #tpu.memory_space<hbm>>
        %dma_wait3A_56 = tpu.memref_slice %arg7[%add3A_30] : memref<1600000xi32, #tpu.memory_space<hbm>> -> memref<2000xi32, #tpu.memory_space<hbm>>
        tpu.wait_dma2 semaphore(%run_scoped3A : memref<!tpu.dma_semaphore, #tpu.memory_space<semaphore_mem>>) src(%dma_wait3A_56 : memref<2000xi32, #tpu.memory_space<hbm>>) dst(%arg20 : memref<2000xi32, #tpu.memory_space<vmem>>)
        tpu.yield
      }) : () -> ()
      "tpu.region"() ({
        %run_scoped3A = tpu.sem_alloc : memref<!tpu.dma_semaphore, #tpu.memory_space<semaphore_mem>>
        %dma_start3A_53 = tpu.memref_slice %arg8[%add3A_30] : memref<1600000xi32, #tpu.memory_space<hbm>> -> memref<2000xi32, #tpu.memory_space<hbm>>
        %dma_start3A_54 = tpu.memref_slice %arg8[%add3A_30] : memref<1600000xi32, #tpu.memory_space<hbm>> -> memref<2000xi32, #tpu.memory_space<hbm>>
        tpu.enqueue_dma source(%dma_start3A_54 : memref<2000xi32, #tpu.memory_space<hbm>>) target(%arg21 : memref<2000xi32, #tpu.memory_space<vmem>>) target_semaphore(%run_scoped3A : memref<!tpu.dma_semaphore, #tpu.memory_space<semaphore_mem>>)
        %dma_wait3A_55 = tpu.memref_slice %arg8[%add3A_30] : memref<1600000xi32, #tpu.memory_space<hbm>> -> memref<2000xi32, #tpu.memory_space<hbm>>
        %dma_wait3A_56 = tpu.memref_slice %arg8[%add3A_30] : memref<1600000xi32, #tpu.memory_space<hbm>> -> memref<2000xi32, #tpu.memory_space<hbm>>
        tpu.wait_dma2 semaphore(%run_scoped3A : memref<!tpu.dma_semaphore, #tpu.memory_space<semaphore_mem>>) src(%dma_wait3A_56 : memref<2000xi32, #tpu.memory_space<hbm>>) dst(%arg21 : memref<2000xi32, #tpu.memory_space<vmem>>)
        tpu.yield
      }) : () -> ()
      "tpu.region"() ({
        %run_scoped3A = tpu.sem_alloc : memref<!tpu.dma_semaphore, #tpu.memory_space<semaphore_mem>>
        %dma_start3A_53 = tpu.memref_slice %arg9[%add3A_30] : memref<1600000xi32, #tpu.memory_space<hbm>> -> memref<2000xi32, #tpu.memory_space<hbm>>
        %dma_start3A_54 = tpu.memref_slice %arg9[%add3A_30] : memref<1600000xi32, #tpu.memory_space<hbm>> -> memref<2000xi32, #tpu.memory_space<hbm>>
        tpu.enqueue_dma source(%dma_start3A_54 : memref<2000xi32, #tpu.memory_space<hbm>>) target(%arg22 : memref<2000xi32, #tpu.memory_space<vmem>>) target_semaphore(%run_scoped3A : memref<!tpu.dma_semaphore, #tpu.memory_space<semaphore_mem>>)
        %dma_wait3A_55 = tpu.memref_slice %arg9[%add3A_30] : memref<1600000xi32, #tpu.memory_space<hbm>> -> memref<2000xi32, #tpu.memory_space<hbm>>
        %dma_wait3A_56 = tpu.memref_slice %arg9[%add3A_30] : memref<1600000xi32, #tpu.memory_space<hbm>> -> memref<2000xi32, #tpu.memory_space<hbm>>
        tpu.wait_dma2 semaphore(%run_scoped3A : memref<!tpu.dma_semaphore, #tpu.memory_space<semaphore_mem>>) src(%dma_wait3A_56 : memref<2000xi32, #tpu.memory_space<hbm>>) dst(%arg22 : memref<2000xi32, #tpu.memory_space<vmem>>)
        tpu.yield
      }) : () -> ()
      "tpu.region"() ({
        %run_scoped3A = tpu.sem_alloc : memref<!tpu.dma_semaphore, #tpu.memory_space<semaphore_mem>>
        %dma_start3A_53 = tpu.memref_slice %arg10[%add3A_30] : memref<1600000xf32, #tpu.memory_space<hbm>> -> memref<2000xf32, #tpu.memory_space<hbm>>
        %dma_start3A_54 = tpu.memref_slice %arg10[%add3A_30] : memref<1600000xf32, #tpu.memory_space<hbm>> -> memref<2000xf32, #tpu.memory_space<hbm>>
        tpu.enqueue_dma source(%dma_start3A_54 : memref<2000xf32, #tpu.memory_space<hbm>>) target(%arg24 : memref<2000xf32, #tpu.memory_space<vmem>>) target_semaphore(%run_scoped3A : memref<!tpu.dma_semaphore, #tpu.memory_space<semaphore_mem>>)
        %dma_wait3A_55 = tpu.memref_slice %arg10[%add3A_30] : memref<1600000xf32, #tpu.memory_space<hbm>> -> memref<2000xf32, #tpu.memory_space<hbm>>
        %dma_wait3A_56 = tpu.memref_slice %arg10[%add3A_30] : memref<1600000xf32, #tpu.memory_space<hbm>> -> memref<2000xf32, #tpu.memory_space<hbm>>
        tpu.wait_dma2 semaphore(%run_scoped3A : memref<!tpu.dma_semaphore, #tpu.memory_space<semaphore_mem>>) src(%dma_wait3A_56 : memref<2000xf32, #tpu.memory_space<hbm>>) dst(%arg24 : memref<2000xf32, #tpu.memory_space<vmem>>)
        tpu.yield
      }) : () -> ()
      "tpu.region"() ({
        %run_scoped3A = tpu.sem_alloc : memref<!tpu.dma_semaphore, #tpu.memory_space<semaphore_mem>>
        %dma_start3A_53 = tpu.memref_slice %arg11[%add3A_30] : memref<1600000xf32, #tpu.memory_space<hbm>> -> memref<2000xf32, #tpu.memory_space<hbm>>
        %dma_start3A_54 = tpu.memref_slice %arg11[%add3A_30] : memref<1600000xf32, #tpu.memory_space<hbm>> -> memref<2000xf32, #tpu.memory_space<hbm>>
        tpu.enqueue_dma source(%dma_start3A_54 : memref<2000xf32, #tpu.memory_space<hbm>>) target(%arg25 : memref<2000xf32, #tpu.memory_space<vmem>>) target_semaphore(%run_scoped3A : memref<!tpu.dma_semaphore, #tpu.memory_space<semaphore_mem>>)
        %dma_wait3A_55 = tpu.memref_slice %arg11[%add3A_30] : memref<1600000xf32, #tpu.memory_space<hbm>> -> memref<2000xf32, #tpu.memory_space<hbm>>
        %dma_wait3A_56 = tpu.memref_slice %arg11[%add3A_30] : memref<1600000xf32, #tpu.memory_space<hbm>> -> memref<2000xf32, #tpu.memory_space<hbm>>
        tpu.wait_dma2 semaphore(%run_scoped3A : memref<!tpu.dma_semaphore, #tpu.memory_space<semaphore_mem>>) src(%dma_wait3A_56 : memref<2000xf32, #tpu.memory_space<hbm>>) dst(%arg25 : memref<2000xf32, #tpu.memory_space<vmem>>)
        tpu.yield
      }) : () -> ()
      %dma_start3A = arith.constant 0 : i32
      %dma_start3A_31 = arith.constant 0 : i32
      %dma_start3A_32 = tpu.memref_slice %arg2[%dma_start3A, %dma_start3A_31] : memref<50000x3xf32, #tpu.memory_space<hbm>> -> memref<50000x3xf32, #tpu.memory_space<hbm>>
      tpu.enqueue_indirect_dma source(%dma_start3A_32 : memref<50000x3xf32, #tpu.memory_space<hbm>>) target(%arg27 : memref<2000x3xf32, #tpu.memory_space<vmem>>) offsets(%arg20 : memref<2000xi32, #tpu.memory_space<vmem>>) semaphore(%arg32 : memref<!tpu.dma_semaphore, #tpu.memory_space<semaphore_mem>>)
      %dma_start3A_33 = arith.constant 0 : i32
      %dma_start3A_34 = arith.constant 0 : i32
      %dma_start3A_35 = tpu.memref_slice %arg2[%dma_start3A_33, %dma_start3A_34] : memref<50000x3xf32, #tpu.memory_space<hbm>> -> memref<50000x3xf32, #tpu.memory_space<hbm>>
      tpu.enqueue_indirect_dma source(%dma_start3A_35 : memref<50000x3xf32, #tpu.memory_space<hbm>>) target(%arg28 : memref<2000x3xf32, #tpu.memory_space<vmem>>) offsets(%arg21 : memref<2000xi32, #tpu.memory_space<vmem>>) semaphore(%arg32 : memref<!tpu.dma_semaphore, #tpu.memory_space<semaphore_mem>>)
      %dma_start3A_36 = arith.constant 0 : i32
      %dma_start3A_37 = arith.constant 0 : i32
      %dma_start3A_38 = tpu.memref_slice %arg2[%dma_start3A_36, %dma_start3A_37] : memref<50000x3xf32, #tpu.memory_space<hbm>> -> memref<50000x3xf32, #tpu.memory_space<hbm>>
      tpu.enqueue_indirect_dma source(%dma_start3A_38 : memref<50000x3xf32, #tpu.memory_space<hbm>>) target(%arg29 : memref<2000x3xf32, #tpu.memory_space<vmem>>) offsets(%arg22 : memref<2000xi32, #tpu.memory_space<vmem>>) semaphore(%arg32 : memref<!tpu.dma_semaphore, #tpu.memory_space<semaphore_mem>>)
      %dma_wait3A = arith.constant 0 : i32
      %dma_wait3A_39 = arith.constant 0 : i32
      %dma_wait3A_40 = tpu.memref_slice %arg2[%dma_wait3A, %dma_wait3A_39] : memref<50000x3xf32, #tpu.memory_space<hbm>> -> memref<50000x3xf32, #tpu.memory_space<hbm>>
      tpu.wait_indirect_dma semaphore(%arg32 : memref<!tpu.dma_semaphore, #tpu.memory_space<semaphore_mem>>) src(%dma_wait3A_40 : memref<50000x3xf32, #tpu.memory_space<hbm>>) dst(%arg27 : memref<2000x3xf32, #tpu.memory_space<vmem>>)
      %dma_wait3A_41 = arith.constant 0 : i32
      %dma_wait3A_42 = arith.constant 0 : i32
      %dma_wait3A_43 = tpu.memref_slice %arg2[%dma_wait3A_41, %dma_wait3A_42] : memref<50000x3xf32, #tpu.memory_space<hbm>> -> memref<50000x3xf32, #tpu.memory_space<hbm>>
      tpu.wait_indirect_dma semaphore(%arg32 : memref<!tpu.dma_semaphore, #tpu.memory_space<semaphore_mem>>) src(%dma_wait3A_43 : memref<50000x3xf32, #tpu.memory_space<hbm>>) dst(%arg28 : memref<2000x3xf32, #tpu.memory_space<vmem>>)
      %dma_wait3A_44 = arith.constant 0 : i32
      %dma_wait3A_45 = arith.constant 0 : i32
      %dma_wait3A_46 = tpu.memref_slice %arg2[%dma_wait3A_44, %dma_wait3A_45] : memref<50000x3xf32, #tpu.memory_space<hbm>> -> memref<50000x3xf32, #tpu.memory_space<hbm>>
      tpu.wait_indirect_dma semaphore(%arg32 : memref<!tpu.dma_semaphore, #tpu.memory_space<semaphore_mem>>) src(%dma_wait3A_46 : memref<50000x3xf32, #tpu.memory_space<hbm>>) dst(%arg29 : memref<2000x3xf32, #tpu.memory_space<vmem>>)
      %scan3A_47 = arith.constant 0 : i32
      %scan3A_48 = arith.constant 125 : i32
      %scan3A_49 = arith.addi %scan3A_47, %scan3A_48 : i32
      %scan3A_50 = arith.constant 1 : i32
      %scan3A_51 = scf.for %scan3A_53 = %scan3A_47 to %scan3A_49 step %scan3A_50 iter_args(%scan3A_54 = %scan3A_27) -> (vector<16xf32>)  : i32 {
        %mul3A_55 = arith.constant 16 : i32
        %mul3A_56 = arith.muli %scan3A_53, %mul3A_55 : i32
        %add3A_57 = vector.broadcast %mul3A_56 : i32 to vector<16xi32>
        %add3A_58 = arith.addi %add3A_57, %iota3A : vector<16xi32>
        %gather3A = tpu.vector_load_idx %arg27[%add3A_58, %broadcast_in_dim3A_3] : memref<2000x3xf32, #tpu.memory_space<vmem>>[vector<16xi32>, vector<16xi32>], vector<16xf32>,
        %add3A_59 = arith.constant 1 : i32
        %add3A_60 = vector.broadcast %add3A_59 : i32 to vector<16xi32>
        %add3A_61 = arith.addi %broadcast_in_dim3A_3, %add3A_60 : vector<16xi32>
        %gather3A_62 = tpu.vector_load_idx %arg27[%add3A_58, %add3A_61] : memref<2000x3xf32, #tpu.memory_space<vmem>>[vector<16xi32>, vector<16xi32>], vector<16xf32>,
        %add3A_63 = arith.constant 2 : i32
        %add3A_64 = vector.broadcast %add3A_63 : i32 to vector<16xi32>
        %add3A_65 = arith.addi %broadcast_in_dim3A_3, %add3A_64 : vector<16xi32>
        %gather3A_66 = tpu.vector_load_idx %arg27[%add3A_58, %add3A_65] : memref<2000x3xf32, #tpu.memory_space<vmem>>[vector<16xi32>, vector<16xi32>], vector<16xf32>,
        %gather3A_67 = tpu.vector_load_idx %arg28[%add3A_58, %broadcast_in_dim3A_3] : memref<2000x3xf32, #tpu.memory_space<vmem>>[vector<16xi32>, vector<16xi32>], vector<16xf32>,
        %add3A_68 = arith.constant 1 : i32
        %add3A_69 = vector.broadcast %add3A_68 : i32 to vector<16xi32>
        %add3A_70 = arith.addi %broadcast_in_dim3A_3, %add3A_69 : vector<16xi32>
        %gather3A_71 = tpu.vector_load_idx %arg28[%add3A_58, %add3A_70] : memref<2000x3xf32, #tpu.memory_space<vmem>>[vector<16xi32>, vector<16xi32>], vector<16xf32>,
        %add3A_72 = arith.constant 2 : i32
        %add3A_73 = vector.broadcast %add3A_72 : i32 to vector<16xi32>
        %add3A_74 = arith.addi %broadcast_in_dim3A_3, %add3A_73 : vector<16xi32>
        %gather3A_75 = tpu.vector_load_idx %arg28[%add3A_58, %add3A_74] : memref<2000x3xf32, #tpu.memory_space<vmem>>[vector<16xi32>, vector<16xi32>], vector<16xf32>,
        %gather3A_76 = tpu.vector_load_idx %arg29[%add3A_58, %broadcast_in_dim3A_3] : memref<2000x3xf32, #tpu.memory_space<vmem>>[vector<16xi32>, vector<16xi32>], vector<16xf32>,
        %add3A_77 = arith.constant 1 : i32
        %add3A_78 = vector.broadcast %add3A_77 : i32 to vector<16xi32>
        %add3A_79 = arith.addi %broadcast_in_dim3A_3, %add3A_78 : vector<16xi32>
        %gather3A_80 = tpu.vector_load_idx %arg29[%add3A_58, %add3A_79] : memref<2000x3xf32, #tpu.memory_space<vmem>>[vector<16xi32>, vector<16xi32>], vector<16xf32>,
        %add3A_81 = arith.constant 2 : i32
        %add3A_82 = vector.broadcast %add3A_81 : i32 to vector<16xi32>
        %add3A_83 = arith.addi %broadcast_in_dim3A_3, %add3A_82 : vector<16xi32>
        %gather3A_84 = tpu.vector_load_idx %arg29[%add3A_58, %add3A_83] : memref<2000x3xf32, #tpu.memory_space<vmem>>[vector<16xi32>, vector<16xi32>], vector<16xf32>,
        %gather3A_85 = tpu.vector_load_idx %arg24[%add3A_58] : memref<2000xf32, #tpu.memory_space<vmem>>[vector<16xi32>], vector<16xf32>,
        %gather3A_86 = tpu.vector_load_idx %arg25[%add3A_58] : memref<2000xf32, #tpu.memory_space<vmem>>[vector<16xi32>], vector<16xf32>,
        %sub3A = arith.subf %gather3A, %gather3A_67 : vector<16xf32>
        %sub3A_87 = arith.subf %gather3A_62, %gather3A_71 : vector<16xf32>
        %sub3A_88 = arith.subf %gather3A_66, %gather3A_75 : vector<16xf32>
        %sub3A_89 = arith.subf %gather3A_76, %gather3A_67 : vector<16xf32>
        %sub3A_90 = arith.subf %gather3A_80, %gather3A_71 : vector<16xf32>
        %sub3A_91 = arith.subf %gather3A_84, %gather3A_75 : vector<16xf32>
        %mul3A_92 = arith.mulf %sub3A, %sub3A_89 : vector<16xf32>
        %mul3A_93 = arith.mulf %sub3A_87, %sub3A_90 : vector<16xf32>
        %add3A_94 = arith.addf %mul3A_92, %mul3A_93 : vector<16xf32>
        %mul3A_95 = arith.mulf %sub3A_88, %sub3A_91 : vector<16xf32>
        %add3A_96 = arith.addf %add3A_94, %mul3A_95 : vector<16xf32>
        %mul3A_97 = arith.mulf %sub3A, %sub3A : vector<16xf32>
        %mul3A_98 = arith.mulf %sub3A_87, %sub3A_87 : vector<16xf32>
        %add3A_99 = arith.addf %mul3A_97, %mul3A_98 : vector<16xf32>
        %mul3A_100 = arith.mulf %sub3A_88, %sub3A_88 : vector<16xf32>
        %add3A_101 = arith.addf %add3A_99, %mul3A_100 : vector<16xf32>
        %max3A = arith.constant 1.000000e-30 : f32
        %max3A_102 = vector.broadcast %max3A : f32 to vector<16xf32>
        %max3A_103 = arith.maximumf %add3A_101, %max3A_102 : vector<16xf32>
        %bitcast_convert_type3A = tpu.bitcast %max3A_103 : vector<16xf32> -> vector<16xi32>
        %broadcast_in_dim3A_104 = arith.constant 1 : i32
        %broadcast_in_dim3A_105 = vector.broadcast %broadcast_in_dim3A_104 : i32 to vector<16xi32>
        %shift_right_logical3A = arith.shrui %bitcast_convert_type3A, %broadcast_in_dim3A_105 : vector<16xi32>
        %sub3A_106 = arith.constant 1597463007 : i32
        %sub3A_107 = vector.broadcast %sub3A_106 : i32 to vector<16xi32>
        %sub3A_108 = arith.subi %sub3A_107, %shift_right_logical3A : vector<16xi32>
        %bitcast_convert_type3A_109 = tpu.bitcast %sub3A_108 : vector<16xi32> -> vector<16xf32>
        %mul3A_110 = arith.constant 5.000000e-01 : f32
        %mul3A_111 = vector.broadcast %mul3A_110 : f32 to vector<16xf32>
        %mul3A_112 = arith.mulf %mul3A_111, %max3A_103 : vector<16xf32>
        %mul3A_113 = arith.mulf %mul3A_112, %bitcast_convert_type3A_109 : vector<16xf32>
        %mul3A_114 = arith.mulf %mul3A_113, %bitcast_convert_type3A_109 : vector<16xf32>
        %sub3A_115 = arith.constant 1.500000e+00 : f32
        %sub3A_116 = vector.broadcast %sub3A_115 : f32 to vector<16xf32>
        %sub3A_117 = arith.subf %sub3A_116, %mul3A_114 : vector<16xf32>
        %mul3A_118 = arith.mulf %bitcast_convert_type3A_109, %sub3A_117 : vector<16xf32>
        %mul3A_119 = arith.constant 5.000000e-01 : f32
        %mul3A_120 = vector.broadcast %mul3A_119 : f32 to vector<16xf32>
        %mul3A_121 = arith.mulf %mul3A_120, %max3A_103 : vector<16xf32>
        %mul3A_122 = arith.mulf %mul3A_121, %mul3A_118 : vector<16xf32>
        %mul3A_123 = arith.mulf %mul3A_122, %mul3A_118 : vector<16xf32>
        %sub3A_124 = arith.constant 1.500000e+00 : f32
        %sub3A_125 = vector.broadcast %sub3A_124 : f32 to vector<16xf32>
        %sub3A_126 = arith.subf %sub3A_125, %mul3A_123 : vector<16xf32>
        %mul3A_127 = arith.mulf %mul3A_118, %sub3A_126 : vector<16xf32>
        %mul3A_128 = arith.constant 5.000000e-01 : f32
        %mul3A_129 = vector.broadcast %mul3A_128 : f32 to vector<16xf32>
        %mul3A_130 = arith.mulf %mul3A_129, %max3A_103 : vector<16xf32>
        %mul3A_131 = arith.mulf %mul3A_130, %mul3A_127 : vector<16xf32>
        %mul3A_132 = arith.mulf %mul3A_131, %mul3A_127 : vector<16xf32>
        %sub3A_133 = arith.constant 1.500000e+00 : f32
        %sub3A_134 = vector.broadcast %sub3A_133 : f32 to vector<16xf32>
        %sub3A_135 = arith.subf %sub3A_134, %mul3A_132 : vector<16xf32>
        %mul3A_136 = arith.mulf %mul3A_127, %sub3A_135 : vector<16xf32>
        %mul3A_137 = arith.mulf %add3A_101, %mul3A_136 : vector<16xf32>
        %max3A_138 = arith.constant 9.99999997E-7 : f32
        %max3A_139 = vector.broadcast %max3A_138 : f32 to vector<16xf32>
        %max3A_140 = arith.maximumf %mul3A_137, %max3A_139 : vector<16xf32>
        %mul3A_141 = arith.mulf %sub3A_89, %sub3A_89 : vector<16xf32>
        %mul3A_142 = arith.mulf %sub3A_90, %sub3A_90 : vector<16xf32>
        %add3A_143 = arith.addf %mul3A_141, %mul3A_142 : vector<16xf32>
        %mul3A_144 = arith.mulf %sub3A_91, %sub3A_91 : vector<16xf32>
        %add3A_145 = arith.addf %add3A_143, %mul3A_144 : vector<16xf32>
        %max3A_146 = arith.constant 1.000000e-30 : f32
        %max3A_147 = vector.broadcast %max3A_146 : f32 to vector<16xf32>
        %max3A_148 = arith.maximumf %add3A_145, %max3A_147 : vector<16xf32>
        %bitcast_convert_type3A_149 = tpu.bitcast %max3A_148 : vector<16xf32> -> vector<16xi32>
        %broadcast_in_dim3A_150 = arith.constant 1 : i32
        %broadcast_in_dim3A_151 = vector.broadcast %broadcast_in_dim3A_150 : i32 to vector<16xi32>
        %shift_right_logical3A_152 = arith.shrui %bitcast_convert_type3A_149, %broadcast_in_dim3A_151 : vector<16xi32>
        %sub3A_153 = arith.constant 1597463007 : i32
        %sub3A_154 = vector.broadcast %sub3A_153 : i32 to vector<16xi32>
        %sub3A_155 = arith.subi %sub3A_154, %shift_right_logical3A_152 : vector<16xi32>
        %bitcast_convert_type3A_156 = tpu.bitcast %sub3A_155 : vector<16xi32> -> vector<16xf32>
        %mul3A_157 = arith.constant 5.000000e-01 : f32
        %mul3A_158 = vector.broadcast %mul3A_157 : f32 to vector<16xf32>
        %mul3A_159 = arith.mulf %mul3A_158, %max3A_148 : vector<16xf32>
        %mul3A_160 = arith.mulf %mul3A_159, %bitcast_convert_type3A_156 : vector<16xf32>
        %mul3A_161 = arith.mulf %mul3A_160, %bitcast_convert_type3A_156 : vector<16xf32>
        %sub3A_162 = arith.constant 1.500000e+00 : f32
        %sub3A_163 = vector.broadcast %sub3A_162 : f32 to vector<16xf32>
        %sub3A_164 = arith.subf %sub3A_163, %mul3A_161 : vector<16xf32>
        %mul3A_165 = arith.mulf %bitcast_convert_type3A_156, %sub3A_164 : vector<16xf32>
        %mul3A_166 = arith.constant 5.000000e-01 : f32
        %mul3A_167 = vector.broadcast %mul3A_166 : f32 to vector<16xf32>
        %mul3A_168 = arith.mulf %mul3A_167, %max3A_148 : vector<16xf32>
        %mul3A_169 = arith.mulf %mul3A_168, %mul3A_165 : vector<16xf32>
        %mul3A_170 = arith.mulf %mul3A_169, %mul3A_165 : vector<16xf32>
        %sub3A_171 = arith.constant 1.500000e+00 : f32
        %sub3A_172 = vector.broadcast %sub3A_171 : f32 to vector<16xf32>
        %sub3A_173 = arith.subf %sub3A_172, %mul3A_170 : vector<16xf32>
        %mul3A_174 = arith.mulf %mul3A_165, %sub3A_173 : vector<16xf32>
        %mul3A_175 = arith.constant 5.000000e-01 : f32
        %mul3A_176 = vector.broadcast %mul3A_175 : f32 to vector<16xf32>
        %mul3A_177 = arith.mulf %mul3A_176, %max3A_148 : vector<16xf32>
        %mul3A_178 = arith.mulf %mul3A_177, %mul3A_174 : vector<16xf32>
        %mul3A_179 = arith.mulf %mul3A_178, %mul3A_174 : vector<16xf32>
        %sub3A_180 = arith.constant 1.500000e+00 : f32
        %sub3A_181 = vector.broadcast %sub3A_180 : f32 to vector<16xf32>
        %sub3A_182 = arith.subf %sub3A_181, %mul3A_179 : vector<16xf32>
        %mul3A_183 = arith.mulf %mul3A_174, %sub3A_182 : vector<16xf32>
        %mul3A_184 = arith.mulf %add3A_145, %mul3A_183 : vector<16xf32>
        %max3A_185 = arith.constant 9.99999997E-7 : f32
        %max3A_186 = vector.broadcast %max3A_185 : f32 to vector<16xf32>
        %max3A_187 = arith.maximumf %mul3A_184, %max3A_186 : vector<16xf32>
        %mul3A_188 = arith.mulf %max3A_140, %max3A_187 : vector<16xf32>
        %div3A = arith.divf %add3A_96, %mul3A_188 : vector<16xf32>
        %max3A_189 = arith.constant -1.000000e+00 : f32
        %max3A_190 = vector.broadcast %max3A_189 : f32 to vector<16xf32>
        %max3A_191 = arith.maximumf %div3A, %max3A_190 : vector<16xf32>
        %min3A = arith.constant 1.000000e+00 : f32
        %min3A_192 = vector.broadcast %min3A : f32 to vector<16xf32>
        %min3A_193 = arith.minimumf %max3A_191, %min3A_192 : vector<16xf32>
        %mul3A_194 = arith.mulf %min3A_193, %min3A_193 : vector<16xf32>
        %sub3A_195 = arith.constant 1.000000e+00 : f32
        %sub3A_196 = vector.broadcast %sub3A_195 : f32 to vector<16xf32>
        %sub3A_197 = arith.subf %sub3A_196, %mul3A_194 : vector<16xf32>
        %max3A_198 = arith.constant 0.000000e+00 : f32
        %max3A_199 = vector.broadcast %max3A_198 : f32 to vector<16xf32>
        %max3A_200 = arith.maximumf %sub3A_197, %max3A_199 : vector<16xf32>
        %max3A_201 = arith.constant 1.000000e-30 : f32
        %max3A_202 = vector.broadcast %max3A_201 : f32 to vector<16xf32>
        %max3A_203 = arith.maximumf %max3A_200, %max3A_202 : vector<16xf32>
        %bitcast_convert_type3A_204 = tpu.bitcast %max3A_203 : vector<16xf32> -> vector<16xi32>
        %broadcast_in_dim3A_205 = arith.constant 1 : i32
        %broadcast_in_dim3A_206 = vector.broadcast %broadcast_in_dim3A_205 : i32 to vector<16xi32>
        %shift_right_logical3A_207 = arith.shrui %bitcast_convert_type3A_204, %broadcast_in_dim3A_206 : vector<16xi32>
        %sub3A_208 = arith.constant 1597463007 : i32
        %sub3A_209 = vector.broadcast %sub3A_208 : i32 to vector<16xi32>
        %sub3A_210 = arith.subi %sub3A_209, %shift_right_logical3A_207 : vector<16xi32>
        %bitcast_convert_type3A_211 = tpu.bitcast %sub3A_210 : vector<16xi32> -> vector<16xf32>
        %mul3A_212 = arith.constant 5.000000e-01 : f32
        %mul3A_213 = vector.broadcast %mul3A_212 : f32 to vector<16xf32>
        %mul3A_214 = arith.mulf %mul3A_213, %max3A_203 : vector<16xf32>
        %mul3A_215 = arith.mulf %mul3A_214, %bitcast_convert_type3A_211 : vector<16xf32>
        %mul3A_216 = arith.mulf %mul3A_215, %bitcast_convert_type3A_211 : vector<16xf32>
        %sub3A_217 = arith.constant 1.500000e+00 : f32
        %sub3A_218 = vector.broadcast %sub3A_217 : f32 to vector<16xf32>
        %sub3A_219 = arith.subf %sub3A_218, %mul3A_216 : vector<16xf32>
        %mul3A_220 = arith.mulf %bitcast_convert_type3A_211, %sub3A_219 : vector<16xf32>
        %mul3A_221 = arith.constant 5.000000e-01 : f32
        %mul3A_222 = vector.broadcast %mul3A_221 : f32 to vector<16xf32>
        %mul3A_223 = arith.mulf %mul3A_222, %max3A_203 : vector<16xf32>
        %mul3A_224 = arith.mulf %mul3A_223, %mul3A_220 : vector<16xf32>
        %mul3A_225 = arith.mulf %mul3A_224, %mul3A_220 : vector<16xf32>
        %sub3A_226 = arith.constant 1.500000e+00 : f32
        %sub3A_227 = vector.broadcast %sub3A_226 : f32 to vector<16xf32>
        %sub3A_228 = arith.subf %sub3A_227, %mul3A_225 : vector<16xf32>
        %mul3A_229 = arith.mulf %mul3A_220, %sub3A_228 : vector<16xf32>
        %mul3A_230 = arith.constant 5.000000e-01 : f32
        %mul3A_231 = vector.broadcast %mul3A_230 : f32 to vector<16xf32>
        %mul3A_232 = arith.mulf %mul3A_231, %max3A_203 : vector<16xf32>
        %mul3A_233 = arith.mulf %mul3A_232, %mul3A_229 : vector<16xf32>
        %mul3A_234 = arith.mulf %mul3A_233, %mul3A_229 : vector<16xf32>
        %sub3A_235 = arith.constant 1.500000e+00 : f32
        %sub3A_236 = vector.broadcast %sub3A_235 : f32 to vector<16xf32>
        %sub3A_237 = arith.subf %sub3A_236, %mul3A_234 : vector<16xf32>
        %mul3A_238 = arith.mulf %mul3A_229, %sub3A_237 : vector<16xf32>
        %mul3A_239 = arith.mulf %max3A_200, %mul3A_238 : vector<16xf32>
        %abs3A = math.absf %mul3A_239 : vector<16xf32>
        %abs3A_240 = math.absf %min3A_193 : vector<16xf32>
        %gt3A = arith.cmpf ogt, %abs3A, %abs3A_240 : vector<16xf32>
        %select_n3A = arith.select %gt3A, %abs3A_240, %abs3A : vector<16xi1>, vector<16xf32>
        %select_n3A_241 = arith.select %gt3A, %abs3A, %abs3A_240 : vector<16xi1>, vector<16xf32>
        %max3A_242 = arith.constant 9.99999991E-38 : f32
        %max3A_243 = vector.broadcast %max3A_242 : f32 to vector<16xf32>
        %max3A_244 = arith.maximumf %select_n3A_241, %max3A_243 : vector<16xf32>
        %div3A_245 = arith.divf %select_n3A, %max3A_244 : vector<16xf32>
        %mul3A_246 = arith.mulf %div3A_245, %div3A_245 : vector<16xf32>
        %broadcast_in_dim3A_247 = arith.constant 2.398140e-03 : f32
        %broadcast_in_dim3A_248 = vector.broadcast %broadcast_in_dim3A_247 : f32 to vector<16xf32>
        %mul3A_249 = arith.mulf %broadcast_in_dim3A_248, %mul3A_246 : vector<16xf32>
        %add3A_250 = arith.constant -0.0141523499 : f32
        %add3A_251 = vector.broadcast %add3A_250 : f32 to vector<16xf32>
        %add3A_252 = arith.addf %mul3A_249, %add3A_251 : vector<16xf32>
        %mul3A_253 = arith.mulf %add3A_252, %mul3A_246 : vector<16xf32>
        %add3A_254 = arith.constant 0.0393454097 : f32
        %add3A_255 = vector.broadcast %add3A_254 : f32 to vector<16xf32>
        %add3A_256 = arith.addf %mul3A_253, %add3A_255 : vector<16xf32>
        %mul3A_257 = arith.mulf %add3A_256, %mul3A_246 : vector<16xf32>
        %add3A_258 = arith.constant -0.0719438419 : f32
        %add3A_259 = vector.broadcast %add3A_258 : f32 to vector<16xf32>
        %add3A_260 = arith.addf %mul3A_257, %add3A_259 : vector<16xf32>
        %mul3A_261 = arith.mulf %add3A_260, %mul3A_246 : vector<16xf32>
        %add3A_262 = arith.constant 0.104775392 : f32
        %add3A_263 = vector.broadcast %add3A_262 : f32 to vector<16xf32>
        %add3A_264 = arith.addf %mul3A_261, %add3A_263 : vector<16xf32>
        %mul3A_265 = arith.mulf %add3A_264, %mul3A_246 : vector<16xf32>
        %add3A_266 = arith.constant -0.141548067 : f32
        %add3A_267 = vector.broadcast %add3A_266 : f32 to vector<16xf32>
        %add3A_268 = arith.addf %mul3A_265, %add3A_267 : vector<16xf32>
        %mul3A_269 = arith.mulf %add3A_268, %mul3A_246 : vector<16xf32>
        %add3A_270 = arith.constant 0.199848846 : f32
        %add3A_271 = vector.broadcast %add3A_270 : f32 to vector<16xf32>
        %add3A_272 = arith.addf %mul3A_269, %add3A_271 : vector<16xf32>
        %mul3A_273 = arith.mulf %add3A_272, %mul3A_246 : vector<16xf32>
        %add3A_274 = arith.constant -0.333325237 : f32
        %add3A_275 = vector.broadcast %add3A_274 : f32 to vector<16xf32>
        %add3A_276 = arith.addf %mul3A_273, %add3A_275 : vector<16xf32>
        %mul3A_277 = arith.mulf %add3A_276, %mul3A_246 : vector<16xf32>
        %add3A_278 = arith.constant 0.99999988 : f32
        %add3A_279 = vector.broadcast %add3A_278 : f32 to vector<16xf32>
        %add3A_280 = arith.addf %mul3A_277, %add3A_279 : vector<16xf32>
        %mul3A_281 = arith.mulf %add3A_280, %div3A_245 : vector<16xf32>
        %sub3A_282 = arith.constant 1.57079637 : f32
        %sub3A_283 = vector.broadcast %sub3A_282 : f32 to vector<16xf32>
        %sub3A_284 = arith.subf %sub3A_283, %mul3A_281 : vector<16xf32>
        %select_n3A_285 = arith.select %gt3A, %sub3A_284, %mul3A_281 : vector<16xi1>, vector<16xf32>
        %lt3A = arith.constant 0.000000e+00 : f32
        %lt3A_286 = vector.broadcast %lt3A : f32 to vector<16xf32>
        %lt3A_287 = arith.cmpf olt, %min3A_193, %lt3A_286 : vector<16xf32>
        %sub3A_288 = arith.constant 3.14159274 : f32
        %sub3A_289 = vector.broadcast %sub3A_288 : f32 to vector<16xf32>
        %sub3A_290 = arith.subf %sub3A_289, %select_n3A_285 : vector<16xf32>
        %select_n3A_291 = arith.select %lt3A_287, %sub3A_290, %select_n3A_285 : vector<16xi1>, vector<16xf32>
        %lt3A_292 = arith.constant 0.000000e+00 : f32
        %lt3A_293 = vector.broadcast %lt3A_292 : f32 to vector<16xf32>
        %lt3A_294 = arith.cmpf olt, %mul3A_239, %lt3A_293 : vector<16xf32>
        %neg3A = arith.constant 0.000000e+00 : f32
        %neg3A_295 = vector.broadcast %neg3A : f32 to vector<16xf32>
        %neg3A_296 = arith.subf %neg3A_295, %select_n3A_291 : vector<16xf32>
        %select_n3A_297 = arith.select %lt3A_294, %neg3A_296, %select_n3A_291 : vector<16xi1>, vector<16xf32>
        %mul3A_298 = arith.constant 3.14159274 : f32
        %mul3A_299 = vector.broadcast %mul3A_298 : f32 to vector<16xf32>
        %mul3A_300 = arith.mulf %gather3A_85, %mul3A_299 : vector<16xf32>
        %sub3A_301 = arith.subf %select_n3A_297, %mul3A_300 : vector<16xf32>
        %mul3A_302 = arith.mulf %gather3A_86, %sub3A_301 : vector<16xf32>
        %mul3A_303 = arith.mulf %mul3A_302, %sub3A_301 : vector<16xf32>
        %add3A_304 = arith.addf %scan3A_54, %mul3A_303 : vector<16xf32>
        scf.yield %add3A_304 : vector<16xf32>
      }
      %scan3A_52 = arith.constant 125 : i32
      scf.yield %scan3A_51 : vector<16xf32>
    }
    %scan3A_16 = arith.constant 25 : i32
    %scan3A_17 = arith.constant 0 : i32
    %scan3A_18 = arith.constant 25 : i32
    %scan3A_19 = arith.addi %scan3A_17, %scan3A_18 : i32
    %scan3A_20 = arith.constant 1 : i32
    %scan3A_21 = scf.for %scan3A_26 = %scan3A_17 to %scan3A_19 step %scan3A_20 iter_args(%scan3A_27 = %scan3A_15) -> (vector<16xf32>)  : i32 {
      %mul3A_28 = arith.constant 2000 : i32
      %mul3A_29 = arith.muli %scan3A_26, %mul3A_28 : i32
      %add3A_30 = arith.addi %mul3A_2, %mul3A_29 : i32
      "tpu.region"() ({
        %run_scoped3A = tpu.sem_alloc : memref<!tpu.dma_semaphore, #tpu.memory_space<semaphore_mem>>
        %dma_start3A_59 = tpu.memref_slice %arg12[%add3A_30] : memref<1600000xi32, #tpu.memory_space<hbm>> -> memref<2000xi32, #tpu.memory_space<hbm>>
        %dma_start3A_60 = tpu.memref_slice %arg12[%add3A_30] : memref<1600000xi32, #tpu.memory_space<hbm>> -> memref<2000xi32, #tpu.memory_space<hbm>>
        tpu.enqueue_dma source(%dma_start3A_60 : memref<2000xi32, #tpu.memory_space<hbm>>) target(%arg20 : memref<2000xi32, #tpu.memory_space<vmem>>) target_semaphore(%run_scoped3A : memref<!tpu.dma_semaphore, #tpu.memory_space<semaphore_mem>>)
        %dma_wait3A_61 = tpu.memref_slice %arg12[%add3A_30] : memref<1600000xi32, #tpu.memory_space<hbm>> -> memref<2000xi32, #tpu.memory_space<hbm>>
        %dma_wait3A_62 = tpu.memref_slice %arg12[%add3A_30] : memref<1600000xi32, #tpu.memory_space<hbm>> -> memref<2000xi32, #tpu.memory_space<hbm>>
        tpu.wait_dma2 semaphore(%run_scoped3A : memref<!tpu.dma_semaphore, #tpu.memory_space<semaphore_mem>>) src(%dma_wait3A_62 : memref<2000xi32, #tpu.memory_space<hbm>>) dst(%arg20 : memref<2000xi32, #tpu.memory_space<vmem>>)
        tpu.yield
      }) : () -> ()
      "tpu.region"() ({
        %run_scoped3A = tpu.sem_alloc : memref<!tpu.dma_semaphore, #tpu.memory_space<semaphore_mem>>
        %dma_start3A_59 = tpu.memref_slice %arg13[%add3A_30] : memref<1600000xi32, #tpu.memory_space<hbm>> -> memref<2000xi32, #tpu.memory_space<hbm>>
        %dma_start3A_60 = tpu.memref_slice %arg13[%add3A_30] : memref<1600000xi32, #tpu.memory_space<hbm>> -> memref<2000xi32, #tpu.memory_space<hbm>>
        tpu.enqueue_dma source(%dma_start3A_60 : memref<2000xi32, #tpu.memory_space<hbm>>) target(%arg21 : memref<2000xi32, #tpu.memory_space<vmem>>) target_semaphore(%run_scoped3A : memref<!tpu.dma_semaphore, #tpu.memory_space<semaphore_mem>>)
        %dma_wait3A_61 = tpu.memref_slice %arg13[%add3A_30] : memref<1600000xi32, #tpu.memory_space<hbm>> -> memref<2000xi32, #tpu.memory_space<hbm>>
        %dma_wait3A_62 = tpu.memref_slice %arg13[%add3A_30] : memref<1600000xi32, #tpu.memory_space<hbm>> -> memref<2000xi32, #tpu.memory_space<hbm>>
        tpu.wait_dma2 semaphore(%run_scoped3A : memref<!tpu.dma_semaphore, #tpu.memory_space<semaphore_mem>>) src(%dma_wait3A_62 : memref<2000xi32, #tpu.memory_space<hbm>>) dst(%arg21 : memref<2000xi32, #tpu.memory_space<vmem>>)
        tpu.yield
      }) : () -> ()
      "tpu.region"() ({
        %run_scoped3A = tpu.sem_alloc : memref<!tpu.dma_semaphore, #tpu.memory_space<semaphore_mem>>
        %dma_start3A_59 = tpu.memref_slice %arg14[%add3A_30] : memref<1600000xi32, #tpu.memory_space<hbm>> -> memref<2000xi32, #tpu.memory_space<hbm>>
        %dma_start3A_60 = tpu.memref_slice %arg14[%add3A_30] : memref<1600000xi32, #tpu.memory_space<hbm>> -> memref<2000xi32, #tpu.memory_space<hbm>>
        tpu.enqueue_dma source(%dma_start3A_60 : memref<2000xi32, #tpu.memory_space<hbm>>) target(%arg22 : memref<2000xi32, #tpu.memory_space<vmem>>) target_semaphore(%run_scoped3A : memref<!tpu.dma_semaphore, #tpu.memory_space<semaphore_mem>>)
        %dma_wait3A_61 = tpu.memref_slice %arg14[%add3A_30] : memref<1600000xi32, #tpu.memory_space<hbm>> -> memref<2000xi32, #tpu.memory_space<hbm>>
        %dma_wait3A_62 = tpu.memref_slice %arg14[%add3A_30] : memref<1600000xi32, #tpu.memory_space<hbm>> -> memref<2000xi32, #tpu.memory_space<hbm>>
        tpu.wait_dma2 semaphore(%run_scoped3A : memref<!tpu.dma_semaphore, #tpu.memory_space<semaphore_mem>>) src(%dma_wait3A_62 : memref<2000xi32, #tpu.memory_space<hbm>>) dst(%arg22 : memref<2000xi32, #tpu.memory_space<vmem>>)
        tpu.yield
      }) : () -> ()
      "tpu.region"() ({
        %run_scoped3A = tpu.sem_alloc : memref<!tpu.dma_semaphore, #tpu.memory_space<semaphore_mem>>
        %dma_start3A_59 = tpu.memref_slice %arg15[%add3A_30] : memref<1600000xi32, #tpu.memory_space<hbm>> -> memref<2000xi32, #tpu.memory_space<hbm>>
        %dma_start3A_60 = tpu.memref_slice %arg15[%add3A_30] : memref<1600000xi32, #tpu.memory_space<hbm>> -> memref<2000xi32, #tpu.memory_space<hbm>>
        tpu.enqueue_dma source(%dma_start3A_60 : memref<2000xi32, #tpu.memory_space<hbm>>) target(%arg23 : memref<2000xi32, #tpu.memory_space<vmem>>) target_semaphore(%run_scoped3A : memref<!tpu.dma_semaphore, #tpu.memory_space<semaphore_mem>>)
        %dma_wait3A_61 = tpu.memref_slice %arg15[%add3A_30] : memref<1600000xi32, #tpu.memory_space<hbm>> -> memref<2000xi32, #tpu.memory_space<hbm>>
        %dma_wait3A_62 = tpu.memref_slice %arg15[%add3A_30] : memref<1600000xi32, #tpu.memory_space<hbm>> -> memref<2000xi32, #tpu.memory_space<hbm>>
        tpu.wait_dma2 semaphore(%run_scoped3A : memref<!tpu.dma_semaphore, #tpu.memory_space<semaphore_mem>>) src(%dma_wait3A_62 : memref<2000xi32, #tpu.memory_space<hbm>>) dst(%arg23 : memref<2000xi32, #tpu.memory_space<vmem>>)
        tpu.yield
      }) : () -> ()
      "tpu.region"() ({
        %run_scoped3A = tpu.sem_alloc : memref<!tpu.dma_semaphore, #tpu.memory_space<semaphore_mem>>
        %dma_start3A_59 = tpu.memref_slice %arg16[%add3A_30] : memref<1600000xf32, #tpu.memory_space<hbm>> -> memref<2000xf32, #tpu.memory_space<hbm>>
        %dma_start3A_60 = tpu.memref_slice %arg16[%add3A_30] : memref<1600000xf32, #tpu.memory_space<hbm>> -> memref<2000xf32, #tpu.memory_space<hbm>>
        tpu.enqueue_dma source(%dma_start3A_60 : memref<2000xf32, #tpu.memory_space<hbm>>) target(%arg24 : memref<2000xf32, #tpu.memory_space<vmem>>) target_semaphore(%run_scoped3A : memref<!tpu.dma_semaphore, #tpu.memory_space<semaphore_mem>>)
        %dma_wait3A_61 = tpu.memref_slice %arg16[%add3A_30] : memref<1600000xf32, #tpu.memory_space<hbm>> -> memref<2000xf32, #tpu.memory_space<hbm>>
        %dma_wait3A_62 = tpu.memref_slice %arg16[%add3A_30] : memref<1600000xf32, #tpu.memory_space<hbm>> -> memref<2000xf32, #tpu.memory_space<hbm>>
        tpu.wait_dma2 semaphore(%run_scoped3A : memref<!tpu.dma_semaphore, #tpu.memory_space<semaphore_mem>>) src(%dma_wait3A_62 : memref<2000xf32, #tpu.memory_space<hbm>>) dst(%arg24 : memref<2000xf32, #tpu.memory_space<vmem>>)
        tpu.yield
      }) : () -> ()
      "tpu.region"() ({
        %run_scoped3A = tpu.sem_alloc : memref<!tpu.dma_semaphore, #tpu.memory_space<semaphore_mem>>
        %dma_start3A_59 = tpu.memref_slice %arg17[%add3A_30] : memref<1600000xf32, #tpu.memory_space<hbm>> -> memref<2000xf32, #tpu.memory_space<hbm>>
        %dma_start3A_60 = tpu.memref_slice %arg17[%add3A_30] : memref<1600000xf32, #tpu.memory_space<hbm>> -> memref<2000xf32, #tpu.memory_space<hbm>>
        tpu.enqueue_dma source(%dma_start3A_60 : memref<2000xf32, #tpu.memory_space<hbm>>) target(%arg25 : memref<2000xf32, #tpu.memory_space<vmem>>) target_semaphore(%run_scoped3A : memref<!tpu.dma_semaphore, #tpu.memory_space<semaphore_mem>>)
        %dma_wait3A_61 = tpu.memref_slice %arg17[%add3A_30] : memref<1600000xf32, #tpu.memory_space<hbm>> -> memref<2000xf32, #tpu.memory_space<hbm>>
        %dma_wait3A_62 = tpu.memref_slice %arg17[%add3A_30] : memref<1600000xf32, #tpu.memory_space<hbm>> -> memref<2000xf32, #tpu.memory_space<hbm>>
        tpu.wait_dma2 semaphore(%run_scoped3A : memref<!tpu.dma_semaphore, #tpu.memory_space<semaphore_mem>>) src(%dma_wait3A_62 : memref<2000xf32, #tpu.memory_space<hbm>>) dst(%arg25 : memref<2000xf32, #tpu.memory_space<vmem>>)
        tpu.yield
      }) : () -> ()
      "tpu.region"() ({
        %run_scoped3A = tpu.sem_alloc : memref<!tpu.dma_semaphore, #tpu.memory_space<semaphore_mem>>
        %dma_start3A_59 = tpu.memref_slice %arg18[%add3A_30] : memref<1600000xf32, #tpu.memory_space<hbm>> -> memref<2000xf32, #tpu.memory_space<hbm>>
        %dma_start3A_60 = tpu.memref_slice %arg18[%add3A_30] : memref<1600000xf32, #tpu.memory_space<hbm>> -> memref<2000xf32, #tpu.memory_space<hbm>>
        tpu.enqueue_dma source(%dma_start3A_60 : memref<2000xf32, #tpu.memory_space<hbm>>) target(%arg26 : memref<2000xf32, #tpu.memory_space<vmem>>) target_semaphore(%run_scoped3A : memref<!tpu.dma_semaphore, #tpu.memory_space<semaphore_mem>>)
        %dma_wait3A_61 = tpu.memref_slice %arg18[%add3A_30] : memref<1600000xf32, #tpu.memory_space<hbm>> -> memref<2000xf32, #tpu.memory_space<hbm>>
        %dma_wait3A_62 = tpu.memref_slice %arg18[%add3A_30] : memref<1600000xf32, #tpu.memory_space<hbm>> -> memref<2000xf32, #tpu.memory_space<hbm>>
        tpu.wait_dma2 semaphore(%run_scoped3A : memref<!tpu.dma_semaphore, #tpu.memory_space<semaphore_mem>>) src(%dma_wait3A_62 : memref<2000xf32, #tpu.memory_space<hbm>>) dst(%arg26 : memref<2000xf32, #tpu.memory_space<vmem>>)
        tpu.yield
      }) : () -> ()
      %dma_start3A = arith.constant 0 : i32
      %dma_start3A_31 = arith.constant 0 : i32
      %dma_start3A_32 = tpu.memref_slice %arg2[%dma_start3A, %dma_start3A_31] : memref<50000x3xf32, #tpu.memory_space<hbm>> -> memref<50000x3xf32, #tpu.memory_space<hbm>>
      tpu.enqueue_indirect_dma source(%dma_start3A_32 : memref<50000x3xf32, #tpu.memory_space<hbm>>) target(%arg27 : memref<2000x3xf32, #tpu.memory_space<vmem>>) offsets(%arg20 : memref<2000xi32, #tpu.memory_space<vmem>>) semaphore(%arg32 : memref<!tpu.dma_semaphore, #tpu.memory_space<semaphore_mem>>)
      %dma_start3A_33 = arith.constant 0 : i32
      %dma_start3A_34 = arith.constant 0 : i32
      %dma_start3A_35 = tpu.memref_slice %arg2[%dma_start3A_33, %dma_start3A_34] : memref<50000x3xf32, #tpu.memory_space<hbm>> -> memref<50000x3xf32, #tpu.memory_space<hbm>>
      tpu.enqueue_indirect_dma source(%dma_start3A_35 : memref<50000x3xf32, #tpu.memory_space<hbm>>) target(%arg28 : memref<2000x3xf32, #tpu.memory_space<vmem>>) offsets(%arg21 : memref<2000xi32, #tpu.memory_space<vmem>>) semaphore(%arg32 : memref<!tpu.dma_semaphore, #tpu.memory_space<semaphore_mem>>)
      %dma_start3A_36 = arith.constant 0 : i32
      %dma_start3A_37 = arith.constant 0 : i32
      %dma_start3A_38 = tpu.memref_slice %arg2[%dma_start3A_36, %dma_start3A_37] : memref<50000x3xf32, #tpu.memory_space<hbm>> -> memref<50000x3xf32, #tpu.memory_space<hbm>>
      tpu.enqueue_indirect_dma source(%dma_start3A_38 : memref<50000x3xf32, #tpu.memory_space<hbm>>) target(%arg29 : memref<2000x3xf32, #tpu.memory_space<vmem>>) offsets(%arg22 : memref<2000xi32, #tpu.memory_space<vmem>>) semaphore(%arg32 : memref<!tpu.dma_semaphore, #tpu.memory_space<semaphore_mem>>)
      %dma_start3A_39 = arith.constant 0 : i32
      %dma_start3A_40 = arith.constant 0 : i32
      %dma_start3A_41 = tpu.memref_slice %arg2[%dma_start3A_39, %dma_start3A_40] : memref<50000x3xf32, #tpu.memory_space<hbm>> -> memref<50000x3xf32, #tpu.memory_space<hbm>>
      tpu.enqueue_indirect_dma source(%dma_start3A_41 : memref<50000x3xf32, #tpu.memory_space<hbm>>) target(%arg30 : memref<2000x3xf32, #tpu.memory_space<vmem>>) offsets(%arg23 : memref<2000xi32, #tpu.memory_space<vmem>>) semaphore(%arg32 : memref<!tpu.dma_semaphore, #tpu.memory_space<semaphore_mem>>)
      %dma_wait3A = arith.constant 0 : i32
      %dma_wait3A_42 = arith.constant 0 : i32
      %dma_wait3A_43 = tpu.memref_slice %arg2[%dma_wait3A, %dma_wait3A_42] : memref<50000x3xf32, #tpu.memory_space<hbm>> -> memref<50000x3xf32, #tpu.memory_space<hbm>>
      tpu.wait_indirect_dma semaphore(%arg32 : memref<!tpu.dma_semaphore, #tpu.memory_space<semaphore_mem>>) src(%dma_wait3A_43 : memref<50000x3xf32, #tpu.memory_space<hbm>>) dst(%arg27 : memref<2000x3xf32, #tpu.memory_space<vmem>>)
      %dma_wait3A_44 = arith.constant 0 : i32
      %dma_wait3A_45 = arith.constant 0 : i32
      %dma_wait3A_46 = tpu.memref_slice %arg2[%dma_wait3A_44, %dma_wait3A_45] : memref<50000x3xf32, #tpu.memory_space<hbm>> -> memref<50000x3xf32, #tpu.memory_space<hbm>>
      tpu.wait_indirect_dma semaphore(%arg32 : memref<!tpu.dma_semaphore, #tpu.memory_space<semaphore_mem>>) src(%dma_wait3A_46 : memref<50000x3xf32, #tpu.memory_space<hbm>>) dst(%arg28 : memref<2000x3xf32, #tpu.memory_space<vmem>>)
      %dma_wait3A_47 = arith.constant 0 : i32
      %dma_wait3A_48 = arith.constant 0 : i32
      %dma_wait3A_49 = tpu.memref_slice %arg2[%dma_wait3A_47, %dma_wait3A_48] : memref<50000x3xf32, #tpu.memory_space<hbm>> -> memref<50000x3xf32, #tpu.memory_space<hbm>>
      tpu.wait_indirect_dma semaphore(%arg32 : memref<!tpu.dma_semaphore, #tpu.memory_space<semaphore_mem>>) src(%dma_wait3A_49 : memref<50000x3xf32, #tpu.memory_space<hbm>>) dst(%arg29 : memref<2000x3xf32, #tpu.memory_space<vmem>>)
      %dma_wait3A_50 = arith.constant 0 : i32
      %dma_wait3A_51 = arith.constant 0 : i32
      %dma_wait3A_52 = tpu.memref_slice %arg2[%dma_wait3A_50, %dma_wait3A_51] : memref<50000x3xf32, #tpu.memory_space<hbm>> -> memref<50000x3xf32, #tpu.memory_space<hbm>>
      tpu.wait_indirect_dma semaphore(%arg32 : memref<!tpu.dma_semaphore, #tpu.memory_space<semaphore_mem>>) src(%dma_wait3A_52 : memref<50000x3xf32, #tpu.memory_space<hbm>>) dst(%arg30 : memref<2000x3xf32, #tpu.memory_space<vmem>>)
      %scan3A_53 = arith.constant 0 : i32
      %scan3A_54 = arith.constant 125 : i32
      %scan3A_55 = arith.addi %scan3A_53, %scan3A_54 : i32
      %scan3A_56 = arith.constant 1 : i32
      %scan3A_57 = scf.for %scan3A_59 = %scan3A_53 to %scan3A_55 step %scan3A_56 iter_args(%scan3A_60 = %scan3A_27) -> (vector<16xf32>)  : i32 {
        %mul3A_61 = arith.constant 16 : i32
        %mul3A_62 = arith.muli %scan3A_59, %mul3A_61 : i32
        %add3A_63 = vector.broadcast %mul3A_62 : i32 to vector<16xi32>
        %add3A_64 = arith.addi %add3A_63, %iota3A : vector<16xi32>
        %gather3A = tpu.vector_load_idx %arg27[%add3A_64, %broadcast_in_dim3A_3] : memref<2000x3xf32, #tpu.memory_space<vmem>>[vector<16xi32>, vector<16xi32>], vector<16xf32>,
        %add3A_65 = arith.constant 1 : i32
        %add3A_66 = vector.broadcast %add3A_65 : i32 to vector<16xi32>
        %add3A_67 = arith.addi %broadcast_in_dim3A_3, %add3A_66 : vector<16xi32>
        %gather3A_68 = tpu.vector_load_idx %arg27[%add3A_64, %add3A_67] : memref<2000x3xf32, #tpu.memory_space<vmem>>[vector<16xi32>, vector<16xi32>], vector<16xf32>,
        %add3A_69 = arith.constant 2 : i32
        %add3A_70 = vector.broadcast %add3A_69 : i32 to vector<16xi32>
        %add3A_71 = arith.addi %broadcast_in_dim3A_3, %add3A_70 : vector<16xi32>
        %gather3A_72 = tpu.vector_load_idx %arg27[%add3A_64, %add3A_71] : memref<2000x3xf32, #tpu.memory_space<vmem>>[vector<16xi32>, vector<16xi32>], vector<16xf32>,
        %gather3A_73 = tpu.vector_load_idx %arg28[%add3A_64, %broadcast_in_dim3A_3] : memref<2000x3xf32, #tpu.memory_space<vmem>>[vector<16xi32>, vector<16xi32>], vector<16xf32>,
        %add3A_74 = arith.constant 1 : i32
        %add3A_75 = vector.broadcast %add3A_74 : i32 to vector<16xi32>
        %add3A_76 = arith.addi %broadcast_in_dim3A_3, %add3A_75 : vector<16xi32>
        %gather3A_77 = tpu.vector_load_idx %arg28[%add3A_64, %add3A_76] : memref<2000x3xf32, #tpu.memory_space<vmem>>[vector<16xi32>, vector<16xi32>], vector<16xf32>,
        %add3A_78 = arith.constant 2 : i32
        %add3A_79 = vector.broadcast %add3A_78 : i32 to vector<16xi32>
        %add3A_80 = arith.addi %broadcast_in_dim3A_3, %add3A_79 : vector<16xi32>
        %gather3A_81 = tpu.vector_load_idx %arg28[%add3A_64, %add3A_80] : memref<2000x3xf32, #tpu.memory_space<vmem>>[vector<16xi32>, vector<16xi32>], vector<16xf32>,
        %gather3A_82 = tpu.vector_load_idx %arg29[%add3A_64, %broadcast_in_dim3A_3] : memref<2000x3xf32, #tpu.memory_space<vmem>>[vector<16xi32>, vector<16xi32>], vector<16xf32>,
        %add3A_83 = arith.constant 1 : i32
        %add3A_84 = vector.broadcast %add3A_83 : i32 to vector<16xi32>
        %add3A_85 = arith.addi %broadcast_in_dim3A_3, %add3A_84 : vector<16xi32>
        %gather3A_86 = tpu.vector_load_idx %arg29[%add3A_64, %add3A_85] : memref<2000x3xf32, #tpu.memory_space<vmem>>[vector<16xi32>, vector<16xi32>], vector<16xf32>,
        %add3A_87 = arith.constant 2 : i32
        %add3A_88 = vector.broadcast %add3A_87 : i32 to vector<16xi32>
        %add3A_89 = arith.addi %broadcast_in_dim3A_3, %add3A_88 : vector<16xi32>
        %gather3A_90 = tpu.vector_load_idx %arg29[%add3A_64, %add3A_89] : memref<2000x3xf32, #tpu.memory_space<vmem>>[vector<16xi32>, vector<16xi32>], vector<16xf32>,
        %gather3A_91 = tpu.vector_load_idx %arg30[%add3A_64, %broadcast_in_dim3A_3] : memref<2000x3xf32, #tpu.memory_space<vmem>>[vector<16xi32>, vector<16xi32>], vector<16xf32>,
        %add3A_92 = arith.constant 1 : i32
        %add3A_93 = vector.broadcast %add3A_92 : i32 to vector<16xi32>
        %add3A_94 = arith.addi %broadcast_in_dim3A_3, %add3A_93 : vector<16xi32>
        %gather3A_95 = tpu.vector_load_idx %arg30[%add3A_64, %add3A_94] : memref<2000x3xf32, #tpu.memory_space<vmem>>[vector<16xi32>, vector<16xi32>], vector<16xf32>,
        %add3A_96 = arith.constant 2 : i32
        %add3A_97 = vector.broadcast %add3A_96 : i32 to vector<16xi32>
        %add3A_98 = arith.addi %broadcast_in_dim3A_3, %add3A_97 : vector<16xi32>
        %gather3A_99 = tpu.vector_load_idx %arg30[%add3A_64, %add3A_98] : memref<2000x3xf32, #tpu.memory_space<vmem>>[vector<16xi32>, vector<16xi32>], vector<16xf32>,
        %gather3A_100 = tpu.vector_load_idx %arg24[%add3A_64] : memref<2000xf32, #tpu.memory_space<vmem>>[vector<16xi32>], vector<16xf32>,
        %gather3A_101 = tpu.vector_load_idx %arg25[%add3A_64] : memref<2000xf32, #tpu.memory_space<vmem>>[vector<16xi32>], vector<16xf32>,
        %gather3A_102 = tpu.vector_load_idx %arg26[%add3A_64] : memref<2000xf32, #tpu.memory_space<vmem>>[vector<16xi32>], vector<16xf32>,
        %sub3A = arith.subf %gather3A_73, %gather3A : vector<16xf32>
        %sub3A_103 = arith.subf %gather3A_77, %gather3A_68 : vector<16xf32>
        %sub3A_104 = arith.subf %gather3A_81, %gather3A_72 : vector<16xf32>
        %sub3A_105 = arith.subf %gather3A_82, %gather3A_73 : vector<16xf32>
        %sub3A_106 = arith.subf %gather3A_86, %gather3A_77 : vector<16xf32>
        %sub3A_107 = arith.subf %gather3A_90, %gather3A_81 : vector<16xf32>
        %sub3A_108 = arith.subf %gather3A_91, %gather3A_82 : vector<16xf32>
        %sub3A_109 = arith.subf %gather3A_95, %gather3A_86 : vector<16xf32>
        %sub3A_110 = arith.subf %gather3A_99, %gather3A_90 : vector<16xf32>
        %mul3A_111 = arith.mulf %sub3A_103, %sub3A_107 : vector<16xf32>
        %mul3A_112 = arith.mulf %sub3A_104, %sub3A_106 : vector<16xf32>
        %sub3A_113 = arith.subf %mul3A_111, %mul3A_112 : vector<16xf32>
        %mul3A_114 = arith.mulf %sub3A_104, %sub3A_105 : vector<16xf32>
        %mul3A_115 = arith.mulf %sub3A, %sub3A_107 : vector<16xf32>
        %sub3A_116 = arith.subf %mul3A_114, %mul3A_115 : vector<16xf32>
        %mul3A_117 = arith.mulf %sub3A, %sub3A_106 : vector<16xf32>
        %mul3A_118 = arith.mulf %sub3A_103, %sub3A_105 : vector<16xf32>
        %sub3A_119 = arith.subf %mul3A_117, %mul3A_118 : vector<16xf32>
        %mul3A_120 = arith.mulf %sub3A_106, %sub3A_110 : vector<16xf32>
        %mul3A_121 = arith.mulf %sub3A_107, %sub3A_109 : vector<16xf32>
        %sub3A_122 = arith.subf %mul3A_120, %mul3A_121 : vector<16xf32>
        %mul3A_123 = arith.mulf %sub3A_107, %sub3A_108 : vector<16xf32>
        %mul3A_124 = arith.mulf %sub3A_105, %sub3A_110 : vector<16xf32>
        %sub3A_125 = arith.subf %mul3A_123, %mul3A_124 : vector<16xf32>
        %mul3A_126 = arith.mulf %sub3A_105, %sub3A_109 : vector<16xf32>
        %mul3A_127 = arith.mulf %sub3A_106, %sub3A_108 : vector<16xf32>
        %sub3A_128 = arith.subf %mul3A_126, %mul3A_127 : vector<16xf32>
        %mul3A_129 = arith.mulf %sub3A_113, %sub3A_113 : vector<16xf32>
        %mul3A_130 = arith.mulf %sub3A_116, %sub3A_116 : vector<16xf32>
        %add3A_131 = arith.addf %mul3A_129, %mul3A_130 : vector<16xf32>
        %mul3A_132 = arith.mulf %sub3A_119, %sub3A_119 : vector<16xf32>
        %add3A_133 = arith.addf %add3A_131, %mul3A_132 : vector<16xf32>
        %max3A = arith.constant 1.000000e-30 : f32
        %max3A_134 = vector.broadcast %max3A : f32 to vector<16xf32>
        %max3A_135 = arith.maximumf %add3A_133, %max3A_134 : vector<16xf32>
        %bitcast_convert_type3A = tpu.bitcast %max3A_135 : vector<16xf32> -> vector<16xi32>
        %broadcast_in_dim3A_136 = arith.constant 1 : i32
        %broadcast_in_dim3A_137 = vector.broadcast %broadcast_in_dim3A_136 : i32 to vector<16xi32>
        %shift_right_logical3A = arith.shrui %bitcast_convert_type3A, %broadcast_in_dim3A_137 : vector<16xi32>
        %sub3A_138 = arith.constant 1597463007 : i32
        %sub3A_139 = vector.broadcast %sub3A_138 : i32 to vector<16xi32>
        %sub3A_140 = arith.subi %sub3A_139, %shift_right_logical3A : vector<16xi32>
        %bitcast_convert_type3A_141 = tpu.bitcast %sub3A_140 : vector<16xi32> -> vector<16xf32>
        %mul3A_142 = arith.constant 5.000000e-01 : f32
        %mul3A_143 = vector.broadcast %mul3A_142 : f32 to vector<16xf32>
        %mul3A_144 = arith.mulf %mul3A_143, %max3A_135 : vector<16xf32>
        %mul3A_145 = arith.mulf %mul3A_144, %bitcast_convert_type3A_141 : vector<16xf32>
        %mul3A_146 = arith.mulf %mul3A_145, %bitcast_convert_type3A_141 : vector<16xf32>
        %sub3A_147 = arith.constant 1.500000e+00 : f32
        %sub3A_148 = vector.broadcast %sub3A_147 : f32 to vector<16xf32>
        %sub3A_149 = arith.subf %sub3A_148, %mul3A_146 : vector<16xf32>
        %mul3A_150 = arith.mulf %bitcast_convert_type3A_141, %sub3A_149 : vector<16xf32>
        %mul3A_151 = arith.constant 5.000000e-01 : f32
        %mul3A_152 = vector.broadcast %mul3A_151 : f32 to vector<16xf32>
        %mul3A_153 = arith.mulf %mul3A_152, %max3A_135 : vector<16xf32>
        %mul3A_154 = arith.mulf %mul3A_153, %mul3A_150 : vector<16xf32>
        %mul3A_155 = arith.mulf %mul3A_154, %mul3A_150 : vector<16xf32>
        %sub3A_156 = arith.constant 1.500000e+00 : f32
        %sub3A_157 = vector.broadcast %sub3A_156 : f32 to vector<16xf32>
        %sub3A_158 = arith.subf %sub3A_157, %mul3A_155 : vector<16xf32>
        %mul3A_159 = arith.mulf %mul3A_150, %sub3A_158 : vector<16xf32>
        %mul3A_160 = arith.constant 5.000000e-01 : f32
        %mul3A_161 = vector.broadcast %mul3A_160 : f32 to vector<16xf32>
        %mul3A_162 = arith.mulf %mul3A_161, %max3A_135 : vector<16xf32>
        %mul3A_163 = arith.mulf %mul3A_162, %mul3A_159 : vector<16xf32>
        %mul3A_164 = arith.mulf %mul3A_163, %mul3A_159 : vector<16xf32>
        %sub3A_165 = arith.constant 1.500000e+00 : f32
        %sub3A_166 = vector.broadcast %sub3A_165 : f32 to vector<16xf32>
        %sub3A_167 = arith.subf %sub3A_166, %mul3A_164 : vector<16xf32>
        %mul3A_168 = arith.mulf %mul3A_159, %sub3A_167 : vector<16xf32>
        %mul3A_169 = arith.mulf %add3A_133, %mul3A_168 : vector<16xf32>
        %max3A_170 = arith.constant 9.99999997E-7 : f32
        %max3A_171 = vector.broadcast %max3A_170 : f32 to vector<16xf32>
        %max3A_172 = arith.maximumf %mul3A_169, %max3A_171 : vector<16xf32>
        %div3A = arith.constant 1.000000e+00 : f32
        %div3A_173 = vector.broadcast %div3A : f32 to vector<16xf32>
        %div3A_174 = arith.divf %div3A_173, %max3A_172 : vector<16xf32>
        %mul3A_175 = arith.mulf %sub3A_122, %sub3A_122 : vector<16xf32>
        %mul3A_176 = arith.mulf %sub3A_125, %sub3A_125 : vector<16xf32>
        %add3A_177 = arith.addf %mul3A_175, %mul3A_176 : vector<16xf32>
        %mul3A_178 = arith.mulf %sub3A_128, %sub3A_128 : vector<16xf32>
        %add3A_179 = arith.addf %add3A_177, %mul3A_178 : vector<16xf32>
        %max3A_180 = arith.constant 1.000000e-30 : f32
        %max3A_181 = vector.broadcast %max3A_180 : f32 to vector<16xf32>
        %max3A_182 = arith.maximumf %add3A_179, %max3A_181 : vector<16xf32>
        %bitcast_convert_type3A_183 = tpu.bitcast %max3A_182 : vector<16xf32> -> vector<16xi32>
        %broadcast_in_dim3A_184 = arith.constant 1 : i32
        %broadcast_in_dim3A_185 = vector.broadcast %broadcast_in_dim3A_184 : i32 to vector<16xi32>
        %shift_right_logical3A_186 = arith.shrui %bitcast_convert_type3A_183, %broadcast_in_dim3A_185 : vector<16xi32>
        %sub3A_187 = arith.constant 1597463007 : i32
        %sub3A_188 = vector.broadcast %sub3A_187 : i32 to vector<16xi32>
        %sub3A_189 = arith.subi %sub3A_188, %shift_right_logical3A_186 : vector<16xi32>
        %bitcast_convert_type3A_190 = tpu.bitcast %sub3A_189 : vector<16xi32> -> vector<16xf32>
        %mul3A_191 = arith.constant 5.000000e-01 : f32
        %mul3A_192 = vector.broadcast %mul3A_191 : f32 to vector<16xf32>
        %mul3A_193 = arith.mulf %mul3A_192, %max3A_182 : vector<16xf32>
        %mul3A_194 = arith.mulf %mul3A_193, %bitcast_convert_type3A_190 : vector<16xf32>
        %mul3A_195 = arith.mulf %mul3A_194, %bitcast_convert_type3A_190 : vector<16xf32>
        %sub3A_196 = arith.constant 1.500000e+00 : f32
        %sub3A_197 = vector.broadcast %sub3A_196 : f32 to vector<16xf32>
        %sub3A_198 = arith.subf %sub3A_197, %mul3A_195 : vector<16xf32>
        %mul3A_199 = arith.mulf %bitcast_convert_type3A_190, %sub3A_198 : vector<16xf32>
        %mul3A_200 = arith.constant 5.000000e-01 : f32
        %mul3A_201 = vector.broadcast %mul3A_200 : f32 to vector<16xf32>
        %mul3A_202 = arith.mulf %mul3A_201, %max3A_182 : vector<16xf32>
        %mul3A_203 = arith.mulf %mul3A_202, %mul3A_199 : vector<16xf32>
        %mul3A_204 = arith.mulf %mul3A_203, %mul3A_199 : vector<16xf32>
        %sub3A_205 = arith.constant 1.500000e+00 : f32
        %sub3A_206 = vector.broadcast %sub3A_205 : f32 to vector<16xf32>
        %sub3A_207 = arith.subf %sub3A_206, %mul3A_204 : vector<16xf32>
        %mul3A_208 = arith.mulf %mul3A_199, %sub3A_207 : vector<16xf32>
        %mul3A_209 = arith.constant 5.000000e-01 : f32
        %mul3A_210 = vector.broadcast %mul3A_209 : f32 to vector<16xf32>
        %mul3A_211 = arith.mulf %mul3A_210, %max3A_182 : vector<16xf32>
        %mul3A_212 = arith.mulf %mul3A_211, %mul3A_208 : vector<16xf32>
        %mul3A_213 = arith.mulf %mul3A_212, %mul3A_208 : vector<16xf32>
        %sub3A_214 = arith.constant 1.500000e+00 : f32
        %sub3A_215 = vector.broadcast %sub3A_214 : f32 to vector<16xf32>
        %sub3A_216 = arith.subf %sub3A_215, %mul3A_213 : vector<16xf32>
        %mul3A_217 = arith.mulf %mul3A_208, %sub3A_216 : vector<16xf32>
        %mul3A_218 = arith.mulf %add3A_179, %mul3A_217 : vector<16xf32>
        %max3A_219 = arith.constant 9.99999997E-7 : f32
        %max3A_220 = vector.broadcast %max3A_219 : f32 to vector<16xf32>
        %max3A_221 = arith.maximumf %mul3A_218, %max3A_220 : vector<16xf32>
        %div3A_222 = arith.constant 1.000000e+00 : f32
        %div3A_223 = vector.broadcast %div3A_222 : f32 to vector<16xf32>
        %div3A_224 = arith.divf %div3A_223, %max3A_221 : vector<16xf32>
        %mul3A_225 = arith.mulf %sub3A_113, %div3A_174 : vector<16xf32>
        %mul3A_226 = arith.mulf %sub3A_116, %div3A_174 : vector<16xf32>
        %mul3A_227 = arith.mulf %sub3A_119, %div3A_174 : vector<16xf32>
        %mul3A_228 = arith.mulf %sub3A_122, %div3A_224 : vector<16xf32>
        %mul3A_229 = arith.mulf %sub3A_125, %div3A_224 : vector<16xf32>
        %mul3A_230 = arith.mulf %sub3A_128, %div3A_224 : vector<16xf32>
        %mul3A_231 = arith.mulf %mul3A_225, %mul3A_228 : vector<16xf32>
        %mul3A_232 = arith.mulf %mul3A_226, %mul3A_229 : vector<16xf32>
        %add3A_233 = arith.addf %mul3A_231, %mul3A_232 : vector<16xf32>
        %mul3A_234 = arith.mulf %mul3A_227, %mul3A_230 : vector<16xf32>
        %add3A_235 = arith.addf %add3A_233, %mul3A_234 : vector<16xf32>
        %max3A_236 = arith.constant -1.000000e+00 : f32
        %max3A_237 = vector.broadcast %max3A_236 : f32 to vector<16xf32>
        %max3A_238 = arith.maximumf %add3A_235, %max3A_237 : vector<16xf32>
        %min3A = arith.constant 1.000000e+00 : f32
        %min3A_239 = vector.broadcast %min3A : f32 to vector<16xf32>
        %min3A_240 = arith.minimumf %max3A_238, %min3A_239 : vector<16xf32>
        %mul3A_241 = arith.mulf %sub3A_105, %sub3A_105 : vector<16xf32>
        %mul3A_242 = arith.mulf %sub3A_106, %sub3A_106 : vector<16xf32>
        %add3A_243 = arith.addf %mul3A_241, %mul3A_242 : vector<16xf32>
        %mul3A_244 = arith.mulf %sub3A_107, %sub3A_107 : vector<16xf32>
        %add3A_245 = arith.addf %add3A_243, %mul3A_244 : vector<16xf32>
        %max3A_246 = arith.constant 1.000000e-30 : f32
        %max3A_247 = vector.broadcast %max3A_246 : f32 to vector<16xf32>
        %max3A_248 = arith.maximumf %add3A_245, %max3A_247 : vector<16xf32>
        %bitcast_convert_type3A_249 = tpu.bitcast %max3A_248 : vector<16xf32> -> vector<16xi32>
        %broadcast_in_dim3A_250 = arith.constant 1 : i32
        %broadcast_in_dim3A_251 = vector.broadcast %broadcast_in_dim3A_250 : i32 to vector<16xi32>
        %shift_right_logical3A_252 = arith.shrui %bitcast_convert_type3A_249, %broadcast_in_dim3A_251 : vector<16xi32>
        %sub3A_253 = arith.constant 1597463007 : i32
        %sub3A_254 = vector.broadcast %sub3A_253 : i32 to vector<16xi32>
        %sub3A_255 = arith.subi %sub3A_254, %shift_right_logical3A_252 : vector<16xi32>
        %bitcast_convert_type3A_256 = tpu.bitcast %sub3A_255 : vector<16xi32> -> vector<16xf32>
        %mul3A_257 = arith.constant 5.000000e-01 : f32
        %mul3A_258 = vector.broadcast %mul3A_257 : f32 to vector<16xf32>
        %mul3A_259 = arith.mulf %mul3A_258, %max3A_248 : vector<16xf32>
        %mul3A_260 = arith.mulf %mul3A_259, %bitcast_convert_type3A_256 : vector<16xf32>
        %mul3A_261 = arith.mulf %mul3A_260, %bitcast_convert_type3A_256 : vector<16xf32>
        %sub3A_262 = arith.constant 1.500000e+00 : f32
        %sub3A_263 = vector.broadcast %sub3A_262 : f32 to vector<16xf32>
        %sub3A_264 = arith.subf %sub3A_263, %mul3A_261 : vector<16xf32>
        %mul3A_265 = arith.mulf %bitcast_convert_type3A_256, %sub3A_264 : vector<16xf32>
        %mul3A_266 = arith.constant 5.000000e-01 : f32
        %mul3A_267 = vector.broadcast %mul3A_266 : f32 to vector<16xf32>
        %mul3A_268 = arith.mulf %mul3A_267, %max3A_248 : vector<16xf32>
        %mul3A_269 = arith.mulf %mul3A_268, %mul3A_265 : vector<16xf32>
        %mul3A_270 = arith.mulf %mul3A_269, %mul3A_265 : vector<16xf32>
        %sub3A_271 = arith.constant 1.500000e+00 : f32
        %sub3A_272 = vector.broadcast %sub3A_271 : f32 to vector<16xf32>
        %sub3A_273 = arith.subf %sub3A_272, %mul3A_270 : vector<16xf32>
        %mul3A_274 = arith.mulf %mul3A_265, %sub3A_273 : vector<16xf32>
        %mul3A_275 = arith.constant 5.000000e-01 : f32
        %mul3A_276 = vector.broadcast %mul3A_275 : f32 to vector<16xf32>
        %mul3A_277 = arith.mulf %mul3A_276, %max3A_248 : vector<16xf32>
        %mul3A_278 = arith.mulf %mul3A_277, %mul3A_274 : vector<16xf32>
        %mul3A_279 = arith.mulf %mul3A_278, %mul3A_274 : vector<16xf32>
        %sub3A_280 = arith.constant 1.500000e+00 : f32
        %sub3A_281 = vector.broadcast %sub3A_280 : f32 to vector<16xf32>
        %sub3A_282 = arith.subf %sub3A_281, %mul3A_279 : vector<16xf32>
        %mul3A_283 = arith.mulf %mul3A_274, %sub3A_282 : vector<16xf32>
        %mul3A_284 = arith.mulf %add3A_245, %mul3A_283 : vector<16xf32>
        %max3A_285 = arith.constant 9.99999997E-7 : f32
        %max3A_286 = vector.broadcast %max3A_285 : f32 to vector<16xf32>
        %max3A_287 = arith.maximumf %mul3A_284, %max3A_286 : vector<16xf32>
        %div3A_288 = arith.constant 1.000000e+00 : f32
        %div3A_289 = vector.broadcast %div3A_288 : f32 to vector<16xf32>
        %div3A_290 = arith.divf %div3A_289, %max3A_287 : vector<16xf32>
        %mul3A_291 = arith.mulf %sub3A_105, %div3A_290 : vector<16xf32>
        %mul3A_292 = arith.mulf %sub3A_106, %div3A_290 : vector<16xf32>
        %mul3A_293 = arith.mulf %sub3A_107, %div3A_290 : vector<16xf32>
        %mul3A_294 = arith.mulf %mul3A_226, %mul3A_293 : vector<16xf32>
        %mul3A_295 = arith.mulf %mul3A_227, %mul3A_292 : vector<16xf32>
        %sub3A_296 = arith.subf %mul3A_294, %mul3A_295 : vector<16xf32>
        %mul3A_297 = arith.mulf %mul3A_227, %mul3A_291 : vector<16xf32>
        %mul3A_298 = arith.mulf %mul3A_225, %mul3A_293 : vector<16xf32>
        %sub3A_299 = arith.subf %mul3A_297, %mul3A_298 : vector<16xf32>
        %mul3A_300 = arith.mulf %mul3A_225, %mul3A_292 : vector<16xf32>
        %mul3A_301 = arith.mulf %mul3A_226, %mul3A_291 : vector<16xf32>
        %sub3A_302 = arith.subf %mul3A_300, %mul3A_301 : vector<16xf32>
        %mul3A_303 = arith.mulf %sub3A_296, %mul3A_228 : vector<16xf32>
        %mul3A_304 = arith.mulf %sub3A_299, %mul3A_229 : vector<16xf32>
        %add3A_305 = arith.addf %mul3A_303, %mul3A_304 : vector<16xf32>
        %mul3A_306 = arith.mulf %sub3A_302, %mul3A_230 : vector<16xf32>
        %add3A_307 = arith.addf %add3A_305, %mul3A_306 : vector<16xf32>
        %abs3A = math.absf %add3A_307 : vector<16xf32>
        %abs3A_308 = math.absf %min3A_240 : vector<16xf32>
        %gt3A = arith.cmpf ogt, %abs3A, %abs3A_308 : vector<16xf32>
        %select_n3A = arith.select %gt3A, %abs3A_308, %abs3A : vector<16xi1>, vector<16xf32>
        %select_n3A_309 = arith.select %gt3A, %abs3A, %abs3A_308 : vector<16xi1>, vector<16xf32>
        %max3A_310 = arith.constant 9.99999991E-38 : f32
        %max3A_311 = vector.broadcast %max3A_310 : f32 to vector<16xf32>
        %max3A_312 = arith.maximumf %select_n3A_309, %max3A_311 : vector<16xf32>
        %div3A_313 = arith.divf %select_n3A, %max3A_312 : vector<16xf32>
        %mul3A_314 = arith.mulf %div3A_313, %div3A_313 : vector<16xf32>
        %broadcast_in_dim3A_315 = arith.constant 2.398140e-03 : f32
        %broadcast_in_dim3A_316 = vector.broadcast %broadcast_in_dim3A_315 : f32 to vector<16xf32>
        %mul3A_317 = arith.mulf %broadcast_in_dim3A_316, %mul3A_314 : vector<16xf32>
        %add3A_318 = arith.constant -0.0141523499 : f32
        %add3A_319 = vector.broadcast %add3A_318 : f32 to vector<16xf32>
        %add3A_320 = arith.addf %mul3A_317, %add3A_319 : vector<16xf32>
        %mul3A_321 = arith.mulf %add3A_320, %mul3A_314 : vector<16xf32>
        %add3A_322 = arith.constant 0.0393454097 : f32
        %add3A_323 = vector.broadcast %add3A_322 : f32 to vector<16xf32>
        %add3A_324 = arith.addf %mul3A_321, %add3A_323 : vector<16xf32>
        %mul3A_325 = arith.mulf %add3A_324, %mul3A_314 : vector<16xf32>
        %add3A_326 = arith.constant -0.0719438419 : f32
        %add3A_327 = vector.broadcast %add3A_326 : f32 to vector<16xf32>
        %add3A_328 = arith.addf %mul3A_325, %add3A_327 : vector<16xf32>
        %mul3A_329 = arith.mulf %add3A_328, %mul3A_314 : vector<16xf32>
        %add3A_330 = arith.constant 0.104775392 : f32
        %add3A_331 = vector.broadcast %add3A_330 : f32 to vector<16xf32>
        %add3A_332 = arith.addf %mul3A_329, %add3A_331 : vector<16xf32>
        %mul3A_333 = arith.mulf %add3A_332, %mul3A_314 : vector<16xf32>
        %add3A_334 = arith.constant -0.141548067 : f32
        %add3A_335 = vector.broadcast %add3A_334 : f32 to vector<16xf32>
        %add3A_336 = arith.addf %mul3A_333, %add3A_335 : vector<16xf32>
        %mul3A_337 = arith.mulf %add3A_336, %mul3A_314 : vector<16xf32>
        %add3A_338 = arith.constant 0.199848846 : f32
        %add3A_339 = vector.broadcast %add3A_338 : f32 to vector<16xf32>
        %add3A_340 = arith.addf %mul3A_337, %add3A_339 : vector<16xf32>
        %mul3A_341 = arith.mulf %add3A_340, %mul3A_314 : vector<16xf32>
        %add3A_342 = arith.constant -0.333325237 : f32
        %add3A_343 = vector.broadcast %add3A_342 : f32 to vector<16xf32>
        %add3A_344 = arith.addf %mul3A_341, %add3A_343 : vector<16xf32>
        %mul3A_345 = arith.mulf %add3A_344, %mul3A_314 : vector<16xf32>
        %add3A_346 = arith.constant 0.99999988 : f32
        %add3A_347 = vector.broadcast %add3A_346 : f32 to vector<16xf32>
        %add3A_348 = arith.addf %mul3A_345, %add3A_347 : vector<16xf32>
        %mul3A_349 = arith.mulf %add3A_348, %div3A_313 : vector<16xf32>
        %sub3A_350 = arith.constant 1.57079637 : f32
        %sub3A_351 = vector.broadcast %sub3A_350 : f32 to vector<16xf32>
        %sub3A_352 = arith.subf %sub3A_351, %mul3A_349 : vector<16xf32>
        %select_n3A_353 = arith.select %gt3A, %sub3A_352, %mul3A_349 : vector<16xi1>, vector<16xf32>
        %lt3A = arith.constant 0.000000e+00 : f32
        %lt3A_354 = vector.broadcast %lt3A : f32 to vector<16xf32>
        %lt3A_355 = arith.cmpf olt, %min3A_240, %lt3A_354 : vector<16xf32>
        %sub3A_356 = arith.constant 3.14159274 : f32
        %sub3A_357 = vector.broadcast %sub3A_356 : f32 to vector<16xf32>
        %sub3A_358 = arith.subf %sub3A_357, %select_n3A_353 : vector<16xf32>
        %select_n3A_359 = arith.select %lt3A_355, %sub3A_358, %select_n3A_353 : vector<16xi1>, vector<16xf32>
        %lt3A_360 = arith.constant 0.000000e+00 : f32
        %lt3A_361 = vector.broadcast %lt3A_360 : f32 to vector<16xf32>
        %lt3A_362 = arith.cmpf olt, %add3A_307, %lt3A_361 : vector<16xf32>
        %neg3A = arith.constant 0.000000e+00 : f32
        %neg3A_363 = vector.broadcast %neg3A : f32 to vector<16xf32>
        %neg3A_364 = arith.subf %neg3A_363, %select_n3A_359 : vector<16xf32>
        %select_n3A_365 = arith.select %lt3A_362, %neg3A_364, %select_n3A_359 : vector<16xi1>, vector<16xf32>
        %mul3A_366 = arith.constant 6.000000e+00 : f32
        %mul3A_367 = vector.broadcast %mul3A_366 : f32 to vector<16xf32>
        %mul3A_368 = arith.mulf %gather3A_101, %mul3A_367 : vector<16xf32>
        %convert_element_type3A = arith.fptosi %mul3A_368 : vector<16xf32> to vector<16xi32>
        %convert_element_type3A_369 = arith.sitofp %convert_element_type3A : vector<16xi32> to vector<16xf32>
        %sub3A_370 = arith.subf %mul3A_368, %convert_element_type3A_369 : vector<16xf32>
        %ge3A = arith.constant 5.000000e-01 : f32
        %ge3A_371 = vector.broadcast %ge3A : f32 to vector<16xf32>
        %ge3A_372 = arith.cmpf oge, %sub3A_370, %ge3A_371 : vector<16xf32>
        %jit3A = arith.constant 1 : i32
        %jit3A_373 = arith.constant 0 : i32
        %broadcast_in_dim3A_374 = vector.broadcast %jit3A : i32 to vector<16xi32>
        %broadcast_in_dim3A_375 = vector.broadcast %jit3A_373 : i32 to vector<16xi32>
        %select_n3A_376 = arith.select %ge3A_372, %broadcast_in_dim3A_374, %broadcast_in_dim3A_375 : vector<16xi1>, vector<16xi32>
        %add3A_377 = arith.addi %convert_element_type3A, %select_n3A_376 : vector<16xi32>
        %le3A = arith.constant -5.000000e-01 : f32
        %le3A_378 = vector.broadcast %le3A : f32 to vector<16xf32>
        %le3A_379 = arith.cmpf ole, %sub3A_370, %le3A_378 : vector<16xf32>
        %jit3A_380 = arith.constant -1 : i32
        %jit3A_381 = arith.constant 0 : i32
        %broadcast_in_dim3A_382 = vector.broadcast %jit3A_380 : i32 to vector<16xi32>
        %broadcast_in_dim3A_383 = vector.broadcast %jit3A_381 : i32 to vector<16xi32>
        %select_n3A_384 = arith.select %le3A_379, %broadcast_in_dim3A_382, %broadcast_in_dim3A_383 : vector<16xi1>, vector<16xi32>
        %add3A_385 = arith.addi %add3A_377, %select_n3A_384 : vector<16xi32>
        %convert_element_type3A_386 = arith.sitofp %add3A_385 : vector<16xi32> to vector<16xf32>
        %mul3A_387 = arith.constant 6.28318548 : f32
        %mul3A_388 = vector.broadcast %mul3A_387 : f32 to vector<16xf32>
        %mul3A_389 = arith.mulf %gather3A_102, %mul3A_388 : vector<16xf32>
        %mul3A_390 = arith.mulf %convert_element_type3A_386, %select_n3A_365 : vector<16xf32>
        %sub3A_391 = arith.subf %mul3A_390, %mul3A_389 : vector<16xf32>
        %mul3A_392 = arith.constant 0.636619746 : f32
        %mul3A_393 = vector.broadcast %mul3A_392 : f32 to vector<16xf32>
        %mul3A_394 = arith.mulf %sub3A_391, %mul3A_393 : vector<16xf32>
        %convert_element_type3A_395 = arith.fptosi %mul3A_394 : vector<16xf32> to vector<16xi32>
        %convert_element_type3A_396 = arith.sitofp %convert_element_type3A_395 : vector<16xi32> to vector<16xf32>
        %sub3A_397 = arith.subf %mul3A_394, %convert_element_type3A_396 : vector<16xf32>
        %ge3A_398 = arith.constant 5.000000e-01 : f32
        %ge3A_399 = vector.broadcast %ge3A_398 : f32 to vector<16xf32>
        %ge3A_400 = arith.cmpf oge, %sub3A_397, %ge3A_399 : vector<16xf32>
        %jit3A_401 = arith.constant 1 : i32
        %jit3A_402 = arith.constant 0 : i32
        %broadcast_in_dim3A_403 = vector.broadcast %jit3A_401 : i32 to vector<16xi32>
        %broadcast_in_dim3A_404 = vector.broadcast %jit3A_402 : i32 to vector<16xi32>
        %select_n3A_405 = arith.select %ge3A_400, %broadcast_in_dim3A_403, %broadcast_in_dim3A_404 : vector<16xi1>, vector<16xi32>
        %add3A_406 = arith.addi %convert_element_type3A_395, %select_n3A_405 : vector<16xi32>
        %le3A_407 = arith.constant -5.000000e-01 : f32
        %le3A_408 = vector.broadcast %le3A_407 : f32 to vector<16xf32>
        %le3A_409 = arith.cmpf ole, %sub3A_397, %le3A_408 : vector<16xf32>
        %jit3A_410 = arith.constant -1 : i32
        %jit3A_411 = arith.constant 0 : i32
        %broadcast_in_dim3A_412 = vector.broadcast %jit3A_410 : i32 to vector<16xi32>
        %broadcast_in_dim3A_413 = vector.broadcast %jit3A_411 : i32 to vector<16xi32>
        %select_n3A_414 = arith.select %le3A_409, %broadcast_in_dim3A_412, %broadcast_in_dim3A_413 : vector<16xi1>, vector<16xi32>
        %add3A_415 = arith.addi %add3A_406, %select_n3A_414 : vector<16xi32>
        %convert_element_type3A_416 = arith.sitofp %add3A_415 : vector<16xi32> to vector<16xf32>
        %mul3A_417 = arith.constant 1.57079637 : f32
        %mul3A_418 = vector.broadcast %mul3A_417 : f32 to vector<16xf32>
        %mul3A_419 = arith.mulf %convert_element_type3A_416, %mul3A_418 : vector<16xf32>
        %sub3A_420 = arith.subf %sub3A_391, %mul3A_419 : vector<16xf32>
        %mul3A_421 = arith.constant -4.37113883E-8 : f32
        %mul3A_422 = vector.broadcast %mul3A_421 : f32 to vector<16xf32>
        %mul3A_423 = arith.mulf %convert_element_type3A_416, %mul3A_422 : vector<16xf32>
        %sub3A_424 = arith.subf %sub3A_420, %mul3A_423 : vector<16xf32>
        %mul3A_425 = arith.mulf %sub3A_424, %sub3A_424 : vector<16xf32>
        %mul3A_426 = arith.constant 2.48015876E-5 : f32
        %mul3A_427 = vector.broadcast %mul3A_426 : f32 to vector<16xf32>
        %mul3A_428 = arith.mulf %mul3A_425, %mul3A_427 : vector<16xf32>
        %add3A_429 = arith.constant -0.00138888892 : f32
        %add3A_430 = vector.broadcast %add3A_429 : f32 to vector<16xf32>
        %add3A_431 = arith.addf %add3A_430, %mul3A_428 : vector<16xf32>
        %mul3A_432 = arith.mulf %mul3A_425, %add3A_431 : vector<16xf32>
        %add3A_433 = arith.constant 0.0416666679 : f32
        %add3A_434 = vector.broadcast %add3A_433 : f32 to vector<16xf32>
        %add3A_435 = arith.addf %add3A_434, %mul3A_432 : vector<16xf32>
        %mul3A_436 = arith.mulf %mul3A_425, %add3A_435 : vector<16xf32>
        %add3A_437 = arith.constant -5.000000e-01 : f32
        %add3A_438 = vector.broadcast %add3A_437 : f32 to vector<16xf32>
        %add3A_439 = arith.addf %add3A_438, %mul3A_436 : vector<16xf32>
        %mul3A_440 = arith.mulf %mul3A_425, %add3A_439 : vector<16xf32>
        %add3A_441 = arith.constant 1.000000e+00 : f32
        %add3A_442 = vector.broadcast %add3A_441 : f32 to vector<16xf32>
        %add3A_443 = arith.addf %add3A_442, %mul3A_440 : vector<16xf32>
        %mul3A_444 = arith.constant -1.98412701E-4 : f32
        %mul3A_445 = vector.broadcast %mul3A_444 : f32 to vector<16xf32>
        %mul3A_446 = arith.mulf %mul3A_425, %mul3A_445 : vector<16xf32>
        %add3A_447 = arith.constant 0.00833333377 : f32
        %add3A_448 = vector.broadcast %add3A_447 : f32 to vector<16xf32>
        %add3A_449 = arith.addf %add3A_448, %mul3A_446 : vector<16xf32>
        %mul3A_450 = arith.mulf %mul3A_425, %add3A_449 : vector<16xf32>
        %add3A_451 = arith.constant -0.166666672 : f32
        %add3A_452 = vector.broadcast %add3A_451 : f32 to vector<16xf32>
        %add3A_453 = arith.addf %add3A_452, %mul3A_450 : vector<16xf32>
        %mul3A_454 = arith.mulf %mul3A_425, %add3A_453 : vector<16xf32>
        %add3A_455 = arith.constant 1.000000e+00 : f32
        %add3A_456 = vector.broadcast %add3A_455 : f32 to vector<16xf32>
        %add3A_457 = arith.addf %add3A_456, %mul3A_454 : vector<16xf32>
        %mul3A_458 = arith.mulf %sub3A_424, %add3A_457 : vector<16xf32>
        %and3A = arith.constant 3 : i32
        %and3A_459 = vector.broadcast %and3A : i32 to vector<16xi32>
        %and3A_460 = arith.andi %add3A_415, %and3A_459 : vector<16xi32>
        %and3A_461 = arith.constant 1 : i32
        %and3A_462 = vector.broadcast %and3A_461 : i32 to vector<16xi32>
        %and3A_463 = arith.andi %and3A_460, %and3A_462 : vector<16xi32>
        %eq3A = arith.constant 0 : i32
        %eq3A_464 = vector.broadcast %eq3A : i32 to vector<16xi32>
        %eq3A_465 = arith.cmpi eq, %and3A_463, %eq3A_464 : vector<16xi32>
        %select_n3A_466 = arith.select %eq3A_465, %add3A_443, %mul3A_458 : vector<16xi1>, vector<16xf32>
        %eq3A_467 = arith.constant 1 : i32
        %eq3A_468 = vector.broadcast %eq3A_467 : i32 to vector<16xi32>
        %eq3A_469 = arith.cmpi eq, %and3A_460, %eq3A_468 : vector<16xi32>
        %eq3A_470 = arith.constant 2 : i32
        %eq3A_471 = vector.broadcast %eq3A_470 : i32 to vector<16xi32>
        %eq3A_472 = arith.cmpi eq, %and3A_460, %eq3A_471 : vector<16xi32>
        %or3A = arith.ori %eq3A_469, %eq3A_472 : vector<16xi1>
        %neg3A_473 = arith.constant 0.000000e+00 : f32
        %neg3A_474 = vector.broadcast %neg3A_473 : f32 to vector<16xf32>
        %neg3A_475 = arith.subf %neg3A_474, %select_n3A_466 : vector<16xf32>
        %select_n3A_476 = arith.select %or3A, %neg3A_475, %select_n3A_466 : vector<16xi1>, vector<16xf32>
        %add3A_477 = arith.constant 1.000000e+00 : f32
        %add3A_478 = vector.broadcast %add3A_477 : f32 to vector<16xf32>
        %add3A_479 = arith.addf %add3A_478, %select_n3A_476 : vector<16xf32>
        %mul3A_480 = arith.mulf %gather3A_100, %add3A_479 : vector<16xf32>
        %add3A_481 = arith.addf %scan3A_60, %mul3A_480 : vector<16xf32>
        scf.yield %add3A_481 : vector<16xf32>
      }
      %scan3A_58 = arith.constant 125 : i32
      scf.yield %scan3A_57 : vector<16xf32>
    }
    %scan3A_22 = arith.constant 25 : i32
    %swap3A = arith.constant 0 : index
    %swap3A_23 = tpu.vector_load %arg31[%swap3A] {strides = array<i32>} : memref<16xf32, #tpu.memory_space<vmem>>, vector<16xf32>,
    tpu.vector_store %arg31[%swap3A], %scan3A_21 {strides = array<i32>} : memref<16xf32, #tpu.memory_space<vmem>>, vector<16xf32>,
    %mul3A_24 = arith.constant 16 : i32
    %mul3A_25 = arith.muli %add3A, %mul3A_24 : i32
    "tpu.region"() ({
      %run_scoped3A = tpu.sem_alloc : memref<!tpu.dma_semaphore, #tpu.memory_space<semaphore_mem>>
      %dma_start3A = tpu.memref_slice %arg19[%mul3A_25] : memref<512xf32, #tpu.memory_space<hbm>> -> memref<16xf32, #tpu.memory_space<hbm>>
      %dma_start3A_26 = tpu.memref_slice %arg19[%mul3A_25] : memref<512xf32, #tpu.memory_space<hbm>> -> memref<16xf32, #tpu.memory_space<hbm>>
      tpu.enqueue_dma source(%arg31 : memref<16xf32, #tpu.memory_space<vmem>>) target(%dma_start3A_26 : memref<16xf32, #tpu.memory_space<hbm>>) target_semaphore(%run_scoped3A : memref<!tpu.dma_semaphore, #tpu.memory_space<semaphore_mem>>)
      %dma_wait3A = tpu.memref_slice %arg19[%mul3A_25] : memref<512xf32, #tpu.memory_space<hbm>> -> memref<16xf32, #tpu.memory_space<hbm>>
      %dma_wait3A_27 = tpu.memref_slice %arg19[%mul3A_25] : memref<512xf32, #tpu.memory_space<hbm>> -> memref<16xf32, #tpu.memory_space<hbm>>
      tpu.wait_dma2 semaphore(%run_scoped3A : memref<!tpu.dma_semaphore, #tpu.memory_space<semaphore_mem>>) src(%arg31 : memref<16xf32, #tpu.memory_space<vmem>>) dst(%dma_wait3A_27 : memref<16xf32, #tpu.memory_space<hbm>>)
      tpu.yield
    }) : () -> ()
    return
  }
}

</mosaic_0001>

<sc_bundles>
// kernel: kernel.3.cloned.1.call-start
scs
__scs_entry_jumppad:
0x0: {  	(pc) =	sbr.rel $0x88, $3  }
0x1: {  	(tag) =	ssettag $0x0;
	lr =	simm.s32 $0x1  }
0x2: {  	[smem:$0x3F9A] =	sst lr;
	_ =	strace $0xD0000000  }
0x3: {  	_ = 	snop  }
0x4: {  	_ = 	snop  }
0x5: {  	_ = 	snop  }
0x6: {  	_ = 	snop  }
0x7: {  	_ = 	snop  }
__scs_overlays_trampoline_lowered:
0x8: {  	[smem:$0x3FA9] =	sst s0  }
0x9: {  	[smem:$0x3FAA] =	sst s1  }
0xa: {  	[smem:$0x3FAB] =	sst s2  }
0xb: {  	[smem:$0x3FAC] =	sst s3  }
0xc: {  	[smem:$0x3FAD] =	sst s4  }
0xd: {  	[smem:$0x3FAE] =	sst s5  }
0xe: {  	[smem:$0x3FAF] =	sst s6  }
0xf: {  	[smem:$0x3FB0] =	sst s7  }
0x10: {  	[smem:$0x3FB1] =	sst s8  }
0x11: {  	[smem:$0x3FB2] =	sst s9;
	s0 =	simm.s32 @!p0 $0x0  }
0x12: {  	s1 =	sld [smem:$0x3F98];
	s0 =	simm.s32 @p0 $0x1  }
0x13: {  	[smem:$0x3FB3] =	sst s0;
	s0 =	simm.s32 @!p1 $0x0  }
0x14: {  	s2 =	sld [smem:$0x3F97];
	s0 =	simm.s32 @p1 $0x1  }
0x15: {  	[smem:$0x3FB4] =	sst s0;
	s0 =	simm.s32 @!p2 $0x0  }
0x16: {  	s3 =	sld [smem:$0x3FDB];
	s0 =	simm.s32 @p2 $0x1  }
0x17: {  	s4 =	simm.s32 $0x1BF5;
	[smem:$0x3FB6] =	sst s0  }
0x18: {  	s0 =	sld [smem:$0x3F99];
	_ =	swait.ge [sflag:s4], $0x0  }
0x19: {  	s7 =	sld [smem:$0x3F9A]  }
0x1a: {  	s8 =	sadd.s32 $0xFFFFE003, lr  }
0x1b: {  	s9 =	sadd.s32 $0xFFFFFEF7, lr;
	s5 =	simm.s32 $0xFFFFFFFF;
	p2 =	slt.u32 s8, $0xFFFFF086  }
0x1c: {  	p1 =	slt.u32 s9, $0xF7A;
	s5 =	simm.s32 @!p2 $0x0  }
0x1d: {  	s5 =	simm.s32 @p1 $0x1;
	p0 =	seq.s32 s7, s2  }
0x1e: {  	s7 =	smul.u32 @!p0 $0xF7A, s2;
	p2 =	seq.s32 @!p0 s5, $0x0  }
0x1f: {  	s9 =	smul.u32 $0xF7A, s1;
	s8 =	simm.s32 @!p0 $0x1BF5;
	p2 =	por !p2, p0  }
0x20: {  	[sflag:s8] =	ssyncset.s32 @!p0 $0xFFFFF086;
	s6 =	sadd.s32 @!p0 s3, s7;
	s7 =	simm.s32 @!p0 $0x108  }
0x21: {  	s3 =	sadd.s32 s3, s9;
	s6 =	sadd.s32 @!p0 $0x88, s6;
	s7 =	simm.s32 @p2 $0x1082  }
0x22: {  	[simem:s7], [sflag:s8] =	dma.local @!p0 [hbm:s6], $0xF7A  }
0x23: {  	s9 =	sor.u32 $0xD0000000, s2;
	s6 =	simm.s32 $0x108;
	_ =	swait.ge @!p0 [sflag:s8], $0x0  }
0x24: {  	s3 =	sadd.s32 $0x88, s3;
	s6 =	simm.s32 @!p1 $0x1082;
	[sflag:s4] =	ssyncset.s32 $0xFFFFF086  }
0x25: {  	[simem:s6], [sflag:s4] =	dma.local [hbm:s3], $0xF7A  }
0x26: {  	[smem:$0x3F9A] =	sst s1;
	(tag) =	ssettag s2;
	_ =	strace s9  }
0x27: {  	s1 =	sld [smem:$0x3FAA]  }
0x28: {  	s2 =	sld [smem:$0x3FAB]  }
0x29: {  	s4 =	sld [smem:$0x3FAD]  }
0x2a: {  	p0 =	seq.s32 s5, $0x0;
	s5 =	sld [smem:$0x3FAE]  }
0x2b: {  	s6 =	sld [smem:$0x3FAF]  }
0x2c: {  	s7 =	sld [smem:$0x3FB0]  }
0x2d: {  	s3 =	simm.s32 $0x108;
	s8 =	sld [smem:$0x3FB1]  }
0x2e: {  	s3 =	simm.s32 @!p0 $0x1082;
	s9 =	sld [smem:$0x3FB2]  }
0x2f: {  	lr =	sadd.s32 s0, s3;
	s0 =	sld [smem:$0x3FA9]  }
0x30: {  	s3 =	sld [smem:$0x3FAC]  }
0x31: {  	[smem:$0x3FB5] =	sst s10  }
0x32: {  	s10 =	sld [smem:$0x3FB3];
	_ =	sdelay $0x3  }
0x33: {  	p0 =	seq.s32 s10, $0x1;
	s10 =	sld [smem:$0x3FB5];
	_ =	sdelay $0x3  }
0x34: {  	[smem:$0x3FB5] =	sst s10  }
0x35: {  	s10 =	sld [smem:$0x3FB4];
	_ =	sdelay $0x3  }
0x36: {  	p1 =	seq.s32 s10, $0x1;
	s10 =	sld [smem:$0x3FB5];
	_ =	sdelay $0x3  }
0x37: {  	[smem:$0x3FB5] =	sst s10  }
0x38: {  	s10 =	sld [smem:$0x3FB6]  }
0x39: {  	_ = 	snop;
	(pc) =	sbr.ind lr, $3  }
0x3a: {  	_ = 	snop  }
0x3b: {  	_ = 	snop  }
0x3c: {  	p2 =	seq.s32 s10, $0x1;
	s10 =	sld [smem:$0x3FB5]  }
0x3d: {  	_ =	shalt  }
0x3e: {  	_ =	shalt  }
0x3f: {  	_ =	shalt  }
0x40: {  	_ =	shalt  }
0x41: {  	_ =	shalt  }
0x42: {  	_ =	shalt  }
0x43: {  	_ =	shalt  }
0x44: {  	_ =	shalt  }
0x45: {  	_ =	shalt  }
0x46: {  	_ =	shalt  }
0x47: {  	_ =	shalt  }
0x48: {  	_ =	shalt  }
0x49: {  	_ =	shalt  }
0x4a: {  	_ =	shalt  }
0x4b: {  	_ =	shalt  }
0x4c: {  	_ =	shalt  }
0x4d: {  	_ =	shalt  }
0x4e: {  	_ =	shalt  }
0x4f: {  	_ =	shalt  }
0x50: {  	_ =	shalt  }
0x51: {  	_ =	shalt  }
0x52: {  	_ =	shalt  }
0x53: {  	_ =	shalt  }
0x54: {  	_ =	shalt  }
0x55: {  	_ =	shalt  }
0x56: {  	_ =	shalt  }
0x57: {  	_ =	shalt  }
0x58: {  	_ =	shalt  }
0x59: {  	_ =	shalt  }
0x5a: {  	_ =	shalt  }
0x5b: {  	_ =	shalt  }
0x5c: {  	_ =	shalt  }
0x5d: {  	_ =	shalt  }
0x5e: {  	_ =	shalt  }
0x5f: {  	_ =	shalt  }
0x60: {  	_ =	shalt  }
0x61: {  	_ =	shalt  }
0x62: {  	_ =	shalt  }
0x63: {  	_ =	shalt  }
0x64: {  	_ =	shalt  }
0x65: {  	_ =	shalt  }
0x66: {  	_ =	shalt  }
0x67: {  	_ =	shalt  }
0x68: {  	_ =	shalt  }
0x69: {  	_ =	shalt  }
0x6a: {  	_ =	shalt  }
0x6b: {  	_ =	shalt  }
0x6c: {  	_ =	shalt  }
0x6d: {  	_ =	shalt  }
0x6e: {  	_ =	shalt  }
0x6f: {  	_ =	shalt  }
0x70: {  	_ =	shalt  }
0x71: {  	_ =	shalt  }
0x72: {  	_ =	shalt  }
0x73: {  	_ =	shalt  }
0x74: {  	_ =	shalt  }
0x75: {  	_ =	shalt  }
0x76: {  	_ =	shalt  }
0x77: {  	_ =	shalt  }
0x78: {  	_ =	shalt  }
0x79: {  	_ =	shalt  }
0x7a: {  	_ =	shalt  }
0x7b: {  	_ =	shalt  }
0x7c: {  	_ =	shalt  }
0x7d: {  	_ =	shalt  }
0x7e: {  	_ =	shalt  }
0x7f: {  	_ =	shalt  }
0x80: {  	_ =	shalt  }
0x81: {  	_ =	shalt  }
0x82: {  	_ =	shalt  }
0x83: {  	_ =	shalt  }
0x84: {  	_ =	shalt  }
0x85: {  	_ =	shalt  }
0x86: {  	_ =	shalt  }
0x87: {  	_ =	shalt  }
.Lfunc_end0:
.L_simem_size_0:
called_computation_lowered:
.L_overlay_start_0:
0x88: {  	s2 =	sld [smem:$0x3FD9]  }
0x89: {  	s3 =	sld [smem:$0x3FFE];
	_ =	sdelay $0x1  }
0x8a: {  	s1 =	srdreg.scid  }
0x8b: {  	s0 =	sand.u32 $0x1, s1  }
0x8c: {  	s16 =	sshll.u32 s0, $0xA;
	s2 =	sadd.s32 s3, s2  }
0x8d: {  	s2 =	sadd.s32 s2, s16  }
0x8e: {  	[smem:$0x3FC1] =	sst s2  }
0x8f: {  	_ = 	snop  }
0x90: {  	(tm) =	ssettm $0x1  }
0x91: {  	s17 =	sld [smem:$0x3FFB];
	_ =	sdelay $0x3  }
0x92: {  	_ =	strace s17  }
0x93: {  	s2 =	sld [smem:$0x3FFC];
	_ =	sdelay $0x3  }
0x94: {  	_ =	strace s2  }
0x95: {  	s2 =	sld [smem:$0x3FFD];
	_ =	sdelay $0x3  }
0x96: {  	_ =	strace s2  }
0x97: {  	_ =	strace $0x8FFFFFFF  }
0x98: {  	s18 =	sld [smem:$0x3FDB];
	_ =	sdelay $0x1  }
0x99: {  	s19 =	simm.s32 $_scs_section_size  }
0x9a: {  	s4 =	simm.s32 $_size__tile_overlayer_lowered;
	s5 =	simm.s32 $_tile_overlayer_lowered  }
0x9b: {  	s22 =	simm.s32 $0x1BFF;
	s21 =	sshll.u32 s5, $0x1;
	s2 =	sadd.s32 s19, s18  }
0x9c: {  	s6 =	simm.s32 $0x0;
	s20 =	sshll.u32 s4, $0x1;
	s4 =	sadd.s32 s21, s2  }
0x9d: {  	[timem:s6], [sflag:s22] =	dma.local [hbm:s4], s20  }
0x9e: {  	_ =	swait.ge [sflag:s22], s20  }
0x9f: {  	s3 =	ssub.s32 $0x0, s20;
	[sflag:s22] =	ssyncset.done $0x0  }
0xa0: {  	[sflag:s22] =	ssyncadd.s32 s3;
	_ =	sdelay $0x1  }
0xa1: {  	s23 =	simm.s32 $0x1B8B  }
0xa2: {  	_ =	swait.ge [sflag:s23], $0x1  }
0xa3: {  	[sflag:s23] =	ssyncset.done $0x0  }
0xa4: {  	s25 =	simm.s32 $0x1B8E;
	s24 =	sld [smem:$0x3FFE];
	[sflag:s23] =	ssyncadd.s32 $0xFFFFFFFF  }
0xa5: {  	s26 =	simm.s32 $execute0_lowered;
	[smem:$0x3FD2] =	sst s25  }
0xa6: {  	s4 =	sshll.u32 s26, $0x1;
	_ =	strace $0x80000046;
	[dreg:$0x1] =	wrdreg $0xFFFFFFFF  }
0xa7: {  	s28 =	simm.s32 $_size_execute0_lowered;
	s2 =	sadd.s32 s2, s4;
	[dreg:$0x0] =	wrdreg $0x0  }
0xa8: {  	s4 =	sshll.u32 s28, $0x1;
	[dreg:$0x2] =	wrdreg s2  }
0xa9: {  	[dreg:$0x3] =	wrdreg s4  }
0xaa: {  	[dreg:$0x4] =	wrdreg $0xC0  }
0xab: {  	_ =	task [dreg:s6], $0x5FFFF  }
0xac: {  	[dreg:$0x1] =	wrdreg $0xFFFFFFFF  }
0xad: {  	[dreg:$0x0] =	wrdreg $0x60  }
0xae: {  	[dreg:$0x2] =	wrdreg s24  }
0xaf: {  	[dreg:$0x3] =	wrdreg $0x9  }
0xb0: {  	_ =	task.clear_ibuf [dreg:s6], $0x4FFFF;
	_ =	strace $0x90000046  }
0xb1: {  	s29 =	simm.s32 $0x9;
	_ =	strace $0x80000048  }
0xb2: {  	_ =	swait.ge [sflag:s29], $0x1  }
0xb3: {  	[sflag:s29] =	ssyncadd.s32 $0xFFFFFFFF  }
0xb4: {  	_ =	strace $0x90000048  }
0xb5: {  	_ =	sfence  }
0xb6: {  	s30 =	sld [smem:$0x0];
	_ =	sdelay $0x2  }
0xb7: {  	s31 =	sshll.u32 s1, $0xD;
	s1 =	sshrl.u32 s1, $0x2  }
0xb8: {  	s3 =	sand.u32 $0x4000, s31;
	s1 =	sadd.s32 s1, s30  }
0xb9: {  	s0 =	sor.u32 s3, s0;
	s1 =	sshll.u32 s1, $0x11  }
0xba: {  	s0 =	sor.u32 s1, s0  }
0xbb: {  	s0 =	sadd.s32 $0x8F2B, s0  }
0xbc: {  	[sflag:s0] =	ssyncadd.remote.s32 $0x1  }
0xbd: {  	_ =	sfence.sel $0xFFFF  }
0xbe: {  	[dreg:$0x0] =	wrdreg $0xFFFFFFFF;
	(pc) =	sbr.abs _section_cstart, $3  }
0xbf: {  	[dreg:$0x1] =	wrdreg $0xFFFFFFFF  }
0xc0: {  	_ =	task.clear_ibuf [dreg:s6], $0x2FFFF;
	_ =	strace $0x9FFFFFFF  }
0xc1: {  	(tm) =	ssettm $0x7FFFFFFF  }
tec
execute0_lowered:
.L_overlay_start_1:
0x0: {  	(tag) =	ssettag $0x1  }
0x1: {  	s4 =	rddreg [dreg:$0x0];
	s0 =	simm.s32 $0x0  }
0x2: {  	s28 =	simm.s32 $0x36B0;
	s29 =	simm.s32 $0x7530;
	s31 =	simm.s32 $0xFA0  }
0x3: {  	s11 =	simm.s32 $0x1770;
	s21 =	simm.s32 $0xF230;
	[smem:$0x7FF] =	sst s0  }
0x4: {  	s3 =	sadd.s32 $0xC3600, s4;
	s22 =	sadd.s32 $0x30E00, s4;
	s23 =	sadd.s32 $0xCFA00, s4  }
0x5: {  	s24 =	srdreg.scid;
	s6 =	sadd.s32 $0x162400, s4;
	s7 =	sadd.s32 $0x131600, s4  }
0x6: {  	s8 =	sadd.s32 $0x61C00, s4;
	s9 =	sadd.s32 $0x100800, s4;
	s10 =	sadd.s32 $0x1C4000, s4  }
0x7: {  	s1 =	stileid.u32;
	s12 =	sadd.s32 $0x193200, s4;
	s13 =	sadd.s32 $0x287800, s4  }
0x8: {  	s30 =	simm.s32 $0x1;
	s14 =	sadd.s32 $0x256A00, s4;
	s15 =	sadd.s32 $0x225C00, s4  }
0x9: {  	s0 =	sand.u32 $0x1, s24;
	s16 =	sadd.s32 $0x1F4E00, s4;
	s17 =	sadd.s32 $0x31A200, s4  }
0xa: {  	s1 =	sshll.u32 s1, $0x1;
	s18 =	sadd.s32 $0x2E9400, s4;
	s19 =	sadd.s32 $0x2B8600, s4  }
0xb: {  	s24 =	simm.s32 $0x7D0;
	_ =	strace $0x80000047;
	[dreg:$0x2] =	wrdreg s22  }
0xc: {  	[dreg:$0x3] =	wrdreg s23;
	s1 =	sor.u32 s0, s1;
	s0 =	ssub.s32 $0x2, s0  }
0xd: {  	s23 =	simm.s32 $0x2;
	s2 =	sshll.u32 s1, $0x1;
	s25 =	sshrl.u32 s0, $0x1  }
0xe: {  	s20 =	smul.u32 $0xC350, s1;
	s2 =	sadd.s32 s2, s4;
	s0 =	ssub.s32 s0, s25  }
0xf: {  	s25 =	simm.s32 $0x1F40;
	s4 =	simm.s32 $0x0;
	s26 =	sadd.s32 $0x92A00, s2  }
0x10: {  	v0 =	vlaneseq.u32;
	s0 =	smax.u32 s0, $0x1;
	s2 =	simm.s32 $0x2EE0;
	[dreg:$0x4] =	wrdreg s26  }
0x11: {  	v2 =	vimm.s32 $0x0;
	v1 =	vor.u32 $0xFFFFFFF8, v0;
	[dreg:$0x5] =	wrdreg s0;
	s26 =	simm.s32 $0x2710;
	s0 =	simm.s32 $0xB3B0  }
.LBB2_1:
0x12: {  	[dreg:$0x6] =	wrdreg s4;
	v3 =	vimm.f32 $0.0e+00;
	s4 =	simm.s32 $0x0  }
.LBB2_2:
0x13: {  	s1 =	smul.u32 $0x7D0, s4;
	_ =	sdelay $0x1  }
0x14: {  	s1 =	sadd.s32 s20, s1  }
0x15: {  	s5 =	rddreg [dreg:$0x2];
	s1 =	sshrl.u32 s1, $0x3  }
0x16: {  	s22 =	sadd.s32 s5, s1;
	s5 =	simm.s32 $0x0  }
0x17: {  	[tilespmem:s5], [sflag:$0x2] =	stream.linear.gather [hbm4b:s22+s5], $0x7D0, $0x38;
	[tilespmem:$0x130C0] =	vst v63  }
0x18: {  	_ =	swait.ge [sflag:s23], $0x7D0  }
0x19: {  	[sflag:s23] =	ssyncset.done $0x0  }
0x1a: {  	[sflag:s23] =	ssyncadd.s32 $0xFFFFF830  }
0x1b: {  	s22 =	rddreg [dreg:$0x0]  }
0x1c: {  	s22 =	sadd.s32 s22, s1  }
0x1d: {  	[tilespmem:s24], [sflag:$0x2] =	stream.linear.gather [hbm4b:s22+s5], $0x7D0, $0x38;
	[tilespmem:$0x130C0] =	vst v63  }
0x1e: {  	_ =	swait.ge [sflag:s23], $0x7D0  }
0x1f: {  	[sflag:s23] =	ssyncset.done $0x0;
	s22 =	rddreg [dreg:$0x3]  }
0x20: {  	[sflag:s23] =	ssyncadd.s32 $0xFFFFF830;
	s22 =	sadd.s32 s22, s1  }
0x21: {  	[tilespmem:s25], [sflag:$0x2] =	stream.linear.gather [hbm4b:s22+s5], $0x7D0, $0x38;
	[tilespmem:$0x130C0] =	vst v63  }
0x22: {  	_ =	swait.ge [sflag:s23], $0x7D0  }
0x23: {  	[sflag:s23] =	ssyncset.done $0x0  }
0x24: {  	s1 =	sadd.s32 s8, s1;
	[sflag:s23] =	ssyncadd.s32 $0xFFFFF830  }
0x25: {  	[tilespmem:s26], [sflag:$0x2] =	stream.linear.gather [hbm4b:s1+s5], $0x7D0, $0x38;
	[tilespmem:$0x130C0] =	vst v63  }
0x26: {  	_ =	swait.ge [sflag:s23], $0x7D0  }
0x27: {  	[sflag:s23] =	ssyncset.done $0x0  }
0x28: {  	[sflag:s23] =	ssyncadd.s32 $0xFFFFF830  }
0x29: {  	[tilespmem:s28], [sflag:$0x1] =	stream.indirect.gather [hbm4b:s3+s24], $0x3, s5, s24, $0xb8;
	[tilespmem:$0x130C0] =	vst v63  }
0x2a: {  	_ = 	snop  }
0x2b: {  	[tilespmem:s29], [sflag:$0x1] =	stream.indirect.gather [hbm4b:s3+s24], $0x3, s24, s24, $0xb8;
	[tilespmem:$0x130C0] =	vst v63  }
0x2c: {  	v7 =	vor.u32 s5, v0;
	_ =	swait.ge [sflag:s30], $0x1770  }
0x2d: {  	v4 =	vshll.u32 v7, $0x3;
	[sflag:s30] =	ssyncset.done $0x0  }
0x2e: {  	[sflag:s30] =	ssyncadd.s32 $0xFFFFE890  }
0x2f: {  	v5 =	vor.u32 $0x1, v4;
	_ =	swait.ge [sflag:s30], $0x1770  }
0x30: {  	[sflag:s30] =	ssyncset.done $0x0  }
0x31: {  	v6 =	vor.u32 $0x2, v4;
	[sflag:s30] =	ssyncadd.s32 $0xFFFFE890  }
0x32: {  	v8 =	vld.idx.msk [tilespmem:v4+s28+$0x0], $0xffff  }
0x33: {  	v4 =	vld.idx.msk [tilespmem:v4+s29+$0x0], $0xffff  }
0x34: {  	v9 =	vld.idx.msk [tilespmem:v5+s28+$0x0], $0xffff  }
0x35: {  	v5 =	vld.idx.msk [tilespmem:v5+s29+$0x0], $0xffff  }
0x36: {  	v10 =	vld.idx.msk [tilespmem:v6+s28+$0x0], $0xffff  }
0x37: {  	s5 =	simm.s32 $0x10;
	v6 =	vld.idx.msk [tilespmem:v6+s29+$0x0], $0xffff  }
0x38: {  	v11 =	vor.u32 s5, v0  }
0x39: {  	v12 =	vshll.u32 v11, $0x3  }
0x3a: {  	v4 =	vsub.f32 v8, v4;
	v5 =	vsub.f32 v9, v5  }
0x3b: {  	v8 =	vor.u32 $0x1, v12  }
0x3c: {  	v6 =	vsub.f32 v10, v6;
	v4 =	vmul.f32 v4, v4;
	v5 =	vmul.f32 v5, v5  }
0x3d: {  	v9 =	vor.u32 $0x2, v12  }
0x3e: {  	v10 =	vld.idx.msk [tilespmem:v12+s28+$0x0], $0xffff;
	v4 =	vadd.f32 v5, v4;
	v5 =	vmul.f32 v6, v6  }
0x3f: {  	v6 =	vld.idx.msk [tilespmem:v12+s29+$0x0], $0xffff  }
0x40: {  	v12 =	vld.idx.msk [tilespmem:v8+s28+$0x0], $0xffff;
	v18 =	vadd.f32 v5, v4  }
0x41: {  	s22 =	simm.s32 $0x20;
	v4 =	vld.idx.msk [tilespmem:v8+s29+$0x0], $0xffff  }
0x42: {  	v5 =	vor.u32 s22, v0;
	v8 =	vld.idx.msk [tilespmem:v9+s28+$0x0], $0xffff;
	v13 =	vmax.f32 v18, $1.000000000e-30  }
0x43: {  	v9 =	vld.idx.msk [tilespmem:v9+s29+$0x0], $0xffff;
	v14 =	vshll.u32 v5, $0x3;
	v15 =	vshrl.u32 v13, $0x1;
	v13 =	vmul.f32 $5.000000000e-01, v13  }
0x44: {  	v15 =	vsub.s32 $0x5F3759DF, v15  }
0x45: {  	v16 =	vor.u32 $0x1, v14;
	v17 =	vmul.f32 v15, v13  }
0x46: {  	v6 =	vsub.f32 v10, v6;
	v4 =	vsub.f32 v12, v4  }
0x47: {  	v10 =	vor.u32 $0x2, v14;
	v12 =	vmul.f32 v15, v17  }
0x48: {  	v6 =	vmul.f32 v6, v6;
	v8 =	vsub.f32 v8, v9;
	v9 =	vld.idx.msk [tilespmem:v14+s28+$0x0], $0xffff;
	v4 =	vmul.f32 v4, v4  }
0x49: {  	v14 =	vld.idx.msk [tilespmem:v14+s29+$0x0], $0xffff;
	v12 =	vsub.f32 $1.500000000e+00, v12  }
0x4a: {  	v17 =	vld.idx.msk [tilespmem:v16+s28+$0x0], $0xffff;
	v4 =	vadd.f32 v4, v6;
	v6 =	vmul.f32 v8, v8  }
0x4b: {  	v16 =	vld.idx.msk [tilespmem:v16+s29+$0x0], $0xffff;
	v12 =	vmul.f32 v15, v12  }
0x4c: {  	s5 =	simm.s32 $0x30;
	v4 =	vadd.f32 v6, v4;
	v15 =	vld.idx.msk [tilespmem:v10+s28+$0x0], $0xffff  }
0x4d: {  	v6 =	vor.u32 s5, v0;
	v10 =	vld.idx.msk [tilespmem:v10+s29+$0x0], $0xffff;
	v19 =	vmul.f32 v12, v13  }
0x4e: {  	v22 =	vand.u32 v1, v7;
	v7 =	vshll.u32 v6, $0x3;
	v8 =	vmax.f32 v4, $1.000000000e-30  }
0x4f: {  	v20 =	vshrl.u32 v8, $0x1;
	v8 =	vmul.f32 $5.000000000e-01, v8;
	v19 =	vmul.f32 v19, v12  }
0x50: {  	v9 =	vsub.f32 v9, v14;
	v16 =	vsub.f32 v17, v16;
	v14 =	vsub.s32 $0x5F3759DF, v20  }
0x51: {  	v20 =	vmul.f32 v14, v8;
	v19 =	vsub.f32 $1.500000000e+00, v19  }
0x52: {  	v9 =	vmul.f32 v9, v9;
	v10 =	vsub.f32 v15, v10;
	v15 =	vmul.f32 v16, v16  }
0x53: {  	v17 =	vor.u32 $0x1, v7;
	v16 =	vmul.f32 v14, v20;
	v23 =	vmul.f32 v19, v12  }
0x54: {  	v21 =	vld.idx.msk [tilespmem:v7+s28+$0x0], $0xffff;
	v12 =	vadd.f32 v15, v9  }
0x55: {  	v24 =	vld.idx.msk [tilespmem:v7+s29+$0x0], $0xffff;
	v15 =	vsub.f32 $1.500000000e+00, v16;
	v16 =	vor.u32 $0x2, v7;
	v13 =	vmul.f32 v23, v13;
	_ =	sdelay $0x1  }
0x56: {  	v25 =	vld.idx.msk [tilespmem:v22+s25+$0x0], $0xffff;
	s22 =	simm.s32 $0x40;
	v10 =	vmul.f32 v10, v10;
	v13 =	vmul.f32 v13, v23  }
0x57: {  	v26 =	vld.idx.msk [tilespmem:v17+s28+$0x0], $0xffff;
	v9 =	vor.u32 s22, v0  }
0x58: {  	v7 =	vadd.f32 v10, v12;
	v10 =	vld.idx.msk [tilespmem:v17+s29+$0x0], $0xffff;
	v12 =	vmul.f32 v14, v15;
	v13 =	vsub.f32 $1.500000000e+00, v13  }
0x59: {  	v11 =	vand.u32 v1, v11;
	v20 =	vshll.u32 v9, $0x3;
	v28 =	vsub.f32 v21, v24;
	v21 =	vld.idx.msk [tilespmem:v16+s28+$0x0], $0xffff  }
0x5a: {  	v14 =	vmax.f32 v7, $1.000000000e-30;
	v27 =	vmul.f32 v12, v8;
	v29 =	vmul.f32 v13, v23;
	v23 =	vld.idx.msk [tilespmem:v16+s29+$0x0], $0xffff  }
0x5b: {  	v19 =	vor.u32 $0x1, v20;
	v17 =	vshrl.u32 v14, $0x1;
	v14 =	vmul.f32 $5.000000000e-01, v14  }
0x5c: {  	v15 =	vor.u32 $0x2, v20;
	v17 =	vsub.s32 $0x5F3759DF, v17;
	v27 =	vmul.f32 v27, v12  }
0x5d: {  	v26 =	vsub.f32 v26, v10;
	v24 =	vmul.f32 v17, v14;
	v16 =	vadd.f32 v25, v25;
	v13 =	vld.idx.msk [tilespmem:v22+s26+$0x0], $0xffff  }
0x5e: {  	s1 =	simm.s32 $0x50;
	v10 =	vmovc v11;
	v25 =	vmul.f32 v28, v28;
	v22 =	vsub.f32 $1.500000000e+00, v27;
	v18 =	vmul.f32 v29, v18  }
.LBB2_3:
0x5f: {  	p0 =	sne.s32 s1, $0x7C0;
	v21 =	vsub.f32 v21, v23;
	v23 =	vmul.f32 v26, v26;
	v24 =	vmul.f32 v17, v24;
	v27 =	vld.idx.msk [tilespmem:v11+s25+$0x0], $0xffff  }
0x60: {  	v26 =	vld.idx.msk [tilespmem:v20+s28+$0x0], $0xffff;
	v22 =	vmul.f32 v22, v12;
	v16 =	vsub.f32 v18, v16  }
0x61: {  	v18 =	vld.idx.msk [tilespmem:v20+s29+$0x0], $0xffff;
	v11 =	vadd.f32 v23, v25;
	v12 =	vmul.f32 v21, v21;
	v20 =	vsub.f32 $1.500000000e+00, v24  }
0x62: {  	v24 =	vor.u32 s1, v0;
	v25 =	vld.idx.msk [tilespmem:v19+s28+$0x0], $0xffff;
	v23 =	vmul.f32 v22, v8;
	v13 =	vmul.f32 v16, v13;
	v8 =	vmovc v14  }
0x63: {  	v28 =	vld.idx.msk [tilespmem:v19+s29+$0x0], $0xffff;
	v29 =	vadd.f32 v12, v11;
	v11 =	vand.u32 v1, v5;
	v12 =	vmul.f32 v17, v20  }
0x64: {  	v20 =	vshll.u32 v24, $0x3;
	v5 =	vmovc v6;
	v21 =	vld.idx.msk [tilespmem:v15+s28+$0x0], $0xffff;
	v14 =	vmul.f32 v23, v22;
	v13 =	vmul.f32 v13, v16  }
0x65: {  	v6 =	vmovc v9;
	v9 =	vmovc v24;
	v19 =	vor.u32 $0x1, v20;
	v23 =	vld.idx.msk [tilespmem:v15+s29+$0x0], $0xffff;
	v15 =	vor.u32 $0x2, v20;
	v16 =	vmax.f32 v29, $1.000000000e-30  }
.Ltmp0:
0x66: {  	v24 =	vmul.f32 v12, v8;
	v30 =	vsub.f32 $1.500000000e+00, v14;
	v3 =	vadd.f32 v13, v3;
	(pc) =	sbr.rel @p0 .LBB2_3-.Ltmp0, $4  }
0x67: {  	v18 =	vsub.f32 v26, v18;
	v13 =	vshrl.u32 v16, $0x1;
	v14 =	vmul.f32 $5.000000000e-01, v16  }
0x68: {  	v17 =	vsub.s32 $0x5F3759DF, v13;
	v31 =	vmul.f32 v24, v12;
	v13 =	vld.idx.msk [tilespmem:v10+s26+$0x0], $0xffff;
	v30 =	vmul.f32 v30, v22;
	v10 =	vmovc v11  }
0x69: {  	v16 =	vadd.f32 v27, v27;
	v26 =	vsub.f32 v25, v28;
	v24 =	vmul.f32 v17, v14  }
0x6a: {  	s1 =	sadd.s32 $0x10, s1;
	v25 =	vmul.f32 v18, v18;
	v22 =	vsub.f32 $1.500000000e+00, v31;
	v18 =	vmul.f32 v30, v4;
	v4 =	vmovc v7;
	v7 =	vmovc v29  }
0x6b: {  	_ =	sdelay $0x3  }
0x6c: {  	v27 =	vld.idx.msk [tilespmem:v20+s28+$0x0], $0xffff  }
0x6d: {  	v61 =	vld.idx.msk [tilespmem:v20+s29+$0x0], $0xffff  }
0x6e: {  	v28 =	vld.idx.msk [tilespmem:v19+s28+$0x0], $0xffff  }
0x6f: {  	v62 =	vld.idx.msk [tilespmem:v19+s29+$0x0], $0xffff  }
0x70: {  	v29 =	vld.idx.msk [tilespmem:v15+s28+$0x0], $0xffff  }
0x71: {  	v63 =	vld.idx.msk [tilespmem:v15+s29+$0x0], $0xffff;
	_ =	sdelay $0x1  }
0x72: {  	v21 =	vsub.f32 v21, v23;
	v26 =	vmul.f32 v26, v26  }
0x73: {  	v20 =	vsub.f32 v27, v61;
	v19 =	vsub.f32 v28, v62  }
0x74: {  	v23 =	vadd.f32 v26, v25;
	v21 =	vmul.f32 v21, v21  }
0x75: {  	v15 =	vsub.f32 v29, v63;
	v20 =	vmul.f32 v20, v20;
	v19 =	vmul.f32 v19, v19;
	_ =	sdelay $0x1  }
0x76: {  	v21 =	vadd.f32 v21, v23;
	v15 =	vmul.f32 v15, v15;
	v19 =	vadd.f32 v19, v20;
	_ =	sdelay $0x1  }
0x77: {  	v27 =	vmax.f32 v21, $1.000000000e-30;
	v15 =	vadd.f32 v15, v19  }
0x78: {  	v28 =	vshrl.u32 v27, $0x1;
	v20 =	vmul.f32 $5.000000000e-01, v27  }
0x79: {  	v29 =	vmul.f32 v17, v24;
	v19 =	vsub.s32 $0x5F3759DF, v28;
	v30 =	vmax.f32 v15, $1.000000000e-30  }
0x7a: {  	v31 =	vmul.f32 v19, v20;
	v32 =	vshrl.u32 v30, $0x1;
	v24 =	vmul.f32 $5.000000000e-01, v30  }
0x7b: {  	v23 =	vsub.f32 $1.500000000e+00, v29;
	v26 =	vsub.s32 $0x5F3759DF, v32  }
0x7c: {  	v25 =	vmul.f32 v19, v31;
	v33 =	vmul.f32 v26, v24  }
0x7d: {  	v34 =	vmul.f32 v17, v23  }
0x7e: {  	v35 =	vsub.f32 $1.500000000e+00, v25;
	v36 =	vmul.f32 v26, v33  }
0x7f: {  	v37 =	vmul.f32 v34, v14  }
0x80: {  	v19 =	vmul.f32 v19, v35;
	v38 =	vsub.f32 $1.500000000e+00, v36  }
0x81: {  	v39 =	vmul.f32 v37, v34  }
0x82: {  	v40 =	vmul.f32 v19, v20;
	v23 =	vmul.f32 v26, v38  }
0x83: {  	v12 =	vmul.f32 v22, v12;
	v41 =	vsub.f32 $1.500000000e+00, v39  }
0x84: {  	v42 =	vmul.f32 v40, v19;
	v43 =	vmul.f32 v23, v24  }
0x85: {  	v5 =	vand.u32 v1, v5;
	v8 =	vmul.f32 v12, v8;
	v17 =	vmul.f32 v41, v34  }
0x86: {  	v44 =	vsub.f32 $1.500000000e+00, v42;
	v45 =	vmul.f32 v43, v23  }
0x87: {  	v6 =	vand.u32 v1, v6;
	v8 =	vmul.f32 v8, v12;
	v46 =	vmul.f32 v17, v14  }
0x88: {  	v11 =	vld.idx.msk [tilespmem:v11+s25+$0x0], $0xffff;
	v19 =	vmul.f32 v44, v19;
	v47 =	vsub.f32 $1.500000000e+00, v45  }
0x89: {  	v9 =	vand.u32 v1, v9;
	v8 =	vsub.f32 $1.500000000e+00, v8;
	v14 =	vmul.f32 v46, v17  }
0x8a: {  	v48 =	vld.idx.msk [tilespmem:v5+s25+$0x0], $0xffff;
	v20 =	vmul.f32 v19, v20;
	v22 =	vmul.f32 v47, v23  }
0x8b: {  	v10 =	vld.idx.msk [tilespmem:v10+s26+$0x0], $0xffff;
	v8 =	vmul.f32 v8, v12  }
0x8c: {  	v54 =	vld.idx.msk [tilespmem:v6+s25+$0x0], $0xffff;
	v49 =	vsub.f32 $1.500000000e+00, v14;
	v51 =	vmul.f32 v20, v19;
	v52 =	vmul.f32 v22, v24  }
0x8d: {  	v50 =	vsub.f32 v18, v16;
	v11 =	vadd.f32 v11, v11;
	v4 =	vmul.f32 v8, v4  }
0x8e: {  	v57 =	vld.idx.msk [tilespmem:v9+s25+$0x0], $0xffff;
	v53 =	vmul.f32 v49, v17;
	v16 =	vsub.f32 $1.500000000e+00, v51;
	v55 =	vmul.f32 v52, v22  }
0x8f: {  	v13 =	vmul.f32 v50, v13;
	v5 =	vld.idx.msk [tilespmem:v5+s26+$0x0], $0xffff;
	v56 =	vadd.f32 v48, v48;
	v4 =	vsub.f32 v4, v11  }
0x90: {  	v7 =	vmul.f32 v53, v7;
	v16 =	vmul.f32 v16, v19;
	v17 =	vsub.f32 $1.500000000e+00, v55  }
0x91: {  	v13 =	vmul.f32 v13, v50;
	v6 =	vld.idx.msk [tilespmem:v6+s26+$0x0], $0xffff;
	v58 =	vadd.f32 v54, v54;
	v10 =	vmul.f32 v4, v10  }
0x92: {  	v7 =	vsub.f32 v7, v56;
	v59 =	vmul.f32 v16, v21;
	v60 =	vmul.f32 v17, v22  }
0x93: {  	v9 =	vld.idx.msk [tilespmem:v9+s26+$0x0], $0xffff;
	v3 =	vadd.f32 v13, v3;
	v8 =	vadd.f32 v57, v57;
	v4 =	vmul.f32 v10, v4  }
0x94: {  	v5 =	vmul.f32 v7, v5;
	v61 =	vsub.f32 v59, v58;
	v62 =	vmul.f32 v60, v15  }
0x95: {  	v3 =	vadd.f32 v4, v3  }
0x96: {  	s4 =	sadd.s32 $0x1, s4;
	v4 =	vmul.f32 v5, v7;
	v5 =	vmul.f32 v61, v6;
	v63 =	vsub.f32 v62, v8  }
0x97: {  	p0 =	sne.s32 s4, $0x19  }
.Ltmp1:
0x98: {  	v3 =	vadd.f32 v4, v3;
	v4 =	vmul.f32 v5, v61;
	v5 =	vmul.f32 v63, v9;
	(pc) =	sbr.rel @p0 .LBB2_2-.Ltmp1, $3  }
0x99: {  	_ = 	snop  }
0x9a: {  	v3 =	vadd.f32 v4, v3;
	v4 =	vmul.f32 v5, v63;
	_ =	sdelay $0x1  }
0x9b: {  	s1 =	simm.s32 $0x0;
	v3 =	vadd.f32 v4, v3  }
0x9c: {  	s4 =	simm.s32 $0x0  }
.LBB2_6:
0x9d: {  	s5 =	smul.u32 $0x7D0, s4;
	_ =	sdelay $0x1  }
0x9e: {  	s5 =	sadd.s32 s20, s5  }
0x9f: {  	s5 =	sshrl.u32 s5, $0x3  }
0xa0: {  	s22 =	sadd.s32 s6, s5  }
0xa1: {  	[tilespmem:s1], [sflag:$0x2] =	stream.linear.gather [hbm4b:s22+s1], $0x7D0, $0x38;
	[tilespmem:$0x130C0] =	vst v63  }
0xa2: {  	_ =	swait.ge [sflag:s23], $0x7D0  }
0xa3: {  	[sflag:s23] =	ssyncset.done $0x0  }
0xa4: {  	s22 =	sadd.s32 s7, s5;
	[sflag:s23] =	ssyncadd.s32 $0xFFFFF830  }
0xa5: {  	[tilespmem:s24], [sflag:$0x2] =	stream.linear.gather [hbm4b:s22+s1], $0x7D0, $0x38;
	[tilespmem:$0x130C0] =	vst v63  }
0xa6: {  	_ =	swait.ge [sflag:s23], $0x7D0  }
0xa7: {  	[sflag:s23] =	ssyncset.done $0x0  }
0xa8: {  	s22 =	sadd.s32 s9, s5;
	[sflag:s23] =	ssyncadd.s32 $0xFFFFF830  }
0xa9: {  	[tilespmem:s31], [sflag:$0x2] =	stream.linear.gather [hbm4b:s22+s1], $0x7D0, $0x38;
	[tilespmem:$0x130C0] =	vst v63  }
0xaa: {  	_ =	swait.ge [sflag:s23], $0x7D0  }
0xab: {  	[sflag:s23] =	ssyncset.done $0x0  }
0xac: {  	s22 =	sadd.s32 s10, s5;
	[sflag:s23] =	ssyncadd.s32 $0xFFFFF830  }
0xad: {  	[tilespmem:s25], [sflag:$0x2] =	stream.linear.gather [hbm4b:s22+s1], $0x7D0, $0x38;
	[tilespmem:$0x130C0] =	vst v63  }
0xae: {  	_ =	swait.ge [sflag:s23], $0x7D0  }
0xaf: {  	[sflag:s23] =	ssyncset.done $0x0  }
0xb0: {  	s5 =	sadd.s32 s12, s5;
	[sflag:s23] =	ssyncadd.s32 $0xFFFFF830  }
0xb1: {  	[tilespmem:s26], [sflag:$0x2] =	stream.linear.gather [hbm4b:s5+s1], $0x7D0, $0x38;
	[tilespmem:$0x130C0] =	vst v63  }
0xb2: {  	_ =	swait.ge [sflag:s23], $0x7D0  }
0xb3: {  	[sflag:s23] =	ssyncset.done $0x0  }
0xb4: {  	[sflag:s23] =	ssyncadd.s32 $0xFFFFF830  }
0xb5: {  	[tilespmem:s28], [sflag:$0x1] =	stream.indirect.gather [hbm4b:s3+s24], $0x3, s1, s24, $0xb8;
	[tilespmem:$0x130C0] =	vst v63  }
0xb6: {  	_ = 	snop  }
0xb7: {  	[tilespmem:s29], [sflag:$0x1] =	stream.indirect.gather [hbm4b:s3+s24], $0x3, s24, s24, $0xb8;
	[tilespmem:$0x130C0] =	vst v63  }
0xb8: {  	_ = 	snop  }
0xb9: {  	[tilespmem:s0], [sflag:$0x1] =	stream.indirect.gather [hbm4b:s3+s24], $0x3, s31, s24, $0xb8;
	[tilespmem:$0x130C0] =	vst v63  }
0xba: {  	_ =	swait.ge [sflag:s30], $0x1770  }
0xbb: {  	[sflag:s30] =	ssyncset.done $0x0  }
0xbc: {  	[sflag:s30] =	ssyncadd.s32 $0xFFFFE890  }
0xbd: {  	v4 =	vor.u32 s1, v0;
	_ =	swait.ge [sflag:s30], $0x1770  }
0xbe: {  	v5 =	vshll.u32 v4, $0x3;
	[sflag:s30] =	ssyncset.done $0x0  }
0xbf: {  	[sflag:s30] =	ssyncadd.s32 $0xFFFFE890  }
0xc0: {  	_ =	swait.ge [sflag:s30], $0x1770  }
0xc1: {  	v6 =	vor.u32 $0x2, v5;
	[sflag:s30] =	ssyncset.done $0x0  }
0xc2: {  	v7 =	vor.u32 $0x1, v5;
	[sflag:s30] =	ssyncadd.s32 $0xFFFFE890  }
0xc3: {  	v8 =	vld.idx.msk [tilespmem:v5+s28+$0x0], $0xffff  }
0xc4: {  	v9 =	vld.idx.msk [tilespmem:v5+s29+$0x0], $0xffff  }
0xc5: {  	v5 =	vld.idx.msk [tilespmem:v5+s0+$0x0], $0xffff  }
0xc6: {  	v10 =	vld.idx.msk [tilespmem:v6+s28+$0x0], $0xffff  }
0xc7: {  	v11 =	vld.idx.msk [tilespmem:v7+s28+$0x0], $0xffff  }
0xc8: {  	v12 =	vld.idx.msk [tilespmem:v7+s29+$0x0], $0xffff  }
0xc9: {  	v7 =	vld.idx.msk [tilespmem:v7+s0+$0x0], $0xffff  }
0xca: {  	v13 =	vld.idx.msk [tilespmem:v6+s29+$0x0], $0xffff  }
0xcb: {  	v6 =	vld.idx.msk [tilespmem:v6+s0+$0x0], $0xffff;
	_ =	sdelay $0x1  }
0xcc: {  	v8 =	vsub.f32 v8, v9;
	v11 =	vsub.f32 v11, v12  }
0xcd: {  	v9 =	vsub.f32 v5, v9;
	v7 =	vsub.f32 v7, v12  }
0xce: {  	v10 =	vsub.f32 v10, v13;
	v5 =	vmul.f32 v8, v8;
	v12 =	vmul.f32 v11, v11  }
0xcf: {  	v6 =	vsub.f32 v6, v13;
	v14 =	vmul.f32 v9, v9;
	v15 =	vmul.f32 v7, v7  }
0xd0: {  	v13 =	vmul.f32 v10, v10;
	v5 =	vadd.f32 v12, v5  }
0xd1: {  	v12 =	vadd.f32 v15, v14;
	v14 =	vmul.f32 v6, v6  }
0xd2: {  	v13 =	vadd.f32 v13, v5  }
0xd3: {  	v12 =	vadd.f32 v14, v12  }
0xd4: {  	v5 =	vmax.f32 v13, $1.000000000e-30  }
0xd5: {  	v14 =	vmax.f32 v12, $1.000000000e-30;
	v15 =	vshrl.u32 v5, $0x1  }
0xd6: {  	v16 =	vmul.f32 $5.000000000e-01, v5;
	v5 =	vshrl.u32 v14, $0x1;
	v14 =	vmul.f32 $5.000000000e-01, v14  }
0xd7: {  	v15 =	vsub.s32 $0x5F3759DF, v15;
	v5 =	vsub.s32 $0x5F3759DF, v5  }
0xd8: {  	v17 =	vmul.f32 v15, v16;
	v18 =	vmul.f32 v5, v14;
	_ =	sdelay $0x1  }
0xd9: {  	v17 =	vmul.f32 v15, v17;
	v18 =	vmul.f32 v5, v18;
	_ =	sdelay $0x1  }
0xda: {  	v17 =	vsub.f32 $1.500000000e+00, v17;
	v18 =	vsub.f32 $1.500000000e+00, v18;
	_ =	sdelay $0x1  }
0xdb: {  	v15 =	vmul.f32 v15, v17;
	v17 =	vmul.f32 v5, v18;
	_ =	sdelay $0x1  }
0xdc: {  	v5 =	vmul.f32 v15, v16;
	v18 =	vmul.f32 v17, v14;
	_ =	sdelay $0x1  }
0xdd: {  	v5 =	vmul.f32 v5, v15;
	v18 =	vmul.f32 v18, v17;
	_ =	sdelay $0x1  }
0xde: {  	v19 =	vsub.f32 $1.500000000e+00, v5;
	v18 =	vsub.f32 $1.500000000e+00, v18  }
0xdf: {  	s22 =	simm.s32 $0x10  }
0xe0: {  	v5 =	vor.u32 s22, v0;
	v15 =	vmul.f32 v19, v15;
	v17 =	vmul.f32 v18, v17  }
0xe1: {  	v18 =	vshll.u32 v5, $0x3  }
0xe2: {  	v16 =	vmul.f32 v15, v16;
	v14 =	vmul.f32 v17, v14;
	_ =	sdelay $0x1  }
0xe3: {  	v19 =	vor.u32 $0x2, v18;
	v16 =	vmul.f32 v16, v15;
	v14 =	vmul.f32 v14, v17  }
0xe4: {  	v20 =	vor.u32 $0x1, v18  }
0xe5: {  	v21 =	vld.idx.msk [tilespmem:v18+s28+$0x0], $0xffff;
	v16 =	vsub.f32 $1.500000000e+00, v16;
	v14 =	vsub.f32 $1.500000000e+00, v14  }
0xe6: {  	v22 =	vld.idx.msk [tilespmem:v18+s29+$0x0], $0xffff  }
0xe7: {  	v18 =	vld.idx.msk [tilespmem:v18+s0+$0x0], $0xffff;
	v15 =	vmul.f32 v16, v15;
	v14 =	vmul.f32 v14, v17  }
0xe8: {  	v16 =	vld.idx.msk [tilespmem:v19+s28+$0x0], $0xffff  }
0xe9: {  	v17 =	vld.idx.msk [tilespmem:v20+s28+$0x0], $0xffff;
	v13 =	vmul.f32 v15, v13;
	v12 =	vmul.f32 v14, v12  }
0xea: {  	v14 =	vld.idx.msk [tilespmem:v20+s29+$0x0], $0xffff  }
0xeb: {  	v15 =	vld.idx.msk [tilespmem:v20+s0+$0x0], $0xffff;
	v13 =	vmax.f32 v13, $9.999999970e-07;
	v12 =	vmax.f32 v12, $9.999999970e-07  }
0xec: {  	v20 =	vld.idx.msk [tilespmem:v19+s29+$0x0], $0xffff;
	v12 =	vmul.f32 v12, v13  }
0xed: {  	v13 =	vld.idx.msk [tilespmem:v19+s0+$0x0], $0xffff  }
0xee: {  	(erf) = vrcp.f32 v12  }
0xef: {  	v8 =	vmul.f32 v9, v8;
	v19 =	vsub.f32 v21, v22;
	v12 =	vsub.f32 v18, v22  }
0xf0: {  	v7 =	vmul.f32 v7, v11;
	v17 =	vsub.f32 v17, v14;
	v14 =	vsub.f32 v15, v14  }
0xf1: {  	v9 =	vmul.f32 v19, v19;
	v16 =	vsub.f32 v16, v20;
	v15 =	vmul.f32 v12, v12  }
0xf2: {  	v18 =	vmul.f32 v17, v17;
	v11 =	vmul.f32 v14, v14;
	v13 =	vsub.f32 v13, v20  }
0xf3: {  	v6 =	vmul.f32 v6, v10;
	v7 =	vadd.f32 v7, v8;
	v10 =	vmul.f32 v16, v16  }
0xf4: {  	v9 =	vadd.f32 v18, v9;
	v11 =	vadd.f32 v11, v15;
	v15 =	vmul.f32 v13, v13  }
0xf5: {  	v6 =	vadd.f32 v6, v7  }
0xf6: {  	v8 =	vadd.f32 v10, v9;
	v9 =	vadd.f32 v15, v11  }
0xf7: {  	v7 =	vpop (erf)  }
0xf8: {  	v10 =	vmax.f32 v8, $1.000000000e-30;
	v11 =	vmax.f32 v9, $1.000000000e-30;
	v6 =	vmul.f32 v7, v6  }
0xf9: {  	v7 =	vshrl.u32 v10, $0x1;
	v10 =	vmul.f32 $5.000000000e-01, v10;
	v15 =	vshrl.u32 v11, $0x1  }
0xfa: {  	v11 =	vmul.f32 $5.000000000e-01, v11;
	v18 =	vsub.s32 $0x5F3759DF, v7;
	v6 =	vmax.f32 v6, $-1.000000000e+00  }
0xfb: {  	v15 =	vsub.s32 $0x5F3759DF, v15;
	v20 =	vmul.f32 v18, v10;
	v7 =	vmin.f32 v6, $1.000000000e+00  }
0xfc: {  	v6 =	vmul.f32 v15, v11;
	v21 =	vmul.f32 v7, v7;
	_ =	sdelay $0x1  }
0xfd: {  	v20 =	vmul.f32 v18, v20;
	v6 =	vmul.f32 v15, v6;
	v21 =	vsub.f32 $1.000000000e+00, v21;
	_ =	sdelay $0x1  }
0xfe: {  	v20 =	vsub.f32 $1.500000000e+00, v20;
	v6 =	vsub.f32 $1.500000000e+00, v6;
	v22 =	vmax.f32 v21, $1.000000000e-30  }
0xff: {  	v23 =	vshrl.u32 v22, $0x1;
	v22 =	vmul.f32 $5.000000000e-01, v22  }
0x100: {  	v18 =	vmul.f32 v18, v20;
	v15 =	vmul.f32 v15, v6;
	v20 =	vsub.s32 $0x5F3759DF, v23  }
0x101: {  	v6 =	vmul.f32 v20, v22  }
0x102: {  	v23 =	vmul.f32 v18, v10;
	v24 =	vmul.f32 v15, v11  }
0x103: {  	v6 =	vmul.f32 v20, v6  }
0x104: {  	v23 =	vmul.f32 v23, v18;
	v24 =	vmul.f32 v24, v15  }
0x105: {  	v25 =	vsub.f32 $1.500000000e+00, v6  }
0x106: {  	s22 =	simm.s32 $0x20;
	v23 =	vsub.f32 $1.500000000e+00, v23;
	v24 =	vsub.f32 $1.500000000e+00, v24  }
0x107: {  	v6 =	vor.u32 s22, v0;
	v20 =	vmul.f32 v20, v25  }
0x108: {  	v26 =	vshll.u32 v6, $0x3;
	v18 =	vmul.f32 v23, v18;
	v15 =	vmul.f32 v24, v15  }
0x109: {  	v23 =	vmul.f32 v20, v22  }
0x10a: {  	v10 =	vmul.f32 v18, v10;
	v11 =	vmul.f32 v15, v11  }
0x10b: {  	v23 =	vmul.f32 v23, v20  }
0x10c: {  	v24 =	vor.u32 $0x2, v26;
	v10 =	vmul.f32 v10, v18;
	v11 =	vmul.f32 v11, v15  }
0x10d: {  	v27 =	vor.u32 $0x1, v26;
	v25 =	vld.idx.msk [tilespmem:v26+s28+$0x0], $0xffff;
	v23 =	vsub.f32 $1.500000000e+00, v23  }
0x10e: {  	v28 =	vld.idx.msk [tilespmem:v26+s29+$0x0], $0xffff;
	v10 =	vsub.f32 $1.500000000e+00, v10;
	v11 =	vsub.f32 $1.500000000e+00, v11  }
0x10f: {  	v20 =	vmul.f32 v23, v20  }
0x110: {  	v26 =	vld.idx.msk [tilespmem:v26+s0+$0x0], $0xffff;
	v10 =	vmul.f32 v10, v18;
	v11 =	vmul.f32 v11, v15  }
0x111: {  	v29 =	vld.idx.msk [tilespmem:v24+s28+$0x0], $0xffff;
	v18 =	vmul.f32 v20, v22  }
0x112: {  	v15 =	vld.idx.msk [tilespmem:v27+s28+$0x0], $0xffff;
	v8 =	vmul.f32 v10, v8;
	v9 =	vmul.f32 v11, v9  }
0x113: {  	v10 =	vmul.f32 v12, v19;
	v22 =	vsub.f32 v25, v28;
	v25 =	vld.idx.msk [tilespmem:v27+s29+$0x0], $0xffff;
	v12 =	vmul.f32 v18, v20  }
0x114: {  	v11 =	vld.idx.msk [tilespmem:v27+s0+$0x0], $0xffff;
	v8 =	vmax.f32 v8, $9.999999970e-07;
	v9 =	vmax.f32 v9, $9.999999970e-07  }
0x115: {  	v23 =	vld.idx.msk [tilespmem:v24+s29+$0x0], $0xffff;
	v8 =	vmul.f32 v9, v8;
	v9 =	vsub.f32 $1.500000000e+00, v12  }
0x116: {  	v17 =	vmul.f32 v14, v17;
	v19 =	vsub.f32 v26, v28;
	v12 =	vmul.f32 v13, v16;
	v16 =	vld.idx.msk [tilespmem:v24+s0+$0x0], $0xffff  }
0x117: {  	(erf) = vrcp.f32 v8;
	v8 =	vmul.f32 v9, v20  }
0x118: {  	v26 =	vmul.f32 v19, v19;
	v14 =	vsub.f32 v15, v25;
	v9 =	vmax.f32 v21, $0.0e+00  }
0x119: {  	v18 =	vmul.f32 v22, v22;
	v15 =	vsub.f32 v11, v25;
	v8 =	vmul.f32 v8, v9  }
0x11a: {  	v13 =	vsub.f32 v29, v23;
	v24 =	vand.u32 $0x7FFFFFFF, v7;
	v9 =	vmul.f32 v14, v14  }
0x11b: {  	v20 =	vmul.f32 v15, v15;
	v16 =	vsub.f32 v16, v23;
	v23 =	vand.u32 $0x7FFFFFFF, v8  }
0x11c: {  	v11 =	vmul.f32 v13, v13;
	v9 =	vadd.f32 v9, v18;
	vm0 =	vgt.f32 v23, v24  }
0x11d: {  	v10 =	vadd.f32 v17, v10;
	v20 =	vadd.f32 v20, v26;
	v17 =	vsel vm0, v23, v24  }
0x11e: {  	v21 =	vmul.f32 v16, v16;
	v18 =	vadd.f32 v11, v9;
	v9 =	vmax.f32 v17, $9.999999910e-38;
	_ =	sdelay $0x1  }
0x11f: {  	v10 =	vadd.f32 v12, v10;
	v17 =	vadd.f32 v21, v20;
	(erf) = vrcp.f32 v9  }
0x120: {  	v9 =	vpop (erf)  }
0x121: {  	v11 =	vmax.f32 v18, $1.000000000e-30;
	v12 =	vmax.f32 v17, $1.000000000e-30;
	v9 =	vmul.f32 v9, v10  }
0x122: {  	v20 =	vmul.f32 $5.000000000e-01, v11;
	v30 =	vmul.f32 $5.000000000e-01, v12;
	v10 =	vshrl.u32 v11, $0x1  }
0x123: {  	v11 =	vshrl.u32 v12, $0x1;
	v25 =	vsub.s32 $0x5F3759DF, v10;
	v9 =	vmax.f32 v9, $-1.000000000e+00  }
0x124: {  	v12 =	vsub.s32 $0x5F3759DF, v11;
	v10 =	vmul.f32 v25, v20;
	v9 =	vmin.f32 v9, $1.000000000e+00  }
0x125: {  	v11 =	vmul.f32 v12, v30;
	v21 =	vmul.f32 v9, v9  }
0x126: {  	s22 =	simm.s32 $0x30;
	v26 =	vmul.f32 v25, v10  }
0x127: {  	v10 =	vor.u32 s22, v0;
	v11 =	vmul.f32 v12, v11;
	v21 =	vsub.f32 $1.000000000e+00, v21  }
0x128: {  	v23 =	vsel vm0, v24, v23;
	v27 =	vshll.u32 v10, $0x3;
	v26 =	vsub.f32 $1.500000000e+00, v26;
	v24 =	vpop (erf)  }
0x129: {  	v28 =	vsub.f32 $1.500000000e+00, v11;
	v11 =	vmul.f32 v24, v23;
	v29 =	vmax.f32 v21, $1.000000000e-30  }
0x12a: {  	v23 =	vmul.f32 v25, v26;
	v25 =	vshrl.u32 v29, $0x1;
	v24 =	vmul.f32 $5.000000000e-01, v29  }
0x12b: {  	v29 =	vmul.f32 v12, v28;
	v12 =	vmul.f32 v11, v11;
	v28 =	vsub.s32 $0x5F3759DF, v25  }
0x12c: {  	v25 =	vmul.f32 v23, v20;
	v26 =	vmul.f32 v28, v24  }
0x12d: {  	v31 =	vmul.f32 v29, v30;
	v32 =	vmul.f32 $2.398140030e-03, v12  }
0x12e: {  	v33 =	vmul.f32 v25, v23;
	v26 =	vmul.f32 v28, v26  }
0x12f: {  	v34 =	vld.idx.msk [tilespmem:v27+s28+$0x0], $0xffff;
	v25 =	vor.u32 $0x2, v27;
	v31 =	vmul.f32 v31, v29;
	v32 =	vadd.f32 $-1.415234990e-02, v32  }
0x130: {  	v36 =	vld.idx.msk [tilespmem:v27+s29+$0x0], $0xffff;
	v33 =	vsub.f32 $1.500000000e+00, v33;
	v35 =	vsub.f32 $1.500000000e+00, v26  }
0x131: {  	v37 =	vor.u32 $0x1, v27;
	v38 =	vld.idx.msk [tilespmem:v27+s0+$0x0], $0xffff;
	v27 =	vsub.f32 $1.500000000e+00, v31;
	v31 =	vmul.f32 v32, v12  }
0x132: {  	v26 =	vmul.f32 v33, v23;
	v28 =	vmul.f32 v28, v35  }
0x133: {  	v22 =	vmul.f32 v19, v22;
	v27 =	vmul.f32 v27, v29;
	v23 =	vadd.f32 $3.934540970e-02, v31  }
0x134: {  	vm0 =	vmmov vm0;
	v32 =	vld.idx.msk [tilespmem:v25+s28+$0x0], $0xffff;
	v31 =	vmul.f32 v26, v20;
	v62 =	vmul.f32 v28, v24  }
0x135: {  	v19 =	vsub.f32 v34, v36;
	v29 =	vld.idx.msk [tilespmem:v25+s29+$0x0], $0xffff;
	v63 =	vmul.f32 v27, v30;
	v23 =	vmul.f32 v23, v12  }
0x136: {  	v35 =	vld.idx.msk [tilespmem:v37+s28+$0x0], $0xffff;
	v20 =	vsub.f32 v38, v36;
	v39 =	vmul.f32 v31, v26;
	v40 =	vmul.f32 v62, v28  }
0x137: {  	v36 =	vld.idx.msk [tilespmem:v37+s29+$0x0], $0xffff;
	v30 =	vmul.f32 v19, v19;
	v33 =	vmul.f32 v63, v27;
	v23 =	vadd.f32 $-7.194384190e-02, v23  }
0x138: {  	s22 =	simm.s32 $0x40;
	v38 =	vld.idx.msk [tilespmem:v37+s0+$0x0], $0xffff;
	v31 =	vmul.f32 v20, v20;
	v34 =	vsub.f32 $1.500000000e+00, v39;
	v37 =	vsub.f32 $1.500000000e+00, v40  }
.LBB2_7:
0x139: {  	p0 =	sne.s32 s22, $0x7C0;
	v39 =	vmul.f32 v16, v13;
	v13 =	vsub.f32 $1.500000000e+00, v33;
	v16 =	vmul.f32 v23, v12  }
0x13a: {  	v23 =	vmul.f32 v34, v26;
	v26 =	vmul.f32 v37, v28  }
0x13b: {  	v28 =	vmul.f32 v15, v14;
	v15 =	vmul.f32 v13, v27;
	v16 =	vadd.f32 $1.047753920e-01, v16  }
0x13c: {  	v13 =	vsub.f32 v32, v29;
	v25 =	vld.idx.msk [tilespmem:v25+s0+$0x0], $0xffff;
	v18 =	vmul.f32 v23, v18;
	v23 =	vmul.f32 v26, v24  }
0x13d: {  	v14 =	vsub.f32 v35, v36;
	v17 =	vmul.f32 v15, v17;
	v16 =	vmul.f32 v16, v12  }
0x13e: {  	v15 =	vsub.f32 v38, v36;
	v24 =	vmul.f32 v13, v13;
	v23 =	vmul.f32 v23, v26  }
0x13f: {  	v18 =	vmax.f32 v18, $9.999999970e-07;
	v17 =	vmax.f32 v17, $9.999999970e-07;
	v16 =	vadd.f32 $-1.415480670e-01, v16  }
0x140: {  	v27 =	vmul.f32 v14, v14;
	v17 =	vmul.f32 v17, v18;
	v18 =	vsub.f32 $1.500000000e+00, v23  }
0x141: {  	v32 =	vand.u32 v1, v4;
	v4 =	vmovc v5;
	v23 =	vmul.f32 v15, v15;
	v33 =	vmul.f32 v16, v12  }
0x142: {  	v5 =	vmovc v6;
	v6 =	vmovc v10;
	v16 =	vsub.f32 v25, v29;
	(erf) = vrcp.f32 v17;
	v17 =	vmul.f32 v18, v26  }
0x143: {  	v10 =	vadd.f32 v27, v30;
	v18 =	vmax.f32 v21, $0.0e+00;
	v21 =	vadd.f32 $1.998488460e-01, v33  }
0x144: {  	v23 =	vadd.f32 v23, v31;
	v25 =	vmul.f32 v16, v16;
	v26 =	vmul.f32 v17, v18  }
0x145: {  	v18 =	vadd.f32 v24, v10;
	v10 =	vadd.f32 v28, v22;
	v21 =	vmul.f32 v21, v12  }
0x146: {  	v17 =	vadd.f32 v25, v23;
	v23 =	vand.u32 $0x7FFFFFFF, v9;
	v22 =	vand.u32 $0x7FFFFFFF, v26  }
0x147: {  	v10 =	vadd.f32 v39, v10;
	vm1 =	vgt.f32 v22, v23;
	v21 =	vadd.f32 $-3.333252370e-01, v21  }
0x148: {  	v24 =	vmax.f32 v18, $1.000000000e-30;
	v25 =	vmax.f32 v17, $1.000000000e-30;
	v27 =	vsel vm1, v22, v23  }
0x149: {  	v28 =	vshrl.u32 v24, $0x1;
	v27 =	vmax.f32 v27, $9.999999910e-38;
	v12 =	vmul.f32 v21, v12  }
0x14a: {  	v29 =	vmul.f32 $5.000000000e-01, v24;
	v21 =	vshrl.u32 v25, $0x1;
	(erf) = vrcp.f32 v27  }
0x14b: {  	v24 =	vsub.s32 $0x5F3759DF, v28;
	v30 =	vmul.f32 $5.000000000e-01, v25;
	v25 =	vpop (erf);
	v27 =	vld.idx.msk [tilespmem:v32+s25+$0x0], $0xffff;
	v12 =	vadd.f32 $9.999998800e-01, v12  }
0x14c: {  	v28 =	vmul.f32 v24, v29;
	v31 =	vsub.s32 $0x5F3759DF, v21;
	v21 =	vmul.f32 v25, v10  }
0x14d: {  	v10 =	vor.u32 s22, v0;
	v25 =	vmul.f32 v31, v30;
	v11 =	vmul.f32 v12, v11  }
0x14e: {  	v33 =	vshll.u32 v10, $0x3;
	v12 =	vmul.f32 v24, v28;
	v21 =	vmax.f32 v21, $-1.000000000e+00  }
0x14f: {  	v28 =	vmul.f32 v31, v25;
	v34 =	vmin.f32 v21, $1.000000000e+00;
	v21 =	vsub.f32 $1.570796370e+00, v11  }
0x150: {  	v25 =	vor.u32 $0x2, v33;
	v12 =	vsub.f32 $1.500000000e+00, v12;
	v35 =	vmul.f32 v34, v34  }
0x151: {  	v28 =	vsub.f32 $1.500000000e+00, v28;
	v27 =	vmul.f32 $3.141592740e+00, v27;
	v36 =	vsel vm0, v21, v11  }
0x152: {  	v37 =	vmul.f32 v24, v12;
	v21 =	vsub.f32 $1.000000000e+00, v35;
	v12 =	vsub.f32 $3.141592740e+00, v36  }
0x153: {  	v11 =	vsel vm1, v23, v22;
	vm0 =	vlt.f32 v7, $0.0e+00;
	v31 =	vmul.f32 v31, v28;
	v22 =	vpop (erf)  }
0x154: {  	v7 =	vmovc v9;
	v23 =	vmax.f32 v21, $1.000000000e-30;
	v11 =	vmul.f32 v22, v11;
	v22 =	vld.idx.msk [tilespmem:v32+s26+$0x0], $0xffff;
	v28 =	vsel vm0, v12, v36  }
0x155: {  	v9 =	vmovc v34;
	v12 =	vshrl.u32 v23, $0x1;
	v24 =	vmul.f32 $5.000000000e-01, v23;
	v23 =	vsub.f32 $0.0e+00, v28  }
0x156: {  	vm0 =	vlt.f32 v8, $0.0e+00;
	v8 =	vmovc v26;
	v32 =	vsub.s32 $0x5F3759DF, v12;
	v12 =	vmul.f32 v11, v11  }
0x157: {  	v26 =	vmul.f32 v37, v29;
	v34 =	vmul.f32 v32, v24;
	v23 =	vsel vm0, v23, v28  }
0x158: {  	v28 =	vmul.f32 v31, v30;
	v35 =	vmul.f32 $2.398140030e-03, v12;
	v23 =	vsub.f32 v23, v27  }
0x159: {  	v38 =	vor.u32 $0x1, v33;
	v26 =	vmul.f32 v26, v37;
	v36 =	vld.idx.msk [tilespmem:v33+s28+$0x0], $0xffff;
	v27 =	vmul.f32 v32, v34  }
0x15a: {  	v28 =	vmul.f32 v28, v31;
	v34 =	vld.idx.msk [tilespmem:v33+s29+$0x0], $0xffff;
	v35 =	vadd.f32 $-1.415234990e-02, v35;
	v39 =	vmul.f32 v23, v22  }
0x15b: {  	v22 =	vmul.f32 v20, v19;
	v19 =	vsub.f32 $1.500000000e+00, v26;
	v33 =	vld.idx.msk [tilespmem:v33+s0+$0x0], $0xffff;
	v20 =	vsub.f32 $1.500000000e+00, v27  }
0x15c: {  	v27 =	vsub.f32 $1.500000000e+00, v28;
	v35 =	vmul.f32 v35, v12;
	v23 =	vmul.f32 v39, v23  }
0x15d: {  	vm0 =	vmmov vm1;
	v26 =	vmul.f32 v19, v37;
	v28 =	vmul.f32 v32, v20  }
0x15e: {  	v27 =	vmul.f32 v27, v31;
	v20 =	vadd.f32 $3.934540970e-02, v35;
	v3 =	vadd.f32 v23, v3  }
.Ltmp2:
0x15f: {  	v23 =	vmul.f32 v26, v29;
	v32 =	vld.idx.msk [tilespmem:v25+s28+$0x0], $0xffff;
	v31 =	vmul.f32 v28, v24;
	(pc) =	sbr.rel @p0 .LBB2_7-.Ltmp2, $4  }
0x160: {  	v19 =	vsub.f32 v36, v34;
	v37 =	vmul.f32 v27, v30;
	v29 =	vld.idx.msk [tilespmem:v25+s29+$0x0], $0xffff;
	v39 =	vmul.f32 v20, v12  }
0x161: {  	v20 =	vsub.f32 v33, v34;
	v34 =	vmul.f32 v23, v26;
	v35 =	vld.idx.msk [tilespmem:v38+s28+$0x0], $0xffff;
	v40 =	vmul.f32 v31, v28  }
0x162: {  	v30 =	vmul.f32 v19, v19;
	v33 =	vmul.f32 v37, v27;
	v36 =	vld.idx.msk [tilespmem:v38+s29+$0x0], $0xffff;
	v23 =	vadd.f32 $-7.194384190e-02, v39  }
0x163: {  	s22 =	sadd.s32 $0x10, s22;
	v31 =	vmul.f32 v20, v20;
	v34 =	vsub.f32 $1.500000000e+00, v34;
	v38 =	vld.idx.msk [tilespmem:v38+s0+$0x0], $0xffff;
	v37 =	vsub.f32 $1.500000000e+00, v40  }
0x164: {  	_ =	sdelay $0x3  }
0x165: {  	v25 =	vld.idx.msk [tilespmem:v25+s0+$0x0], $0xffff;
	_ =	sdelay $0x1  }
0x166: {  	v35 =	vsub.f32 v35, v36  }
0x167: {  	v46 =	vsub.f32 v38, v36  }
0x168: {  	v32 =	vsub.f32 v32, v29;
	v47 =	vmul.f32 v35, v35  }
0x169: {  	v25 =	vsub.f32 v25, v29;
	v39 =	vmul.f32 v46, v46  }
0x16a: {  	v48 =	vmul.f32 v32, v32;
	v30 =	vadd.f32 v47, v30  }
0x16b: {  	v49 =	vmul.f32 v25, v25;
	v31 =	vadd.f32 v39, v31  }
0x16c: {  	v29 =	vadd.f32 v48, v30  }
0x16d: {  	v50 =	vadd.f32 v49, v31  }
0x16e: {  	v51 =	vmax.f32 v29, $1.000000000e-30  }
0x16f: {  	v38 =	vmax.f32 v50, $1.000000000e-30;
	v52 =	vshrl.u32 v51, $0x1  }
0x170: {  	v31 =	vmul.f32 $5.000000000e-01, v51;
	v40 =	vshrl.u32 v38, $0x1;
	v38 =	vmul.f32 $5.000000000e-01, v38  }
0x171: {  	v39 =	vsub.s32 $0x5F3759DF, v52;
	v40 =	vsub.s32 $0x5F3759DF, v40  }
0x172: {  	v41 =	vmul.f32 v39, v31;
	v42 =	vmul.f32 v40, v38;
	_ =	sdelay $0x1  }
0x173: {  	v41 =	vmul.f32 v39, v41;
	v42 =	vmul.f32 v40, v42;
	_ =	sdelay $0x1  }
0x174: {  	v41 =	vsub.f32 $1.500000000e+00, v41;
	v42 =	vsub.f32 $1.500000000e+00, v42;
	_ =	sdelay $0x1  }
0x175: {  	v39 =	vmul.f32 v39, v41;
	v40 =	vmul.f32 v40, v42;
	_ =	sdelay $0x1  }
0x176: {  	v41 =	vmul.f32 v39, v31;
	v42 =	vmul.f32 v40, v38;
	_ =	sdelay $0x1  }
0x177: {  	v41 =	vmul.f32 v41, v39;
	v42 =	vmul.f32 v42, v40  }
0x178: {  	v28 =	vmul.f32 v37, v28  }
0x179: {  	v53 =	vsub.f32 $1.500000000e+00, v41;
	v54 =	vsub.f32 $1.500000000e+00, v42  }
0x17a: {  	v24 =	vmul.f32 v28, v24  }
0x17b: {  	v37 =	vmul.f32 v53, v39;
	v55 =	vmul.f32 v54, v40  }
0x17c: {  	v24 =	vmul.f32 v24, v28  }
0x17d: {  	v31 =	vmul.f32 v37, v31;
	v38 =	vmul.f32 v55, v38  }
0x17e: {  	v33 =	vsub.f32 $1.500000000e+00, v33;
	v26 =	vmul.f32 v34, v26;
	v24 =	vsub.f32 $1.500000000e+00, v24  }
0x17f: {  	v31 =	vmul.f32 v31, v37;
	v56 =	vmul.f32 v38, v55  }
0x180: {  	v21 =	vmax.f32 v21, $0.0e+00;
	v27 =	vmul.f32 v33, v27;
	v24 =	vmul.f32 v24, v28  }
0x181: {  	v18 =	vmul.f32 v26, v18;
	v57 =	vsub.f32 $1.500000000e+00, v31;
	v58 =	vsub.f32 $1.500000000e+00, v56  }
0x182: {  	v27 =	vmul.f32 v27, v17;
	v17 =	vmul.f32 v24, v21  }
0x183: {  	v59 =	vmul.f32 v57, v37;
	v60 =	vmul.f32 v58, v55  }
0x184: {  	v63 =	vand.u32 $0x7FFFFFFF, v9;
	v18 =	vmax.f32 v18, $9.999999970e-07;
	v61 =	vmax.f32 v27, $9.999999970e-07  }
0x185: {  	v62 =	vand.u32 $0x7FFFFFFF, v17;
	v21 =	vmul.f32 v59, v29;
	v24 =	vmul.f32 v60, v50  }
0x186: {  	v18 =	vmul.f32 v61, v18;
	vm1 =	vgt.f32 v62, v63  }
0x187: {  	v29 =	vsel vm1, v62, v63;
	v21 =	vmax.f32 v21, $9.999999970e-07;
	v24 =	vmax.f32 v24, $9.999999970e-07  }
0x188: {  	(erf) = vrcp.f32 v18;
	v30 =	vmax.f32 v29, $9.999999910e-38;
	v21 =	vmul.f32 v24, v21  }
0x189: {  	(erf) = vrcp.f32 v30  }
0x18a: {  	(erf) = vrcp.f32 v21;
	_ =	sdelay $0x1  }
0x18b: {  	v14 =	vmul.f32 v15, v14  }
0x18c: {  	v13 =	vmul.f32 v16, v13  }
0x18d: {  	v14 =	vadd.f32 v14, v22;
	v33 =	vmul.f32 v46, v35;
	v31 =	vmul.f32 v20, v19;
	_ =	sdelay $0x1  }
0x18e: {  	v13 =	vadd.f32 v13, v14;
	v34 =	vmul.f32 v25, v32;
	v15 =	vadd.f32 v33, v31  }
0x18f: {  	v35 =	vpop (erf)  }
0x190: {  	v13 =	vmul.f32 v35, v13;
	v14 =	vadd.f32 v34, v15;
	v18 =	vpop (erf)  }
0x191: {  	v36 =	vpop (erf)  }
0x192: {  	v13 =	vmax.f32 v13, $-1.000000000e+00;
	v15 =	vmul.f32 v36, v14  }
0x193: {  	v14 =	vmin.f32 v13, $1.000000000e+00  }
0x194: {  	v37 =	vmul.f32 v14, v14;
	v38 =	vmax.f32 v15, $-1.000000000e+00  }
0x195: {  	v13 =	vmin.f32 v38, $1.000000000e+00  }
0x196: {  	v39 =	vsub.f32 $1.000000000e+00, v37;
	v40 =	vmul.f32 v13, v13;
	_ =	sdelay $0x1  }
0x197: {  	v41 =	vmax.f32 v39, $1.000000000e-30;
	v42 =	vsub.f32 $1.000000000e+00, v40  }
0x198: {  	v43 =	vshrl.u32 v41, $0x1;
	v19 =	vmul.f32 $5.000000000e-01, v41  }
0x199: {  	v16 =	vsub.s32 $0x5F3759DF, v43;
	v44 =	vmax.f32 v42, $1.000000000e-30  }
0x19a: {  	v45 =	vmul.f32 v16, v19;
	v46 =	vshrl.u32 v44, $0x1;
	v21 =	vmul.f32 $5.000000000e-01, v44  }
0x19b: {  	v24 =	vsub.s32 $0x5F3759DF, v46  }
0x19c: {  	v22 =	vmul.f32 v16, v45;
	v47 =	vmul.f32 v24, v21;
	_ =	sdelay $0x1  }
0x19d: {  	v22 =	vsub.f32 $1.500000000e+00, v22;
	v25 =	vmul.f32 v24, v47;
	_ =	sdelay $0x1  }
0x19e: {  	v16 =	vmul.f32 v16, v22;
	v48 =	vsub.f32 $1.500000000e+00, v25;
	_ =	sdelay $0x1  }
0x19f: {  	v49 =	vmul.f32 v16, v19;
	v22 =	vmul.f32 v24, v48;
	_ =	sdelay $0x1  }
0x1a0: {  	v50 =	vmul.f32 v49, v16;
	v51 =	vmul.f32 v22, v21;
	_ =	sdelay $0x1  }
0x1a1: {  	v24 =	vsub.f32 $1.500000000e+00, v50;
	v25 =	vmul.f32 v51, v22;
	_ =	sdelay $0x1  }
0x1a2: {  	v16 =	vmul.f32 v24, v16;
	v52 =	vsub.f32 $1.500000000e+00, v25;
	_ =	sdelay $0x1  }
0x1a3: {  	v19 =	vmul.f32 v16, v19;
	v22 =	vmul.f32 v52, v22;
	_ =	sdelay $0x1  }
0x1a4: {  	v19 =	vmul.f32 v19, v16;
	v21 =	vmul.f32 v22, v21;
	_ =	sdelay $0x1  }
0x1a5: {  	v19 =	vsub.f32 $1.500000000e+00, v19;
	v21 =	vmul.f32 v21, v22;
	_ =	sdelay $0x1  }
0x1a6: {  	v16 =	vmul.f32 v19, v16;
	v53 =	vsub.f32 $1.500000000e+00, v21  }
0x1a7: {  	v15 =	vmax.f32 v39, $0.0e+00  }
0x1a8: {  	v16 =	vmul.f32 v16, v15;
	v54 =	vmul.f32 v53, v22  }
0x1a9: {  	v55 =	vmax.f32 v42, $0.0e+00  }
0x1aa: {  	v57 =	vand.u32 $0x7FFFFFFF, v14;
	v56 =	vand.u32 $0x7FFFFFFF, v16;
	v15 =	vmul.f32 v54, v55  }
0x1ab: {  	vm3 =	vgt.f32 v56, v57  }
0x1ac: {  	v60 =	vand.u32 $0x7FFFFFFF, v13;
	v58 =	vsel vm3, v56, v57;
	v59 =	vand.u32 $0x7FFFFFFF, v15  }
0x1ad: {  	v19 =	vmax.f32 v58, $9.999999910e-38;
	vm2 =	vgt.f32 v59, v60  }
0x1ae: {  	(erf) = vrcp.f32 v19;
	v61 =	vsel vm2, v59, v60  }
0x1af: {  	v19 =	vmax.f32 v61, $9.999999910e-38  }
0x1b0: {  	(erf) = vrcp.f32 v19;
	_ =	sdelay $0x3  }
0x1b1: {  	v62 =	vsel vm1, v63, v62  }
0x1b2: {  	v18 =	vmul.f32 v18, v62;
	_ =	sdelay $0x1  }
0x1b3: {  	v20 =	vsel vm3, v57, v56;
	v19 =	vmul.f32 v18, v18;
	v27 =	vpop (erf)  }
0x1b4: {  	v20 =	vmul.f32 v27, v20  }
0x1b5: {  	v22 =	vsel vm2, v60, v59;
	v63 =	vmul.f32 $2.398140030e-03, v19;
	v30 =	vpop (erf)  }
0x1b6: {  	v31 =	vmul.f32 v20, v20;
	v22 =	vmul.f32 v30, v22;
	_ =	sdelay $0x1  }
0x1b7: {  	v29 =	vadd.f32 $-1.415234990e-02, v63;
	v32 =	vmul.f32 $2.398140030e-03, v31;
	v33 =	vmul.f32 v22, v22  }
0x1b8: {  	v28 =	vmul.f32 v23, v12  }
0x1b9: {  	v23 =	vmul.f32 v29, v19;
	v24 =	vadd.f32 $-1.415234990e-02, v32;
	v34 =	vmul.f32 $2.398140030e-03, v33  }
0x1ba: {  	v21 =	vadd.f32 $1.047753920e-01, v28  }
0x1bb: {  	v23 =	vadd.f32 $3.934540970e-02, v23;
	v24 =	vmul.f32 v24, v31;
	v27 =	vadd.f32 $-1.415234990e-02, v34  }
0x1bc: {  	v21 =	vmul.f32 v21, v12  }
0x1bd: {  	v23 =	vmul.f32 v23, v19;
	v24 =	vadd.f32 $3.934540970e-02, v24;
	v27 =	vmul.f32 v27, v33  }
0x1be: {  	v21 =	vadd.f32 $-1.415480670e-01, v21  }
0x1bf: {  	v23 =	vadd.f32 $-7.194384190e-02, v23;
	v24 =	vmul.f32 v24, v31;
	v27 =	vadd.f32 $3.934540970e-02, v27  }
0x1c0: {  	v21 =	vmul.f32 v21, v12  }
0x1c1: {  	v23 =	vmul.f32 v23, v19;
	v24 =	vadd.f32 $-7.194384190e-02, v24;
	v27 =	vmul.f32 v27, v33  }
0x1c2: {  	v21 =	vadd.f32 $1.998488460e-01, v21  }
0x1c3: {  	v23 =	vadd.f32 $1.047753920e-01, v23;
	v24 =	vmul.f32 v24, v31;
	v27 =	vadd.f32 $-7.194384190e-02, v27  }
0x1c4: {  	v21 =	vmul.f32 v21, v12  }
0x1c5: {  	v23 =	vmul.f32 v23, v19;
	v37 =	vadd.f32 $1.047753920e-01, v24;
	v38 =	vmul.f32 v27, v33  }
0x1c6: {  	v21 =	vadd.f32 $-3.333252370e-01, v21  }
0x1c7: {  	v36 =	vadd.f32 $-1.415480670e-01, v23;
	v23 =	vmul.f32 v37, v31;
	v24 =	vadd.f32 $1.047753920e-01, v38  }
0x1c8: {  	v35 =	vmul.f32 v21, v12  }
0x1c9: {  	v21 =	vmul.f32 v36, v19;
	v40 =	vadd.f32 $-1.415480670e-01, v23;
	v41 =	vmul.f32 v24, v33  }
0x1ca: {  	v12 =	vadd.f32 $9.999998800e-01, v35  }
0x1cb: {  	v39 =	vadd.f32 $1.998488460e-01, v21;
	v21 =	vmul.f32 v40, v31;
	v23 =	vadd.f32 $-1.415480670e-01, v41  }
0x1cc: {  	v4 =	vand.u32 v1, v4;
	v11 =	vmul.f32 v12, v11  }
0x1cd: {  	v12 =	vmul.f32 v39, v19;
	v21 =	vadd.f32 $1.998488460e-01, v21;
	v23 =	vmul.f32 v23, v33  }
0x1ce: {  	vm5 =	vlt.f32 v7, $0.0e+00;
	v5 =	vand.u32 v1, v5  }
0x1cf: {  	v12 =	vadd.f32 $-3.333252370e-01, v12;
	v44 =	vmul.f32 v21, v31;
	v45 =	vadd.f32 $1.998488460e-01, v23  }
0x1d0: {  	vm6 =	vlt.f32 v8, $0.0e+00;
	v6 =	vand.u32 v1, v6;
	v42 =	vsub.f32 $1.570796370e+00, v11  }
0x1d1: {  	v12 =	vmul.f32 v12, v19;
	v19 =	vadd.f32 $-3.333252370e-01, v44;
	v21 =	vmul.f32 v45, v33  }
0x1d2: {  	v10 =	vand.u32 v1, v10;
	vm8 =	vlt.f32 v9, $0.0e+00;
	v43 =	vld.idx.msk [tilespmem:v4+s25+$0x0], $0xffff;
	v11 =	vsel vm0, v42, v11  }
0x1d3: {  	v51 =	vld.idx.msk [tilespmem:v5+s25+$0x0], $0xffff;
	v12 =	vadd.f32 $9.999998800e-01, v12;
	v48 =	vmul.f32 v19, v31;
	v49 =	vadd.f32 $-3.333252370e-01, v21  }
0x1d4: {  	vm11 =	vlt.f32 v17, $0.0e+00;
	vm7 =	vmmov vm1;
	v24 =	vsub.f32 $3.141592740e+00, v11  }
0x1d5: {  	v47 =	vmul.f32 v12, v18;
	v12 =	vadd.f32 $9.999998800e-01, v48;
	v18 =	vmul.f32 v49, v33  }
0x1d6: {  	vm12 =	vlt.f32 v14, $0.0e+00;
	vm13 =	vlt.f32 v13, $0.0e+00;
	v11 =	vsel vm5, v24, v11  }
0x1d7: {  	v50 =	vsub.f32 $1.570796370e+00, v47;
	v12 =	vmul.f32 v12, v20;
	v18 =	vadd.f32 $9.999998800e-01, v18  }
0x1d8: {  	v7 =	vmul.f32 $3.141592740e+00, v43;
	v53 =	vmul.f32 $3.141592740e+00, v51;
	v46 =	vsub.f32 $0.0e+00, v11  }
0x1d9: {  	v4 =	vld.idx.msk [tilespmem:v4+s26+$0x0], $0xffff;
	v8 =	vsel vm7, v50, v47;
	v52 =	vsub.f32 $1.570796370e+00, v12;
	v18 =	vmul.f32 v18, v22  }
0x1da: {  	v54 =	vld.idx.msk [tilespmem:v6+s25+$0x0], $0xffff;
	vm9 =	vmmov vm3;
	vm10 =	vmmov vm2;
	v19 =	vsub.f32 $3.141592740e+00, v8  }
0x1db: {  	v11 =	vsel vm6, v46, v11;
	v9 =	vsel vm9, v52, v12;
	v55 =	vsub.f32 $1.570796370e+00, v18  }
0x1dc: {  	v5 =	vld.idx.msk [tilespmem:v5+s26+$0x0], $0xffff;
	v7 =	vsub.f32 v11, v7;
	v8 =	vsel vm8, v19, v8;
	v56 =	vsub.f32 $3.141592740e+00, v9  }
0x1dd: {  	vm14 =	vlt.f32 v16, $0.0e+00;
	v57 =	vld.idx.msk [tilespmem:v10+s25+$0x0], $0xffff;
	v19 =	vsub.f32 $0.0e+00, v8;
	v12 =	vsel vm10, v55, v18  }
0x1de: {  	v4 =	vmul.f32 v7, v4;
	v9 =	vsel vm12, v56, v9;
	v58 =	vsub.f32 $3.141592740e+00, v12  }
0x1df: {  	v6 =	vld.idx.msk [tilespmem:v6+s26+$0x0], $0xffff;
	v11 =	vmul.f32 $3.141592740e+00, v54;
	v8 =	vsel vm11, v19, v8;
	v59 =	vsub.f32 $0.0e+00, v9  }
0x1e0: {  	v4 =	vmul.f32 v4, v7;
	v7 =	vsub.f32 v8, v53;
	v12 =	vsel vm13, v58, v12  }
0x1e1: {  	vm15 =	vlt.f32 v15, $0.0e+00;
	v60 =	vld.idx.msk [tilespmem:v10+s26+$0x0], $0xffff;
	v8 =	vsel vm14, v59, v9;
	v61 =	vsub.f32 $0.0e+00, v12  }
0x1e2: {  	v62 =	vmul.f32 $3.141592740e+00, v57;
	v5 =	vmul.f32 v7, v5;
	v8 =	vsub.f32 v8, v11  }
0x1e3: {  	v3 =	vadd.f32 v4, v3;
	v4 =	vsel vm15, v61, v12  }
0x1e4: {  	s4 =	sadd.s32 $0x1, s4;
	v5 =	vmul.f32 v5, v7;
	v6 =	vmul.f32 v8, v6;
	v4 =	vsub.f32 v4, v62  }
0x1e5: {  	p0 =	sne.s32 s4, $0x19  }
.Ltmp3:
0x1e6: {  	v3 =	vadd.f32 v5, v3;
	v5 =	vmul.f32 v6, v8;
	v63 =	vmul.f32 v4, v60;
	(pc) =	sbr.rel @p0 .LBB2_6-.Ltmp3, $3  }
0x1e7: {  	_ = 	snop  }
0x1e8: {  	v3 =	vadd.f32 v5, v3;
	v4 =	vmul.f32 v63, v4;
	_ =	sdelay $0x1  }
0x1e9: {  	s22 =	simm.s32 $0x0;
	v3 =	vadd.f32 v4, v3  }
0x1ea: {  	s1 =	simm.s32 $0x0  }
.LBB2_10:
0x1eb: {  	s4 =	smul.u32 $0x7D0, s1;
	_ =	sdelay $0x1  }
0x1ec: {  	s4 =	sadd.s32 s20, s4  }
0x1ed: {  	s4 =	sshrl.u32 s4, $0x3  }
0x1ee: {  	s5 =	sadd.s32 s13, s4  }
0x1ef: {  	[tilespmem:s22], [sflag:$0x2] =	stream.linear.gather [hbm4b:s5+s22], $0x7D0, $0x38;
	[tilespmem:$0x130C0] =	vst v63  }
0x1f0: {  	_ =	swait.ge [sflag:s23], $0x7D0  }
0x1f1: {  	[sflag:s23] =	ssyncset.done $0x0  }
0x1f2: {  	s5 =	sadd.s32 s14, s4;
	[sflag:s23] =	ssyncadd.s32 $0xFFFFF830  }
0x1f3: {  	[tilespmem:s24], [sflag:$0x2] =	stream.linear.gather [hbm4b:s5+s22], $0x7D0, $0x38;
	[tilespmem:$0x130C0] =	vst v63  }
0x1f4: {  	_ =	swait.ge [sflag:s23], $0x7D0  }
0x1f5: {  	[sflag:s23] =	ssyncset.done $0x0  }
0x1f6: {  	s5 =	sadd.s32 s15, s4;
	[sflag:s23] =	ssyncadd.s32 $0xFFFFF830  }
0x1f7: {  	[tilespmem:s31], [sflag:$0x2] =	stream.linear.gather [hbm4b:s5+s22], $0x7D0, $0x38;
	[tilespmem:$0x130C0] =	vst v63  }
0x1f8: {  	_ =	swait.ge [sflag:s23], $0x7D0  }
0x1f9: {  	[sflag:s23] =	ssyncset.done $0x0  }
0x1fa: {  	s5 =	sadd.s32 s16, s4;
	[sflag:s23] =	ssyncadd.s32 $0xFFFFF830  }
0x1fb: {  	[tilespmem:s11], [sflag:$0x2] =	stream.linear.gather [hbm4b:s5+s22], $0x7D0, $0x38;
	[tilespmem:$0x130C0] =	vst v63  }
0x1fc: {  	_ =	swait.ge [sflag:s23], $0x7D0  }
0x1fd: {  	[sflag:s23] =	ssyncset.done $0x0  }
0x1fe: {  	s5 =	sadd.s32 s17, s4;
	[sflag:s23] =	ssyncadd.s32 $0xFFFFF830  }
0x1ff: {  	[tilespmem:s25], [sflag:$0x2] =	stream.linear.gather [hbm4b:s5+s22], $0x7D0, $0x38;
	[tilespmem:$0x130C0] =	vst v63  }
0x200: {  	_ =	swait.ge [sflag:s23], $0x7D0  }
0x201: {  	[sflag:s23] =	ssyncset.done $0x0  }
0x202: {  	s5 =	sadd.s32 s18, s4;
	[sflag:s23] =	ssyncadd.s32 $0xFFFFF830  }
0x203: {  	[tilespmem:s26], [sflag:$0x2] =	stream.linear.gather [hbm4b:s5+s22], $0x7D0, $0x38;
	[tilespmem:$0x130C0] =	vst v63  }
0x204: {  	_ =	swait.ge [sflag:s23], $0x7D0  }
0x205: {  	[sflag:s23] =	ssyncset.done $0x0  }
0x206: {  	s4 =	sadd.s32 s19, s4;
	[sflag:s23] =	ssyncadd.s32 $0xFFFFF830  }
0x207: {  	[tilespmem:s2], [sflag:$0x2] =	stream.linear.gather [hbm4b:s4+s22], $0x7D0, $0x38;
	[tilespmem:$0x130C0] =	vst v63  }
0x208: {  	_ =	swait.ge [sflag:s23], $0x7D0  }
0x209: {  	[sflag:s23] =	ssyncset.done $0x0  }
0x20a: {  	[sflag:s23] =	ssyncadd.s32 $0xFFFFF830  }
0x20b: {  	[tilespmem:s28], [sflag:$0x1] =	stream.indirect.gather [hbm4b:s3+s24], $0x3, s22, s24, $0xb8;
	[tilespmem:$0x130C0] =	vst v63  }
0x20c: {  	_ = 	snop  }
0x20d: {  	[tilespmem:s29], [sflag:$0x1] =	stream.indirect.gather [hbm4b:s3+s24], $0x3, s24, s24, $0xb8;
	[tilespmem:$0x130C0] =	vst v63  }
0x20e: {  	_ = 	snop  }
0x20f: {  	[tilespmem:s0], [sflag:$0x1] =	stream.indirect.gather [hbm4b:s3+s24], $0x3, s31, s24, $0xb8;
	[tilespmem:$0x130C0] =	vst v63  }
0x210: {  	_ = 	snop  }
0x211: {  	[tilespmem:s21], [sflag:$0x1] =	stream.indirect.gather [hbm4b:s3+s24], $0x3, s11, s24, $0xb8;
	[tilespmem:$0x130C0] =	vst v63  }
0x212: {  	_ =	swait.ge [sflag:s30], $0x1770  }
0x213: {  	[sflag:s30] =	ssyncset.done $0x0  }
0x214: {  	[sflag:s30] =	ssyncadd.s32 $0xFFFFE890  }
0x215: {  	_ =	swait.ge [sflag:s30], $0x1770  }
0x216: {  	[sflag:s30] =	ssyncset.done $0x0  }
0x217: {  	[sflag:s30] =	ssyncadd.s32 $0xFFFFE890  }
0x218: {  	v5 =	vor.u32 s22, v0;
	_ =	swait.ge [sflag:s30], $0x1770  }
0x219: {  	v4 =	vshll.u32 v5, $0x3;
	[sflag:s30] =	ssyncset.done $0x0  }
0x21a: {  	[sflag:s30] =	ssyncadd.s32 $0xFFFFE890  }
0x21b: {  	_ =	swait.ge [sflag:s30], $0x1770  }
0x21c: {  	v6 =	vor.u32 $0x1, v4;
	[sflag:s30] =	ssyncset.done $0x0  }
0x21d: {  	[sflag:s30] =	ssyncadd.s32 $0xFFFFE890  }
0x21e: {  	v7 =	vor.u32 $0x2, v4;
	v8 =	vld.idx.msk [tilespmem:v4+s21+$0x0], $0xffff  }
0x21f: {  	v9 =	vld.idx.msk [tilespmem:v4+s29+$0x0], $0xffff  }
0x220: {  	v10 =	vld.idx.msk [tilespmem:v4+s0+$0x0], $0xffff  }
0x221: {  	v11 =	vld.idx.msk [tilespmem:v6+s21+$0x0], $0xffff  }
0x222: {  	v12 =	vld.idx.msk [tilespmem:v6+s0+$0x0], $0xffff  }
0x223: {  	v13 =	vld.idx.msk [tilespmem:v7+s0+$0x0], $0xffff  }
0x224: {  	v14 =	vld.idx.msk [tilespmem:v6+s29+$0x0], $0xffff  }
0x225: {  	v4 =	vld.idx.msk [tilespmem:v4+s28+$0x0], $0xffff  }
0x226: {  	v15 =	vld.idx.msk [tilespmem:v7+s21+$0x0], $0xffff  }
0x227: {  	v16 =	vld.idx.msk [tilespmem:v7+s29+$0x0], $0xffff  }
0x228: {  	v6 =	vld.idx.msk [tilespmem:v6+s28+$0x0], $0xffff;
	v17 =	vsub.f32 v10, v9  }
0x229: {  	v7 =	vld.idx.msk [tilespmem:v7+s28+$0x0], $0xffff;
	v11 =	vsub.f32 v11, v12;
	v8 =	vsub.f32 v8, v10  }
0x22a: {  	v10 =	vsub.f32 v12, v14;
	v4 =	vsub.f32 v9, v4  }
0x22b: {  	v9 =	vsub.f32 v15, v13;
	v12 =	vmul.f32 v17, v17;
	v18 =	vmul.f32 v11, v17  }
0x22c: {  	v13 =	vsub.f32 v13, v16;
	v15 =	vmul.f32 v8, v10;
	v19 =	vmul.f32 v10, v10  }
0x22d: {  	v6 =	vsub.f32 v14, v6;
	v14 =	vmul.f32 v10, v4;
	v20 =	vmul.f32 v9, v10  }
0x22e: {  	v7 =	vsub.f32 v16, v7;
	v11 =	vmul.f32 v11, v13;
	v8 =	vmul.f32 v8, v13  }
0x22f: {  	v16 =	vmul.f32 v13, v6;
	v9 =	vmul.f32 v9, v17  }
0x230: {  	v21 =	vmul.f32 v10, v7;
	v7 =	vmul.f32 v17, v7  }
0x231: {  	v4 =	vmul.f32 v13, v4;
	v15 =	vsub.f32 v18, v15;
	v11 =	vsub.f32 v20, v11  }
0x232: {  	v6 =	vmul.f32 v17, v6;
	v12 =	vadd.f32 v19, v12;
	v8 =	vsub.f32 v8, v9  }
0x233: {  	v9 =	vmul.f32 v13, v13;
	v16 =	vsub.f32 v16, v21;
	v7 =	vsub.f32 v7, v4  }
0x234: {  	v6 =	vsub.f32 v14, v6;
	v4 =	vmul.f32 v11, v11;
	v14 =	vmul.f32 v8, v8  }
0x235: {  	v18 =	vmul.f32 v16, v16;
	v19 =	vmul.f32 v7, v7;
	v9 =	vadd.f32 v9, v12  }
0x236: {  	v12 =	vmul.f32 v15, v15;
	v4 =	vadd.f32 v14, v4  }
0x237: {  	v14 =	vmul.f32 v6, v6;
	v18 =	vadd.f32 v19, v18;
	v19 =	vmax.f32 v9, $1.000000000e-30  }
0x238: {  	v20 =	vshrl.u32 v19, $0x1;
	v19 =	vmul.f32 $5.000000000e-01, v19;
	v4 =	vadd.f32 v4, v12  }
0x239: {  	v12 =	vsub.s32 $0x5F3759DF, v20;
	v14 =	vadd.f32 v18, v14  }
0x23a: {  	v18 =	vmul.f32 v12, v19;
	v20 =	vmax.f32 v4, $1.000000000e-30  }
0x23b: {  	v21 =	vmax.f32 v14, $1.000000000e-30;
	v22 =	vshrl.u32 v20, $0x1;
	v20 =	vmul.f32 $5.000000000e-01, v20  }
0x23c: {  	v23 =	vshrl.u32 v21, $0x1;
	v21 =	vmul.f32 $5.000000000e-01, v21;
	v22 =	vsub.s32 $0x5F3759DF, v22  }
0x23d: {  	v23 =	vsub.s32 $0x5F3759DF, v23;
	v24 =	vmul.f32 v22, v20  }
0x23e: {  	v18 =	vmul.f32 v12, v18;
	v25 =	vmul.f32 v23, v21  }
0x23f: {  	v24 =	vmul.f32 v22, v24  }
0x240: {  	v18 =	vsub.f32 $1.500000000e+00, v18;
	v25 =	vmul.f32 v23, v25  }
0x241: {  	v24 =	vsub.f32 $1.500000000e+00, v24  }
0x242: {  	v12 =	vmul.f32 v12, v18;
	v18 =	vsub.f32 $1.500000000e+00, v25  }
0x243: {  	v22 =	vmul.f32 v22, v24  }
0x244: {  	v24 =	vmul.f32 v12, v19;
	v18 =	vmul.f32 v23, v18  }
0x245: {  	v23 =	vmul.f32 v22, v20  }
0x246: {  	v24 =	vmul.f32 v24, v12;
	v25 =	vmul.f32 v18, v21  }
0x247: {  	v23 =	vmul.f32 v23, v22  }
0x248: {  	v24 =	vsub.f32 $1.500000000e+00, v24;
	v25 =	vmul.f32 v25, v18  }
0x249: {  	v23 =	vsub.f32 $1.500000000e+00, v23  }
0x24a: {  	v12 =	vmul.f32 v24, v12;
	v24 =	vsub.f32 $1.500000000e+00, v25  }
0x24b: {  	v22 =	vmul.f32 v23, v22  }
0x24c: {  	v19 =	vmul.f32 v12, v19;
	v18 =	vmul.f32 v24, v18  }
0x24d: {  	v20 =	vmul.f32 v22, v20  }
0x24e: {  	v19 =	vmul.f32 v19, v12;
	v21 =	vmul.f32 v18, v21  }
0x24f: {  	v20 =	vmul.f32 v20, v22  }
0x250: {  	v19 =	vsub.f32 $1.500000000e+00, v19;
	v21 =	vmul.f32 v21, v18  }
0x251: {  	v20 =	vsub.f32 $1.500000000e+00, v20  }
0x252: {  	v12 =	vmul.f32 v19, v12;
	v19 =	vsub.f32 $1.500000000e+00, v21  }
0x253: {  	v20 =	vmul.f32 v20, v22  }
0x254: {  	v9 =	vmul.f32 v12, v9;
	v12 =	vmul.f32 v19, v18  }
0x255: {  	v4 =	vmul.f32 v20, v4  }
0x256: {  	v9 =	vmax.f32 v9, $9.999999970e-07;
	v12 =	vmul.f32 v12, v14  }
0x257: {  	(erf) = vrcp.f32 v9;
	v4 =	vmax.f32 v4, $9.999999970e-07  }
0x258: {  	v9 =	vmax.f32 v12, $9.999999970e-07;
	(erf) = vrcp.f32 v4  }
0x259: {  	(erf) = vrcp.f32 v9;
	_ =	sdelay $0x6  }
0x25a: {  	v9 =	vpop (erf)  }
0x25b: {  	s5 =	simm.s32 $0x10;
	v12 =	vmul.f32 v9, v17;
	v10 =	vmul.f32 v9, v10;
	v14 =	vpop (erf)  }
0x25c: {  	v4 =	vor.u32 s5, v0;
	v9 =	vmul.f32 v9, v13;
	v11 =	vmul.f32 v14, v11;
	v13 =	vpop (erf)  }
0x25d: {  	v17 =	vshll.u32 v4, $0x3;
	v15 =	vmul.f32 v14, v15;
	v16 =	vmul.f32 v13, v16  }
0x25e: {  	v7 =	vmul.f32 v13, v7;
	v6 =	vmul.f32 v13, v6  }
0x25f: {  	v8 =	vmul.f32 v14, v8;
	v13 =	vmul.f32 v11, v16  }
0x260: {  	v14 =	vor.u32 $0x1, v17;
	v18 =	vmul.f32 v7, v9;
	v19 =	vmul.f32 v6, v10  }
0x261: {  	v21 =	vmul.f32 v6, v12;
	v9 =	vmul.f32 v16, v9  }
0x262: {  	v22 =	vld.idx.msk [tilespmem:v17+s21+$0x0], $0xffff;
	v23 =	vmul.f32 v8, v7;
	v10 =	vmul.f32 v16, v10  }
0x263: {  	v16 =	vld.idx.msk [tilespmem:v17+s29+$0x0], $0xffff;
	v7 =	vmul.f32 v7, v12;
	v12 =	vsub.f32 v18, v19;
	v9 =	vsub.f32 v21, v9  }
0x264: {  	v20 =	vor.u32 $0x2, v17;
	v6 =	vmul.f32 v15, v6;
	v18 =	vld.idx.msk [tilespmem:v17+s0+$0x0], $0xffff;
	v13 =	vadd.f32 v23, v13  }
0x265: {  	v19 =	vld.idx.msk [tilespmem:v14+s21+$0x0], $0xffff;
	v7 =	vsub.f32 v10, v7;
	v10 =	vmul.f32 v11, v12;
	v8 =	vmul.f32 v8, v9  }
0x266: {  	v21 =	vld.idx.msk [tilespmem:v14+s0+$0x0], $0xffff  }
0x267: {  	v23 =	vld.idx.msk [tilespmem:v14+s29+$0x0], $0xffff;
	v6 =	vadd.f32 v13, v6;
	v7 =	vmul.f32 v15, v7;
	v8 =	vadd.f32 v8, v10  }
0x268: {  	v17 =	vld.idx.msk [tilespmem:v17+s28+$0x0], $0xffff  }
0x269: {  	v9 =	vld.idx.msk [tilespmem:v20+s29+$0x0], $0xffff;
	v6 =	vmax.f32 v6, $-1.000000000e+00;
	v10 =	vadd.f32 v8, v7  }
0x26a: {  	v13 =	vld.idx.msk [tilespmem:v20+s0+$0x0], $0xffff;
	v15 =	vmin.f32 v6, $1.000000000e+00  }
0x26b: {  	v8 =	vand.u32 $0x7FFFFFFF, v15;
	v6 =	vand.u32 $0x7FFFFFFF, v10  }
0x26c: {  	v22 =	vsub.f32 v22, v18;
	v7 =	vld.idx.msk [tilespmem:v20+s21+$0x0], $0xffff;
	vm0 =	vgt.f32 v6, v8  }
0x26d: {  	v11 =	vsub.f32 v18, v16;
	v19 =	vsub.f32 v19, v21;
	v20 =	vld.idx.msk [tilespmem:v20+s28+$0x0], $0xffff;
	v24 =	vsel vm0, v6, v8  }
0x26e: {  	v18 =	vld.idx.msk [tilespmem:v14+s28+$0x0], $0xffff;
	v14 =	vsub.f32 v21, v23;
	v17 =	vsub.f32 v16, v17;
	v24 =	vmax.f32 v24, $9.999999910e-38  }
0x26f: {  	v12 =	vsub.f32 v13, v9;
	v21 =	vmul.f32 v11, v11;
	(erf) = vrcp.f32 v24  }
0x270: {  	v25 =	vmul.f32 v14, v14;
	v28 =	vmul.f32 v14, v17  }
0x271: {  	v7 =	vsub.f32 v7, v13;
	v13 =	vmul.f32 v19, v11;
	v19 =	vmul.f32 v19, v12  }
0x272: {  	v9 =	vsub.f32 v9, v20;
	v20 =	vmul.f32 v22, v12;
	v24 =	vmul.f32 v22, v14  }
0x273: {  	v23 =	vsub.f32 v23, v18;
	v18 =	vmul.f32 v7, v14;
	v7 =	vmul.f32 v7, v11  }
0x274: {  	v27 =	vmul.f32 v14, v9;
	v9 =	vmul.f32 v11, v9;
	v16 =	vsub.f32 v13, v24  }
0x275: {  	v13 =	vmul.f32 v12, v17;
	v19 =	vsub.f32 v18, v19;
	v24 =	vsub.f32 v20, v7  }
0x276: {  	v26 =	vmul.f32 v12, v12;
	v21 =	vadd.f32 v25, v21;
	v22 =	vmul.f32 v12, v23  }
0x277: {  	v17 =	vsub.f32 v9, v13;
	v7 =	vmul.f32 v19, v19;
	v13 =	vmul.f32 v24, v24  }
0x278: {  	v6 =	vsel vm0, v8, v6;
	v18 =	vsub.f32 v22, v27;
	v22 =	vmul.f32 v11, v23;
	v8 =	vpop (erf)  }
0x279: {  	v9 =	vmul.f32 v16, v16;
	v7 =	vadd.f32 v13, v7;
	v8 =	vmul.f32 v8, v6  }
0x27a: {  	v21 =	vadd.f32 v26, v21;
	v25 =	vsub.f32 v28, v22  }
0x27b: {  	v20 =	vmul.f32 v17, v17;
	v9 =	vadd.f32 v7, v9;
	v23 =	vmul.f32 v8, v8  }
0x27c: {  	v22 =	vmul.f32 v25, v25;
	v6 =	vmul.f32 v18, v18  }
0x27d: {  	v13 =	vmax.f32 v21, $1.000000000e-30;
	v27 =	vmax.f32 v9, $1.000000000e-30;
	v26 =	vmul.f32 $2.398140030e-03, v23  }
0x27e: {  	v6 =	vadd.f32 v20, v6;
	v20 =	vshrl.u32 v13, $0x1;
	v13 =	vmul.f32 $5.000000000e-01, v13  }
0x27f: {  	v28 =	vshrl.u32 v27, $0x1;
	v20 =	vsub.s32 $0x5F3759DF, v20;
	v7 =	vadd.f32 $-1.415234990e-02, v26  }
0x280: {  	v27 =	vmul.f32 $5.000000000e-01, v27;
	v22 =	vadd.f32 v6, v22;
	v6 =	vmul.f32 v20, v13  }
0x281: {  	v28 =	vsub.s32 $0x5F3759DF, v28;
	v7 =	vmul.f32 v7, v23  }
0x282: {  	v30 =	vmul.f32 v28, v27;
	v26 =	vmax.f32 v22, $1.000000000e-30;
	v6 =	vmul.f32 v20, v6  }
0x283: {  	v29 =	vshrl.u32 v26, $0x1;
	v26 =	vmul.f32 $5.000000000e-01, v26;
	v7 =	vadd.f32 $3.934540970e-02, v7  }
0x284: {  	v30 =	vmul.f32 v28, v30;
	v29 =	vsub.s32 $0x5F3759DF, v29;
	v6 =	vsub.f32 $1.500000000e+00, v6  }
0x285: {  	v31 =	vmul.f32 v29, v26;
	v7 =	vmul.f32 v7, v23  }
0x286: {  	v30 =	vsub.f32 $1.500000000e+00, v30;
	v20 =	vmul.f32 v20, v6  }
0x287: {  	v6 =	vmul.f32 v29, v31;
	v7 =	vadd.f32 $-7.194384190e-02, v7  }
0x288: {  	v28 =	vmul.f32 v28, v30;
	v31 =	vmul.f32 v20, v13  }
0x289: {  	v6 =	vsub.f32 $1.500000000e+00, v6;
	v7 =	vmul.f32 v7, v23  }
0x28a: {  	v30 =	vmul.f32 v31, v20;
	v31 =	vmul.f32 v28, v27  }
0x28b: {  	v29 =	vmul.f32 v29, v6;
	v7 =	vadd.f32 $1.047753920e-01, v7  }
0x28c: {  	v30 =	vsub.f32 $1.500000000e+00, v30;
	v31 =	vmul.f32 v31, v28  }
0x28d: {  	v32 =	vmul.f32 v29, v26;
	v7 =	vmul.f32 v7, v23  }
0x28e: {  	v5 =	vand.u32 v1, v5;
	s5 =	simm.s32 $0x20;
	v20 =	vmul.f32 v30, v20;
	v31 =	vsub.f32 $1.500000000e+00, v31  }
0x28f: {  	v6 =	vor.u32 s5, v0;
	v32 =	vmul.f32 v32, v29;
	v7 =	vadd.f32 $-1.415480670e-01, v7  }
0x290: {  	v33 =	vshll.u32 v6, $0x3;
	v13 =	vmul.f32 v20, v13;
	v28 =	vmul.f32 v31, v28  }
0x291: {  	v32 =	vsub.f32 $1.500000000e+00, v32;
	v7 =	vmul.f32 v7, v23  }
0x292: {  	v13 =	vmul.f32 v13, v20;
	v27 =	vmul.f32 v28, v27  }
0x293: {  	v34 =	vld.idx.msk [tilespmem:v5+s26+$0x0], $0xffff;
	v30 =	vor.u32 $0x1, v33;
	v29 =	vmul.f32 v32, v29;
	v7 =	vadd.f32 $1.998488460e-01, v7  }
0x294: {  	v36 =	vld.idx.msk [tilespmem:v5+s2+$0x0], $0xffff;
	v13 =	vsub.f32 $1.500000000e+00, v13;
	v27 =	vmul.f32 v27, v28  }
0x295: {  	v35 =	vor.u32 $0x2, v33;
	v31 =	vld.idx.msk [tilespmem:v33+s21+$0x0], $0xffff;
	v26 =	vmul.f32 v29, v26;
	v7 =	vmul.f32 v7, v23  }
0x296: {  	v52 =	vld.idx.msk [tilespmem:v33+s29+$0x0], $0xffff;
	v13 =	vmul.f32 v13, v20  }
0x297: {  	v37 =	vld.idx.msk [tilespmem:v33+s0+$0x0], $0xffff;
	v27 =	vsub.f32 $1.500000000e+00, v27;
	v26 =	vmul.f32 v26, v29;
	v7 =	vadd.f32 $-3.333252370e-01, v7  }
0x298: {  	v34 =	vmul.f32 $6.000000000e+00, v34;
	v38 =	vld.idx.msk [tilespmem:v30+s21+$0x0], $0xffff;
	v13 =	vmul.f32 v13, v21  }
0x299: {  	v20 =	vld.idx.msk [tilespmem:v30+s0+$0x0], $0xffff;
	v21 =	vmul.f32 v27, v28;
	v26 =	vsub.f32 $1.500000000e+00, v26;
	v7 =	vmul.f32 v7, v23  }
0x29a: {  	v36 =	vmul.f32 $-6.283185480e+00, v36;
	v40 =	vtrunc.f32 v34;
	v39 =	vld.idx.msk [tilespmem:v35+s29+$0x0], $0xffff;
	v13 =	vmax.f32 v13, $9.999999970e-07  }
0x29b: {  	v41 =	vld.idx.msk [tilespmem:v35+s0+$0x0], $0xffff;
	v9 =	vmul.f32 v21, v9;
	v26 =	vmul.f32 v26, v29;
	v28 =	vadd.f32 $9.999998800e-01, v7  }
0x29c: {  	vm1 =	vlt.f32 v15, $0.0e+00;
	v27 =	vld.idx.msk [tilespmem:v30+s29+$0x0], $0xffff;
	(erf) = vrcp.f32 v13;
	v23 =	vcvt.f32.s32 v40  }
0x29d: {  	v31 =	vsub.f32 v31, v37;
	v13 =	vmul.f32 v26, v22;
	v21 =	vmul.f32 v28, v8  }
0x29e: {  	v29 =	vsub.f32 v38, v20;
	v9 =	vmax.f32 v9, $9.999999970e-07;
	v22 =	vcvt.s32.f32 v23  }
0x29f: {  	(erf) = vrcp.f32 v9;
	v13 =	vmax.f32 v13, $9.999999970e-07;
	v26 =	vsub.f32 $1.570796370e+00, v21  }
0x2a0: {  	v7 =	vsub.f32 v37, v52;
	(erf) = vrcp.f32 v13;
	v22 =	vsub.f32 v34, v22  }
0x2a1: {  	v9 =	vsub.f32 v20, v27;
	v8 =	vsub.f32 v41, v39;
	v26 =	vsel vm0, v26, v21  }
0x2a2: {  	v20 =	vmul.f32 v7, v7;
	vm0 =	vge.f32 v22, $5.000000000e-01;
	v28 =	vsub.f32 $3.141592740e+00, v26  }
0x2a3: {  	v13 =	vmul.f32 v8, v8;
	v15 =	vsel vm0, $0x1, v2;
	vm0 =	vle.f32 v22, $-5.000000000e-01  }
0x2a4: {  	v15 =	vadd.s32 v23, v15;
	v23 =	vsel vm0, $0xFFFFFFFF, v2;
	v26 =	vsel vm1, v28, v26  }
0x2a5: {  	v21 =	vmul.f32 v29, v7;
	v15 =	vadd.s32 v23, v15;
	v28 =	vsub.f32 $0.0e+00, v26  }
0x2a6: {  	v53 =	vpop (erf);
	v22 =	vmul.f32 v31, v9;
	vm0 =	vlt.f32 v10, $0.0e+00;
	v10 =	vcvt.s32.f32 v15  }
0x2a7: {  	v11 =	vmul.f32 v53, v11;
	v14 =	vmul.f32 v53, v14;
	v15 =	vsel vm0, v28, v26  }
0x2a8: {  	v12 =	vmul.f32 v53, v12;
	v26 =	vpop (erf);
	v10 =	vmul.f32 v10, v15  }
0x2a9: {  	v15 =	vmul.f32 v26, v19;
	v16 =	vmul.f32 v26, v16;
	v19 =	vpop (erf)  }
0x2aa: {  	v28 =	vld.idx.msk [tilespmem:v33+s28+$0x0], $0xffff;
	v24 =	vmul.f32 v26, v24;
	v18 =	vmul.f32 v19, v18  }
0x2ab: {  	v26 =	vmul.f32 v19, v17;
	v19 =	vmul.f32 v19, v25;
	v25 =	vld.idx.msk [tilespmem:v30+s28+$0x0], $0xffff;
	v54 =	vadd.f32 v36, v10  }
0x2ac: {  	v23 =	vmul.f32 v9, v9;
	v10 =	vld.idx.msk [tilespmem:v35+s21+$0x0], $0xffff;
	v30 =	vmul.f32 v15, v18  }
0x2ad: {  	v56 =	vmul.f32 v24, v26;
	v55 =	vmul.f32 $6.366197460e-01, v54  }
0x2ae: {  	v57 =	vmul.f32 v18, v14;
	v58 =	vmul.f32 v26, v12  }
0x2af: {  	v14 =	vmul.f32 v19, v14;
	v59 =	vtrunc.f32 v55  }
0x2b0: {  	v60 =	vld.idx.msk [tilespmem:v35+s28+$0x0], $0xffff;
	v12 =	vmul.f32 v18, v12;
	v17 =	vsub.f32 v52, v28;
	v28 =	vcvt.f32.s32 v59  }
0x2b1: {  	v14 =	vsub.f32 v58, v14;
	v61 =	vsub.f32 v10, v41;
	v10 =	vmul.f32 v19, v11  }
0x2b2: {  	v62 =	vsub.f32 v27, v25;
	v11 =	vmul.f32 v26, v11;
	v27 =	vcvt.s32.f32 v28  }
0x2b3: {  	v25 =	vadd.f32 v56, v30;
	v18 =	vmul.f32 v9, v17;
	v10 =	vsub.f32 v10, v12  }
0x2b4: {  	v12 =	vmul.f32 v16, v19;
	v11 =	vsub.f32 v57, v11;
	v19 =	vsub.f32 v55, v27  }
0x2b5: {  	v15 =	vmul.f32 v15, v14;
	v14 =	vsub.f32 v39, v60;
	v10 =	vmul.f32 v24, v10  }
0x2b6: {  	v12 =	vadd.f32 v25, v12;
	v11 =	vmul.f32 v16, v11;
	vm0 =	vge.f32 v19, $5.000000000e-01  }
0x2b7: {  	v10 =	vadd.f32 v10, v15;
	v15 =	vsel vm0, $0x1, v2;
	vm0 =	vle.f32 v19, $-5.000000000e-01  }
0x2b8: {  	v26 =	vmul.f32 v31, v8;
	v15 =	vadd.s32 v28, v15;
	v16 =	vsel vm0, $0xFFFFFFFF, v2  }
0x2b9: {  	v24 =	vmax.f32 v12, $-1.000000000e+00;
	v10 =	vadd.f32 v10, v11;
	v12 =	vadd.s32 v16, v15  }
0x2ba: {  	v30 =	vmul.f32 v61, v7;
	v11 =	vmin.f32 v24, $1.000000000e+00;
	v15 =	vcvt.s32.f32 v12  }
0x2bb: {  	v27 =	vmul.f32 v7, v62;
	v25 =	vand.u32 $0x7FFFFFFF, v11;
	v24 =	vand.u32 $0x7FFFFFFF, v10  }
0x2bc: {  	v19 =	vmul.f32 v61, v9;
	vm0 =	vgt.f32 v24, v25;
	v31 =	vmul.f32 $1.570796370e+00, v15  }
0x2bd: {  	v28 =	vmul.f32 v29, v8;
	v29 =	vmul.f32 v8, v62;
	v16 =	vsel vm0, v24, v25  }
0x2be: {  	v63 =	vmax.f32 v16, $9.999999910e-38;
	v16 =	vmul.f32 $4.371138830e-08, v15;
	v15 =	vsub.f32 v54, v31  }
0x2bf: {  	s4 =	simm.s32 $0x30;
	v31 =	vmul.f32 v9, v14;
	(erf) = vrcp.f32 v63  }
.LBB2_11:
0x2c0: {  	p0 =	sne.s32 s4, $0x7C0;
	v32 =	vmul.f32 v7, v14;
	v14 =	vsub.f32 v21, v22;
	v33 =	vadd.f32 v16, v15  }
0x2c1: {  	v16 =	vmul.f32 v8, v17;
	v19 =	vsub.f32 v19, v28;
	v20 =	vadd.f32 v23, v20  }
0x2c2: {  	v17 =	vsub.f32 v26, v30;
	v15 =	vsub.f32 v29, v31;
	v23 =	vmul.f32 v33, v33  }
0x2c3: {  	v16 =	vsub.f32 v32, v16;
	v21 =	vmul.f32 v19, v19;
	v22 =	vmul.f32 v14, v14  }
0x2c4: {  	v18 =	vsub.f32 v18, v27;
	v26 =	vmul.f32 v17, v17;
	v27 =	vmul.f32 $2.480158760e-05, v23  }
0x2c5: {  	v20 =	vadd.f32 v13, v20;
	v28 =	vmul.f32 v15, v15;
	v29 =	vmul.f32 v16, v16  }
0x2c6: {  	v30 =	vmul.f32 v18, v18;
	v13 =	vadd.f32 $-1.388888920e-03, v27;
	v27 =	vmul.f32 $-1.984127010e-04, v23  }
0x2c7: {  	v26 =	vadd.f32 v26, v21;
	v21 =	vmax.f32 v20, $1.000000000e-30;
	v28 =	vadd.f32 v29, v28  }
0x2c8: {  	v24 =	vsel vm0, v25, v24;
	v25 =	vpop (erf);
	v29 =	vmul.f32 v13, v23;
	v27 =	vadd.f32 $8.333333770e-03, v27  }
0x2c9: {  	v31 =	vshrl.u32 v21, $0x1;
	v32 =	vmul.f32 $5.000000000e-01, v21;
	v13 =	vmul.f32 v25, v24  }
0x2ca: {  	v24 =	vsub.s32 $0x5F3759DF, v31;
	v25 =	vadd.f32 $4.166666790e-02, v29;
	v27 =	vmul.f32 v27, v23  }
0x2cb: {  	v22 =	vadd.f32 v26, v22;
	v21 =	vadd.f32 v28, v30;
	v26 =	vmul.f32 v13, v13  }
0x2cc: {  	v28 =	vmul.f32 v24, v32;
	v25 =	vmul.f32 v25, v23;
	v27 =	vadd.f32 $-1.666666720e-01, v27  }
0x2cd: {  	v30 =	vmax.f32 v22, $1.000000000e-30;
	v29 =	vmax.f32 v21, $1.000000000e-30;
	v31 =	vmul.f32 $2.398140030e-03, v26  }
0x2ce: {  	v28 =	vmul.f32 v24, v28;
	v25 =	vadd.f32 $-5.000000000e-01, v25;
	v27 =	vmul.f32 v27, v23  }
0x2cf: {  	v34 =	vshrl.u32 v30, $0x1;
	v30 =	vmul.f32 $5.000000000e-01, v30;
	v31 =	vadd.f32 $-1.415234990e-02, v31  }
0x2d0: {  	v35 =	vshrl.u32 v29, $0x1;
	v23 =	vmul.f32 v25, v23;
	v25 =	vadd.f32 $1.000000000e+00, v27  }
0x2d1: {  	v27 =	vmul.f32 $5.000000000e-01, v29;
	v29 =	vsub.s32 $0x5F3759DF, v34;
	v31 =	vmul.f32 v31, v26  }
0x2d2: {  	v23 =	vadd.f32 $1.000000000e+00, v23;
	v25 =	vmul.f32 v25, v33;
	v33 =	vand.u32 $0x1, v12  }
0x2d3: {  	v28 =	vsub.f32 $1.500000000e+00, v28;
	v34 =	vsub.s32 $0x5F3759DF, v35;
	vm1 =	veq.s32 v33, $0x0  }
0x2d4: {  	v12 =	vand.u32 $0x3, v12;
	v31 =	vadd.f32 $3.934540970e-02, v31;
	v5 =	vld.idx.msk [tilespmem:v5+s25+$0x0], $0xffff;
	v23 =	vsel vm1, v23, v25  }
0x2d5: {  	v12 =	vadd.s32 $0xFFFFFFFF, v12;
	v25 =	vmul.f32 v29, v30;
	v33 =	vsub.f32 $0.0e+00, v23  }
0x2d6: {  	v35 =	vmul.f32 v34, v27;
	vm1 =	vlt.u32 v12, $0x2;
	v31 =	vmul.f32 v31, v26  }
0x2d7: {  	v24 =	vmul.f32 v24, v28;
	v12 =	vmul.f32 v29, v25;
	v23 =	vsel vm1, v33, v23  }
0x2d8: {  	v25 =	vmul.f32 v34, v35;
	v28 =	vadd.f32 $-7.194384190e-02, v31;
	v23 =	vadd.f32 $1.000000000e+00, v23  }
0x2d9: {  	v31 =	vor.u32 s4, v0;
	v33 =	vmul.f32 v24, v32;
	v12 =	vsub.f32 $1.500000000e+00, v12  }
0x2da: {  	v25 =	vsub.f32 $1.500000000e+00, v25;
	v28 =	vmul.f32 v28, v26;
	v23 =	vmul.f32 v23, v5  }
0x2db: {  	v12 =	vmul.f32 v29, v12;
	v29 =	vmul.f32 v33, v24;
	v5 =	vand.u32 v1, v4;
	v4 =	vmovc v6  }
0x2dc: {  	v25 =	vmul.f32 v34, v25;
	v6 =	vmovc v31;
	v28 =	vadd.f32 $1.047753920e-01, v28;
	v3 =	vadd.f32 v23, v3  }
0x2dd: {  	v31 =	vshll.u32 v6, $0x3;
	v23 =	vmul.f32 v12, v30  }
0x2de: {  	v33 =	vmul.f32 v25, v27;
	v29 =	vsub.f32 $1.500000000e+00, v29;
	v28 =	vmul.f32 v28, v26  }
0x2df: {  	v23 =	vmul.f32 v23, v12  }
0x2e0: {  	v33 =	vmul.f32 v33, v25;
	v24 =	vmul.f32 v29, v24;
	v28 =	vadd.f32 $-1.415480670e-01, v28  }
0x2e1: {  	v34 =	vor.u32 $0x2, v31;
	v29 =	vor.u32 $0x1, v31;
	v23 =	vsub.f32 $1.500000000e+00, v23;
	v35 =	vld.idx.msk [tilespmem:v5+s26+$0x0], $0xffff  }
0x2e2: {  	v33 =	vsub.f32 $1.500000000e+00, v33;
	v32 =	vmul.f32 v24, v32;
	v28 =	vmul.f32 v28, v26;
	v36 =	vld.idx.msk [tilespmem:v5+s2+$0x0], $0xffff  }
0x2e3: {  	v12 =	vmul.f32 v23, v12;
	v37 =	vld.idx.msk [tilespmem:v31+s21+$0x0], $0xffff  }
0x2e4: {  	v23 =	vmul.f32 v33, v25;
	v25 =	vmul.f32 v32, v24;
	v28 =	vadd.f32 $1.998488460e-01, v28;
	v38 =	vld.idx.msk [tilespmem:v31+s29+$0x0], $0xffff  }
0x2e5: {  	v30 =	vmul.f32 v12, v30;
	v32 =	vld.idx.msk [tilespmem:v31+s0+$0x0], $0xffff  }
0x2e6: {  	v27 =	vmul.f32 v23, v27;
	v25 =	vsub.f32 $1.500000000e+00, v25;
	v28 =	vmul.f32 v28, v26;
	v33 =	vld.idx.msk [tilespmem:v29+s21+$0x0], $0xffff  }
0x2e7: {  	v30 =	vmul.f32 v30, v12;
	v35 =	vmul.f32 $6.000000000e+00, v35;
	v39 =	vld.idx.msk [tilespmem:v34+s29+$0x0], $0xffff  }
0x2e8: {  	v27 =	vmul.f32 v27, v23;
	v24 =	vmul.f32 v25, v24;
	v25 =	vadd.f32 $-3.333252370e-01, v28;
	v40 =	vld.idx.msk [tilespmem:v29+s0+$0x0], $0xffff  }
0x2e9: {  	v36 =	vmul.f32 $-6.283185480e+00, v36;
	v30 =	vsub.f32 $1.500000000e+00, v30;
	v41 =	vtrunc.f32 v35;
	v28 =	vld.idx.msk [tilespmem:v34+s0+$0x0], $0xffff  }
0x2ea: {  	v27 =	vsub.f32 $1.500000000e+00, v27;
	v20 =	vmul.f32 v24, v20;
	v24 =	vmul.f32 v25, v26  }
0x2eb: {  	v26 =	vsub.f32 v37, v32;
	v12 =	vmul.f32 v30, v12;
	v30 =	vcvt.f32.s32 v41;
	v25 =	vld.idx.msk [tilespmem:v29+s29+$0x0], $0xffff  }
0x2ec: {  	v23 =	vmul.f32 v27, v23;
	v20 =	vmax.f32 v20, $9.999999970e-07;
	v24 =	vadd.f32 $9.999998800e-01, v24  }
0x2ed: {  	v27 =	vsub.f32 v32, v38;
	v12 =	vmul.f32 v12, v22;
	(erf) = vrcp.f32 v20  }
0x2ee: {  	v32 =	vsub.f32 v33, v40;
	v20 =	vmul.f32 v23, v21;
	v21 =	vmul.f32 v24, v13  }
0x2ef: {  	v13 =	vcvt.s32.f32 v30;
	v24 =	vsub.f32 v28, v39;
	v12 =	vmax.f32 v12, $9.999999970e-07  }
0x2f0: {  	v20 =	vmax.f32 v20, $9.999999970e-07;
	(erf) = vrcp.f32 v12;
	v12 =	vsub.f32 $1.570796370e+00, v21  }
0x2f1: {  	v22 =	vsub.f32 v35, v13;
	v33 =	vsub.f32 v40, v25;
	(erf) = vrcp.f32 v20  }
0x2f2: {  	v13 =	vmul.f32 v24, v24;
	v20 =	vmul.f32 v27, v27;
	v12 =	vsel vm0, v12, v21  }
0x2f3: {  	v21 =	vmul.f32 v32, v27;
	vm0 =	vge.f32 v22, $5.000000000e-01;
	v23 =	vsub.f32 $3.141592740e+00, v12  }
0x2f4: {  	vm1 =	vlt.f32 v11, $0.0e+00;
	v11 =	vsel vm0, $0x1, v2;
	vm0 =	vle.f32 v22, $-5.000000000e-01  }
0x2f5: {  	v11 =	vadd.s32 v30, v11;
	v12 =	vsel vm1, v23, v12;
	v23 =	vsel vm0, $0xFFFFFFFF, v2  }
0x2f6: {  	v22 =	vmul.f32 v26, v33;
	v30 =	vpop (erf);
	v35 =	vsub.f32 $0.0e+00, v12;
	v11 =	vadd.s32 v23, v11  }
0x2f7: {  	vm0 =	vlt.f32 v10, $0.0e+00;
	v23 =	vmul.f32 v33, v33;
	v10 =	vcvt.s32.f32 v11  }
0x2f8: {  	v11 =	vmul.f32 v30, v7;
	v37 =	vmul.f32 v30, v9;
	v7 =	vmovc v27;
	v35 =	vsel vm0, v35, v12  }
0x2f9: {  	v27 =	vmul.f32 v30, v8;
	v8 =	vmov v24;
	v12 =	vld.idx.msk [tilespmem:v31+s28+$0x0], $0xffff;
	v30 =	vpop (erf);
	v10 =	vmul.f32 v10, v35  }
0x2fa: {  	v9 =	vmov v33;
	v24 =	vld.idx.msk [tilespmem:v34+s21+$0x0], $0xffff;
	v19 =	vmul.f32 v30, v19;
	v31 =	vmul.f32 v30, v14;
	v14 =	vpop (erf)  }
0x2fb: {  	v30 =	vmul.f32 v30, v17;
	v29 =	vld.idx.msk [tilespmem:v29+s28+$0x0], $0xffff;
	v15 =	vmul.f32 v14, v15;
	v33 =	vadd.f32 v36, v10  }
0x2fc: {  	v10 =	vmul.f32 v14, v16;
	v14 =	vmul.f32 v14, v18  }
0x2fd: {  	v16 =	vmul.f32 v19, v15;
	v35 =	vmul.f32 $6.366197460e-01, v33  }
0x2fe: {  	v18 =	vmul.f32 v30, v10;
	v36 =	vmul.f32 v15, v37  }
0x2ff: {  	v17 =	vsub.f32 v38, v12;
	v12 =	vmul.f32 v10, v27;
	v34 =	vld.idx.msk [tilespmem:v34+s28+$0x0], $0xffff;
	v38 =	vtrunc.f32 v35  }
0x300: {  	v40 =	vsub.f32 v24, v28;
	v24 =	vmul.f32 v14, v37;
	v28 =	vcvt.f32.s32 v38  }
0x301: {  	v15 =	vmul.f32 v15, v27;
	v29 =	vsub.f32 v25, v29;
	v25 =	vmul.f32 v14, v11  }
0x302: {  	v10 =	vmul.f32 v10, v11;
	v16 =	vadd.f32 v18, v16;
	v11 =	vcvt.s32.f32 v28  }
0x303: {  	v18 =	vmul.f32 v9, v17;
	v12 =	vsub.f32 v12, v24;
	v15 =	vsub.f32 v25, v15  }
0x304: {  	v10 =	vsub.f32 v36, v10;
	v24 =	vmul.f32 v31, v14;
	v11 =	vsub.f32 v35, v11  }
0x305: {  	v12 =	vmul.f32 v19, v12;
	v14 =	vsub.f32 v39, v34;
	v15 =	vmul.f32 v30, v15  }
0x306: {  	v10 =	vmul.f32 v31, v10;
	v16 =	vadd.f32 v16, v24;
	vm0 =	vge.f32 v11, $5.000000000e-01  }
0x307: {  	v12 =	vadd.f32 v15, v12;
	v15 =	vsel vm0, $0x1, v2;
	vm0 =	vle.f32 v11, $-5.000000000e-01  }
0x308: {  	v27 =	vmul.f32 v7, v29;
	v11 =	vadd.s32 v28, v15;
	v15 =	vsel vm0, $0xFFFFFFFF, v2  }
0x309: {  	v16 =	vmax.f32 v16, $-1.000000000e+00;
	v10 =	vadd.f32 v12, v10;
	v12 =	vadd.s32 v15, v11  }
0x30a: {  	v19 =	vmul.f32 v40, v9;
	v11 =	vmin.f32 v16, $1.000000000e+00;
	v16 =	vcvt.s32.f32 v12  }
.Ltmp4:
0x30b: {  	v28 =	vmul.f32 v32, v8;
	v24 =	vand.u32 $0x7FFFFFFF, v10;
	v25 =	vand.u32 $0x7FFFFFFF, v11;
	(pc) =	sbr.rel @p0 .LBB2_11-.Ltmp4, $4  }
0x30c: {  	v26 =	vmul.f32 v26, v8;
	vm0 =	vgt.f32 v24, v25;
	v15 =	vmul.f32 $1.570796370e+00, v16  }
0x30d: {  	v29 =	vmul.f32 v8, v29;
	v30 =	vmul.f32 v40, v7;
	v31 =	vsel vm0, v24, v25  }
0x30e: {  	v16 =	vmul.f32 $4.371138830e-08, v16;
	v32 =	vmax.f32 v31, $9.999999910e-38;
	v15 =	vsub.f32 v33, v15  }
0x30f: {  	s4 =	sadd.s32 $0x10, s4;
	v31 =	vmul.f32 v9, v14;
	(erf) = vrcp.f32 v32  }
0x310: {  	v14 =	vmul.f32 v7, v14  }
0x311: {  	v21 =	vsub.f32 v21, v22;
	v17 =	vmul.f32 v8, v17;
	v19 =	vsub.f32 v19, v28  }
0x312: {  	v20 =	vadd.f32 v23, v20;
	v60 =	vsub.f32 v26, v30  }
0x313: {  	v61 =	vsub.f32 v29, v31;
	v14 =	vsub.f32 v14, v17  }
0x314: {  	v18 =	vsub.f32 v18, v27;
	v62 =	vmul.f32 v19, v19;
	v26 =	vmul.f32 v60, v60  }
0x315: {  	v13 =	vadd.f32 v13, v20;
	v63 =	vmul.f32 v61, v61;
	v32 =	vmul.f32 v14, v14  }
0x316: {  	v33 =	vmul.f32 v21, v21;
	v17 =	vadd.f32 v26, v62  }
0x317: {  	v34 =	vmul.f32 v18, v18;
	v35 =	vmax.f32 v13, $1.000000000e-30;
	v27 =	vadd.f32 v32, v63  }
0x318: {  	v36 =	vshrl.u32 v35, $0x1;
	v28 =	vmul.f32 $5.000000000e-01, v35;
	v17 =	vadd.f32 v17, v33  }
0x319: {  	v37 =	vsub.s32 $0x5F3759DF, v36;
	v26 =	vadd.f32 v27, v34  }
0x31a: {  	v38 =	vmul.f32 v37, v28;
	v39 =	vmax.f32 v17, $1.000000000e-30  }
0x31b: {  	v41 =	vshrl.u32 v39, $0x1;
	v29 =	vmul.f32 $5.000000000e-01, v39;
	v40 =	vmax.f32 v26, $1.000000000e-30  }
0x31c: {  	v31 =	vsub.s32 $0x5F3759DF, v41;
	v32 =	vshrl.u32 v40, $0x1;
	v30 =	vmul.f32 $5.000000000e-01, v40  }
0x31d: {  	v33 =	vmul.f32 v31, v29;
	v32 =	vsub.s32 $0x5F3759DF, v32  }
0x31e: {  	v27 =	vmul.f32 v37, v38;
	v34 =	vmul.f32 v32, v30  }
0x31f: {  	v33 =	vmul.f32 v31, v33  }
0x320: {  	v27 =	vsub.f32 $1.500000000e+00, v27;
	v34 =	vmul.f32 v32, v34  }
0x321: {  	v33 =	vsub.f32 $1.500000000e+00, v33  }
0x322: {  	v20 =	vmul.f32 v37, v27;
	v42 =	vsub.f32 $1.500000000e+00, v34  }
0x323: {  	v31 =	vmul.f32 v31, v33  }
0x324: {  	v43 =	vmul.f32 v20, v28;
	v27 =	vmul.f32 v32, v42  }
0x325: {  	v44 =	vmul.f32 v31, v29  }
0x326: {  	v33 =	vmul.f32 v43, v20;
	v45 =	vmul.f32 v27, v30  }
0x327: {  	v32 =	vmul.f32 v44, v31  }
0x328: {  	v33 =	vsub.f32 $1.500000000e+00, v33;
	v34 =	vmul.f32 v45, v27  }
0x329: {  	v32 =	vsub.f32 $1.500000000e+00, v32  }
0x32a: {  	v20 =	vmul.f32 v33, v20;
	v46 =	vsub.f32 $1.500000000e+00, v34  }
0x32b: {  	v31 =	vmul.f32 v32, v31  }
0x32c: {  	v28 =	vmul.f32 v20, v28;
	v27 =	vmul.f32 v46, v27  }
0x32d: {  	v29 =	vmul.f32 v31, v29  }
0x32e: {  	v28 =	vmul.f32 v28, v20;
	v30 =	vmul.f32 v27, v30  }
0x32f: {  	v29 =	vmul.f32 v29, v31  }
0x330: {  	v28 =	vsub.f32 $1.500000000e+00, v28;
	v30 =	vmul.f32 v30, v27  }
0x331: {  	v29 =	vsub.f32 $1.500000000e+00, v29  }
0x332: {  	v20 =	vmul.f32 v28, v20;
	v47 =	vsub.f32 $1.500000000e+00, v30  }
0x333: {  	v29 =	vmul.f32 v29, v31  }
0x334: {  	v13 =	vmul.f32 v20, v13;
	v48 =	vmul.f32 v47, v27  }
0x335: {  	v17 =	vmul.f32 v29, v17  }
0x336: {  	v13 =	vmax.f32 v13, $9.999999970e-07;
	v20 =	vmul.f32 v48, v26  }
0x337: {  	(erf) = vrcp.f32 v13;
	v49 =	vmax.f32 v17, $9.999999970e-07  }
0x338: {  	(erf) = vrcp.f32 v49;
	v50 =	vmax.f32 v20, $9.999999970e-07  }
0x339: {  	(erf) = vrcp.f32 v50;
	_ =	sdelay $0x5  }
0x33a: {  	v51 =	vpop (erf)  }
0x33b: {  	v52 =	vpop (erf)  }
0x33c: {  	v53 =	vmul.f32 v52, v7;
	v9 =	vmul.f32 v52, v9;
	v54 =	vpop (erf)  }
0x33d: {  	v55 =	vmul.f32 v52, v8;
	v56 =	vmul.f32 v54, v19;
	v57 =	vpop (erf)  }
0x33e: {  	v21 =	vmul.f32 v54, v21;
	v23 =	vmul.f32 v57, v61  }
0x33f: {  	v14 =	vmul.f32 v57, v14;
	v18 =	vmul.f32 v57, v18  }
0x340: {  	v58 =	vmul.f32 v54, v60;
	v59 =	vmul.f32 v56, v23  }
0x341: {  	v60 =	vmul.f32 v14, v55;
	v61 =	vmul.f32 v18, v9  }
0x342: {  	v62 =	vmul.f32 v18, v53;
	v8 =	vmul.f32 v23, v55  }
0x343: {  	v63 =	vmul.f32 v58, v14;
	v9 =	vmul.f32 v23, v9  }
0x344: {  	v7 =	vmul.f32 v14, v53;
	v31 =	vsub.f32 v60, v61;
	v8 =	vsub.f32 v62, v8  }
0x345: {  	v18 =	vmul.f32 v21, v18;
	v20 =	vadd.f32 v63, v59  }
0x346: {  	v7 =	vsub.f32 v9, v7;
	v32 =	vmul.f32 v56, v31;
	v8 =	vmul.f32 v58, v8;
	_ =	sdelay $0x1  }
0x347: {  	v33 =	vadd.f32 v20, v18;
	v7 =	vmul.f32 v21, v7;
	v8 =	vadd.f32 v8, v32;
	_ =	sdelay $0x1  }
0x348: {  	v34 =	vmax.f32 v33, $-1.000000000e+00;
	v7 =	vadd.f32 v8, v7  }
0x349: {  	v35 =	vmin.f32 v34, $1.000000000e+00  }
0x34a: {  	v37 =	vand.u32 $0x7FFFFFFF, v35;
	v36 =	vand.u32 $0x7FFFFFFF, v7  }
0x34b: {  	vm1 =	vgt.f32 v36, v37  }
0x34c: {  	v38 =	vsel vm1, v36, v37  }
0x34d: {  	v17 =	vmax.f32 v38, $9.999999910e-38  }
0x34e: {  	(erf) = vrcp.f32 v17;
	_ =	sdelay $0x2  }
0x34f: {  	v39 =	vsel vm0, v25, v24  }
0x350: {  	v13 =	vmul.f32 v51, v39;
	_ =	sdelay $0x1  }
0x351: {  	v17 =	vmul.f32 v13, v13;
	_ =	sdelay $0x1  }
0x352: {  	v40 =	vmul.f32 $2.398140030e-03, v17  }
0x353: {  	v9 =	vsel vm1, v37, v36;
	v41 =	vpop (erf)  }
0x354: {  	v18 =	vadd.f32 $-1.415234990e-02, v40;
	v9 =	vmul.f32 v41, v9;
	_ =	sdelay $0x1  }
0x355: {  	v42 =	vmul.f32 v18, v17;
	v43 =	vmul.f32 v9, v9;
	_ =	sdelay $0x1  }
0x356: {  	v14 =	vadd.f32 $3.934540970e-02, v42;
	v44 =	vmul.f32 $2.398140030e-03, v43;
	_ =	sdelay $0x1  }
0x357: {  	v14 =	vmul.f32 v14, v17;
	v19 =	vadd.f32 $-1.415234990e-02, v44;
	_ =	sdelay $0x1  }
0x358: {  	v14 =	vadd.f32 $-7.194384190e-02, v14;
	v19 =	vmul.f32 v19, v43;
	_ =	sdelay $0x1  }
0x359: {  	v14 =	vmul.f32 v14, v17;
	v19 =	vadd.f32 $3.934540970e-02, v19;
	_ =	sdelay $0x1  }
0x35a: {  	v14 =	vadd.f32 $1.047753920e-01, v14;
	v19 =	vmul.f32 v19, v43;
	_ =	sdelay $0x1  }
0x35b: {  	v14 =	vmul.f32 v14, v17;
	v19 =	vadd.f32 $-7.194384190e-02, v19;
	_ =	sdelay $0x1  }
0x35c: {  	v14 =	vadd.f32 $-1.415480670e-01, v14;
	v19 =	vmul.f32 v19, v43;
	_ =	sdelay $0x1  }
0x35d: {  	v4 =	vand.u32 v1, v4;
	v14 =	vmul.f32 v14, v17;
	v19 =	vadd.f32 $1.047753920e-01, v19;
	_ =	sdelay $0x1  }
0x35e: {  	v14 =	vadd.f32 $1.998488460e-01, v14;
	v19 =	vmul.f32 v19, v43;
	_ =	sdelay $0x1  }
0x35f: {  	v6 =	vand.u32 v1, v6;
	v14 =	vmul.f32 v14, v17;
	v19 =	vadd.f32 $-1.415480670e-01, v19  }
0x360: {  	v45 =	vld.idx.msk [tilespmem:v4+s26+$0x0], $0xffff  }
0x361: {  	v14 =	vadd.f32 $-3.333252370e-01, v14;
	v19 =	vmul.f32 v19, v43;
	_ =	sdelay $0x1  }
0x362: {  	v14 =	vmul.f32 v14, v17;
	v46 =	vadd.f32 $1.998488460e-01, v19  }
0x363: {  	v47 =	vld.idx.msk [tilespmem:v6+s26+$0x0], $0xffff  }
0x364: {  	v20 =	vmul.f32 $6.000000000e+00, v45;
	v14 =	vadd.f32 $9.999998800e-01, v14;
	v17 =	vmul.f32 v46, v43;
	_ =	sdelay $0x1  }
0x365: {  	v49 =	vtrunc.f32 v20;
	v13 =	vmul.f32 v14, v13;
	v50 =	vadd.f32 $-3.333252370e-01, v17  }
0x366: {  	v48 =	vld.idx.msk [tilespmem:v4+s2+$0x0], $0xffff;
	v22 =	vcvt.f32.s32 v49  }
0x367: {  	v52 =	vsub.f32 $1.570796370e+00, v13;
	v19 =	vmul.f32 $6.000000000e+00, v47;
	v14 =	vmul.f32 v50, v43  }
0x368: {  	vm11 =	vlt.f32 v11, $0.0e+00;
	v51 =	vcvt.s32.f32 v22  }
0x369: {  	v13 =	vsel vm0, v52, v13;
	v54 =	vtrunc.f32 v19;
	v14 =	vadd.f32 $9.999998800e-01, v14  }
0x36a: {  	v55 =	vsub.f32 $3.141592740e+00, v13;
	v17 =	vsub.f32 v20, v51;
	v20 =	vcvt.f32.s32 v54  }
0x36b: {  	vm13 =	vlt.f32 v10, $0.0e+00;
	v53 =	vmul.f32 $-6.283185480e+00, v48;
	v9 =	vmul.f32 v14, v9  }
0x36c: {  	vm15 =	vlt.f32 v35, $0.0e+00;
	v11 =	vsel vm11, v55, v13;
	v57 =	vcvt.s32.f32 v20  }
0x36d: {  	vm10 =	vge.f32 v17, $5.000000000e-01;
	vm12 =	vle.f32 v17, $-5.000000000e-01;
	v59 =	vsub.f32 $1.570796370e+00, v9  }
0x36e: {  	v60 =	vsub.f32 $0.0e+00, v11;
	v56 =	vsel vm10, $0x1, v2;
	v13 =	vsub.f32 v19, v57  }
0x36f: {  	v17 =	vsel vm12, $0xFFFFFFFF, v2;
	v58 =	vadd.s32 v22, v56;
	v9 =	vsel vm1, v59, v9  }
0x370: {  	v14 =	vadd.s32 v17, v58;
	vm14 =	vge.f32 v13, $5.000000000e-01;
	v62 =	vsub.f32 $3.141592740e+00, v9  }
0x371: {  	v63 =	vld.idx.msk [tilespmem:v6+s2+$0x0], $0xffff;
	vm4 =	vle.f32 v13, $-5.000000000e-01;
	v61 =	vcvt.s32.f32 v14;
	v19 =	vsel vm14, $0x1, v2  }
0x372: {  	v13 =	vsel vm4, $0xFFFFFFFF, v2;
	v8 =	vadd.s32 v20, v19;
	v9 =	vsel vm15, v62, v9  }
0x373: {  	v11 =	vsel vm13, v60, v11;
	v8 =	vadd.s32 v13, v8;
	v21 =	vsub.f32 $0.0e+00, v9  }
0x374: {  	vm5 =	vlt.f32 v7, $0.0e+00;
	v10 =	vmul.f32 v61, v11;
	v22 =	vcvt.s32.f32 v8  }
0x375: {  	v9 =	vsel vm5, v21, v9  }
0x376: {  	v24 =	vmul.f32 $-6.283185480e+00, v63;
	v23 =	vadd.f32 v53, v10;
	v7 =	vmul.f32 v22, v9;
	_ =	sdelay $0x1  }
0x377: {  	v25 =	vmul.f32 $6.366197460e-01, v23;
	v7 =	vadd.f32 v24, v7;
	_ =	sdelay $0x1  }
0x378: {  	v26 =	vtrunc.f32 v25;
	v27 =	vmul.f32 $6.366197460e-01, v7  }
0x379: {  	v10 =	vcvt.f32.s32 v26  }
0x37a: {  	v29 =	vtrunc.f32 v27  }
0x37b: {  	v28 =	vcvt.s32.f32 v10;
	v14 =	vcvt.f32.s32 v29;
	_ =	sdelay $0x1  }
0x37c: {  	v9 =	vsub.f32 v25, v28;
	v30 =	vcvt.s32.f32 v14  }
0x37d: {  	v15 =	vadd.f32 v16, v15  }
0x37e: {  	vm6 =	vge.f32 v9, $5.000000000e-01;
	v32 =	vsub.f32 v27, v30  }
0x37f: {  	v16 =	vmul.f32 v15, v15;
	vm7 =	vle.f32 v9, $-5.000000000e-01;
	v31 =	vsel vm6, $0x1, v2  }
0x380: {  	v33 =	vsel vm7, $0xFFFFFFFF, v2;
	v10 =	vadd.s32 v10, v31;
	vm8 =	vge.f32 v32, $5.000000000e-01  }
0x381: {  	v10 =	vadd.s32 v33, v10;
	vm9 =	vle.f32 v32, $-5.000000000e-01;
	v35 =	vsel vm8, $0x1, v2  }
0x382: {  	v11 =	vcvt.s32.f32 v10;
	v37 =	vsel vm9, $0xFFFFFFFF, v2;
	v36 =	vadd.s32 v14, v35  }
0x383: {  	v34 =	vmul.f32 $2.480158760e-05, v16;
	v9 =	vadd.s32 v37, v36  }
0x384: {  	v38 =	vmul.f32 $1.570796370e+00, v11;
	v40 =	vcvt.s32.f32 v9  }
0x385: {  	v39 =	vmul.f32 $-1.984127010e-04, v16;
	v13 =	vadd.f32 $-1.388888920e-03, v34  }
0x386: {  	v11 =	vmul.f32 $4.371138830e-08, v11;
	v8 =	vsub.f32 v23, v38;
	v41 =	vmul.f32 $1.570796370e+00, v40  }
0x387: {  	v13 =	vmul.f32 v13, v16;
	v14 =	vadd.f32 $8.333333770e-03, v39  }
0x388: {  	v8 =	vadd.f32 v11, v8;
	v43 =	vmul.f32 $4.371138830e-08, v40;
	v7 =	vsub.f32 v7, v41  }
0x389: {  	v13 =	vadd.f32 $4.166666790e-02, v13;
	v42 =	vmul.f32 v14, v16  }
0x38a: {  	v44 =	vmul.f32 v8, v8;
	v7 =	vadd.f32 v43, v7  }
0x38b: {  	v13 =	vmul.f32 v13, v16;
	v11 =	vadd.f32 $-1.666666720e-01, v42  }
0x38c: {  	v52 =	vand.u32 $0x3, v12;
	v45 =	vmul.f32 $2.480158760e-05, v44;
	v46 =	vmul.f32 v7, v7  }
0x38d: {  	v13 =	vadd.f32 $-5.000000000e-01, v13;
	v47 =	vmul.f32 $-1.984127010e-04, v44;
	v11 =	vmul.f32 v11, v16  }
0x38e: {  	v51 =	vand.u32 $0x1, v12;
	v14 =	vadd.f32 $-1.388888920e-03, v45;
	v48 =	vmul.f32 $2.480158760e-05, v46  }
0x38f: {  	v13 =	vmul.f32 v13, v16;
	v16 =	vadd.f32 $8.333333770e-03, v47;
	v11 =	vadd.f32 $1.000000000e+00, v11  }
0x390: {  	v14 =	vmul.f32 v14, v44;
	v50 =	vmul.f32 $-1.984127010e-04, v46;
	v49 =	vadd.f32 $-1.388888920e-03, v48  }
0x391: {  	v12 =	vadd.s32 $0xFFFFFFFF, v52;
	v16 =	vmul.f32 v16, v44;
	v11 =	vmul.f32 v11, v15  }
0x392: {  	v14 =	vadd.f32 $4.166666790e-02, v14;
	v19 =	vadd.f32 $8.333333770e-03, v50;
	v15 =	vmul.f32 v49, v46  }
0x393: {  	vm10 =	veq.s32 v51, $0x0;
	v13 =	vadd.f32 $1.000000000e+00, v13;
	v16 =	vadd.f32 $-1.666666720e-01, v16  }
0x394: {  	v14 =	vmul.f32 v14, v44;
	v54 =	vmul.f32 v19, v46;
	v53 =	vadd.f32 $4.166666790e-02, v15  }
0x395: {  	vm11 =	vlt.u32 v12, $0x2;
	v11 =	vsel vm10, v13, v11;
	v16 =	vmul.f32 v16, v44  }
0x396: {  	v14 =	vadd.f32 $-5.000000000e-01, v14;
	v15 =	vadd.f32 $-1.666666720e-01, v54;
	v13 =	vmul.f32 v53, v46  }
0x397: {  	v58 =	vand.u32 $0x1, v10;
	v10 =	vand.u32 $0x3, v10;
	v57 =	vadd.f32 $1.000000000e+00, v16  }
0x398: {  	v56 =	vmul.f32 v14, v44;
	v15 =	vmul.f32 v15, v46;
	v13 =	vadd.f32 $-5.000000000e-01, v13  }
0x399: {  	vm12 =	veq.s32 v58, $0x0;
	v10 =	vadd.s32 $0xFFFFFFFF, v10;
	v8 =	vmul.f32 v57, v8  }
0x39a: {  	v12 =	vadd.f32 $1.000000000e+00, v56;
	v59 =	vadd.f32 $1.000000000e+00, v15;
	v13 =	vmul.f32 v13, v46  }
0x39b: {  	v5 =	vld.idx.msk [tilespmem:v5+s25+$0x0], $0xffff;
	vm14 =	vlt.u32 v10, $0x2;
	v61 =	vand.u32 $0x1, v9;
	v55 =	vsub.f32 $0.0e+00, v11  }
0x39c: {  	v8 =	vsel vm12, v12, v8;
	v7 =	vmul.f32 v59, v7;
	v60 =	vadd.f32 $1.000000000e+00, v13  }
0x39d: {  	v4 =	vld.idx.msk [tilespmem:v4+s25+$0x0], $0xffff;
	vm13 =	veq.s32 v61, $0x0;
	v11 =	vsel vm11, v55, v11;
	v62 =	vsub.f32 $0.0e+00, v8  }
0x39e: {  	v9 =	vand.u32 $0x3, v9;
	v11 =	vadd.f32 $1.000000000e+00, v11;
	v7 =	vsel vm13, v60, v7  }
0x39f: {  	v6 =	vld.idx.msk [tilespmem:v6+s25+$0x0], $0xffff;
	v9 =	vadd.s32 $0xFFFFFFFF, v9;
	v8 =	vsel vm14, v62, v8;
	v63 =	vsub.f32 $0.0e+00, v7  }
0x3a0: {  	s1 =	sadd.s32 $0x1, s1;
	vm15 =	vlt.u32 v9, $0x2;
	v5 =	vmul.f32 v11, v5;
	v8 =	vadd.f32 $1.000000000e+00, v8  }
0x3a1: {  	p0 =	sne.s32 s1, $0x19;
	v7 =	vsel vm15, v63, v7  }
.Ltmp5:
0x3a2: {  	v3 =	vadd.f32 v5, v3;
	v4 =	vmul.f32 v8, v4;
	v5 =	vadd.f32 $1.000000000e+00, v7;
	(pc) =	sbr.rel @p0 .LBB2_10-.Ltmp5, $3  }
0x3a3: {  	_ = 	snop  }
0x3a4: {  	v3 =	vadd.f32 v4, v3;
	v4 =	vmul.f32 v5, v6;
	_ =	sdelay $0x1  }
0x3a5: {  	v3 =	vadd.f32 v4, v3  }
0x3a6: {  	_ = 	snop  }
0x3a7: {  	s1 =	simm.s32 $0x0;
	s4 =	rddreg [dreg:$0x4];
	s5 =	simm.s32 $0x130B0;
	[tilespmem:$0x130B0] =	vst v3  }
0x3a8: {  	[hbm4b:s4+s1] =	stream.linear.scatter [tilespmem:s5], [sflag:$0x2], $0x10, $0x38;
	[tilespmem:$0x130C0] =	vst v63  }
0x3a9: {  	_ =	swait.ge [sflag:s23], $0x10  }
0x3aa: {  	s5 =	rddreg [dreg:$0x6]  }
0x3ab: {  	s22 =	rddreg [dreg:$0x5];
	s4 =	sadd.s32 $0x1, s5  }
0x3ac: {  	p0 =	sne.s32 s4, s22  }
.Ltmp6:
0x3ad: {  	_ = 	snop;
	(pc) =	sbr.rel @p0 .LBB2_1-.Ltmp6, $3  }
0x3ae: {  	_ =	sdelay $0x1  }
0x3af: {  	[sflag:s23] =	ssyncset.done $0x0  }
0x3b0: {  	[sflag:s23] =	ssyncadd.s32 $0xFFFFFFF0  }
0x3b1: {  	_ =	sfence.sel $0x180000  }
0x3b2: {  	[bflag:$0x0] =	sbarrier.arrive $0xFFFF  }
0x3b3: {  	_ =	strace $0x90000047  }
0x3b4: {  	s0 =	stileid.u32;
	[bflag:$0x2] =	sbarrier.arrive $0xFFFF  }
0x3b5: {  	p0 =	sne.s32 s0, $0x0;
	s0 =	rddreg [dreg:$0x1]  }
0x3b6: {  	s0 =	sadd.s32 @!p0 $0x100000, s0  }
0x3b7: {  	[sflag:s0] =	ssyncadd.tile.s32 @!p0 $0x1;
	_ =	shalt  }
.Lfunc_end2:
_tile_overlayer_lowered:
.L_overlay_start_2:
0x3b8: {  	(tag) =	ssettag $0x2  }
0x3b9: {  	s0 =	rddreg [dreg:$0x0];
	s2 =	stileid.u32  }
0x3ba: {  	s1 =	rddreg [dreg:$0x1];
	p0 =	sne.s32 s2, $0x0  }
0x3bb: {  	s3 =	rddreg [dreg:$0x2];
	[bflag:$0x3] =	sbarrier.arrive $0xFFFF;
	s2 =	simm.s32 @!p0 $0x1C02  }
0x3bc: {  	[timem:s3], [sflag:s2] =	dma.local @!p0 [hbm:s0], s1  }
0x3bd: {  	s0 =	simm.s32 @!p0 $0x2  }
0x3be: {  	_ =	swait.ge @!p0 [sflag:s0], s1  }
0x3bf: {  	s1 =	ssub.s32 @!p0 $0x0, s1;
	[sflag:s0] =	ssyncset.done @!p0 $0x0  }
0x3c0: {  	[sflag:s0] =	ssyncadd.s32 @!p0 s1  }
0x3c1: {  	[bflag:$0x3] =	sbarrier.arrive $0xFFFF  }
0x3c2: {  	_ =	shalt  }

</sc_bundles>
